<compile_context>
chip_gen: v7x
topology: tpu7x:2x2x1
jax: 0.10.2.dev20260603
libtpu: 0.0.44.dev20260713+nightly
codegen_flags: <defaults>
</compile_context>

<pallas_src>
import functools

import jax
import jax.numpy as jnp
from jax import lax
from jax.experimental import pallas as pl
from jax.experimental.pallas import tpu as pltpu
from jax.experimental.pallas import tpu_sc as plsc

N = 10000
D = 128
R = 3
E = 320000
K = 128
NC = 2
NS = 16
NW = NC * NS
CH = 79
EPAD = NW * CH * K
NP = 10240
SEG = NP // NS
FCH = SEG // K
DEGW = 128


def _sc_segment_sums(x, srcs, dsts, zacc):
  mesh = plsc.VectorSubcoreMesh(core_axis_name="c", subcore_axis_name="s")

  @functools.partial(
      pl.kernel,
      out_type=jax.ShapeDtypeStruct((R, NC, NP, D), jnp.float32),
      mesh=mesh,
      scratch_types=[
          pltpu.VMEM_SHARED((NP, D), jnp.float32),
          pltpu.VMEM((K,), jnp.int32),
          pltpu.VMEM((K,), jnp.int32),
          pltpu.VMEM((K, D), jnp.float32),
          pltpu.SemaphoreType.DMA,
      ],
  )
  def k(x_hbm, src_hbm, dst_hbm, zacc_hbm,
        agg_hbm,
        acc_sh, src_v, dst_v, rows_v, sem):
    c = lax.axis_index("c")
    s = lax.axis_index("s")
    w = c * NS + s
    base = s * SEG

    for r in range(R):
      pltpu.sync_copy(zacc_hbm, rows_v)
      for t in range(FCH):
        pltpu.sync_copy(rows_v, acc_sh.at[pl.ds(base + t * K, K)])
      plsc.subcore_barrier()

      @pl.loop(0, CH)
      def _(t):
        e0 = r * EPAD + (w * CH + t) * K
        pltpu.sync_copy(src_hbm.at[pl.ds(e0, K)], src_v)
        pltpu.sync_copy(dst_hbm.at[pl.ds(e0, K)], dst_v)
        pltpu.async_copy(x_hbm.at[src_v], rows_v, sem).wait()
        pltpu.sync_copy(rows_v, acc_sh.at[dst_v], add=True)

      plsc.subcore_barrier()
      for t in range(FCH):
        pltpu.sync_copy(acc_sh.at[pl.ds(base + t * K, K)], rows_v)
        pltpu.sync_copy(rows_v, agg_hbm.at[r, c, pl.ds(base + t * K, K)])
      plsc.subcore_barrier()

  return k(x, srcs, dsts, zacc)


def _sc_degrees(dsts, zdeg, ones):
  mesh = plsc.VectorSubcoreMesh(core_axis_name="c", subcore_axis_name="s")

  @functools.partial(
      pl.kernel,
      out_type=jax.ShapeDtypeStruct((R, NC, NP, DEGW), jnp.float32),
      mesh=mesh,
      scratch_types=[
          pltpu.VMEM_SHARED((NP, DEGW), jnp.float32),
          pltpu.VMEM((K,), jnp.int32),
          pltpu.VMEM((K, DEGW), jnp.float32),
      ],
  )
  def k(dst_hbm, zdeg_hbm, ones_hbm,
        deg_hbm,
        deg_sh, dst_v, deg1_v):
    c = lax.axis_index("c")
    s = lax.axis_index("s")
    w = c * NS + s
    base = s * SEG

    for r in range(R):
      pltpu.sync_copy(zdeg_hbm, deg1_v)
      for t in range(FCH):
        pltpu.sync_copy(deg1_v, deg_sh.at[pl.ds(base + t * K, K)])
      pltpu.sync_copy(ones_hbm, deg1_v)
      plsc.subcore_barrier()

      @pl.loop(0, CH)
      def _(t):
        e0 = r * EPAD + (w * CH + t) * K
        pltpu.sync_copy(dst_hbm.at[pl.ds(e0, K)], dst_v)
        pltpu.sync_copy(deg1_v, deg_sh.at[dst_v], add=True)

      plsc.subcore_barrier()
      for t in range(FCH):
        pltpu.sync_copy(deg_sh.at[pl.ds(base + t * K, K)], deg1_v)
        pltpu.sync_copy(deg1_v, deg_hbm.at[r, c, pl.ds(base + t * K, K)])
      plsc.subcore_barrier()

  return k(dsts, zdeg, ones)


def _tc_combine(x, agg, deg, wlt, wrt, bls):
  B = 1000

  def body(x_ref, agg_ref, deg_ref, wlt_ref, wrt_ref, bl_ref, o_ref):
    acc = jnp.dot(x_ref[...], wrt_ref[...],
                  preferred_element_type=jnp.float32,
                  precision=lax.Precision.HIGHEST) + bl_ref[...]
    for r in range(R):
      aggr = agg_ref[r, 0] + agg_ref[r, 1]
      degr = deg_ref[r, 0, :, 0:1] + deg_ref[r, 1, :, 0:1]
      mean = aggr / jnp.maximum(degr, 1.0)
      acc = acc + jnp.dot(mean, wlt_ref[r],
                          preferred_element_type=jnp.float32,
                          precision=lax.Precision.HIGHEST)
    o_ref[...] = acc

  return pl.pallas_call(
      body,
      grid=(N // B,),
      in_specs=[
          pl.BlockSpec((B, D), lambda i: (i, 0)),
          pl.BlockSpec((R, NC, B, D), lambda i: (0, 0, i, 0)),
          pl.BlockSpec((R, NC, B, DEGW), lambda i: (0, 0, i, 0)),
          pl.BlockSpec((R, D, D), lambda i: (0, 0, 0)),
          pl.BlockSpec((D, D), lambda i: (0, 0)),
          pl.BlockSpec((1, D), lambda i: (0, 0)),
      ],
      out_specs=pl.BlockSpec((B, D), lambda i: (i, 0)),
      out_shape=jax.ShapeDtypeStruct((N, D), jnp.float32),
  )(x, agg, deg, wlt, wrt, bls)


def kernel(x, edge_indices, Wl0, bl0, Wr0, Wl1, bl1, Wr1, Wl2, bl2, Wr2):
  pad = EPAD - E
  srcs = jnp.pad(edge_indices[:, 0, :], ((0, 0), (0, pad))).reshape(R * EPAD)
  dsts = jnp.pad(edge_indices[:, 1, :], ((0, 0), (0, pad)),
                 constant_values=N).reshape(R * EPAD)
  zacc = jnp.zeros((K, D), jnp.float32)
  zdeg = jnp.zeros((K, DEGW), jnp.float32)
  ones = jnp.ones((K, DEGW), jnp.float32)
  agg = _sc_segment_sums(x, srcs, dsts, zacc)
  deg = _sc_degrees(dsts, zdeg, ones)
  wlt = jnp.stack([Wl0.T, Wl1.T, Wl2.T])
  wrt = (Wr0 + Wr1 + Wr2).T
  bls = (bl0 + bl1 + bl2).reshape(1, D)
  return _tc_combine(x, agg, deg, wlt, wrt, bls)

# --- scband reference (transcript-rebuilt; emitter-appended) ---
"""Pipeline reference for scband-multi-rel-sage-88648124990246 (READ-ONLY COPY).

The authoritative reference and input builder live on the scoring server;
editing this copy changes nothing except your own understanding.
"""

import jax, jax.numpy as jnp
import numpy as np

N = 10000
D_IN = 128
D_OUT = 128
NUM_REL = 3
E = 320000


def setup_inputs(seed: int = 0) -> dict:
    key = jax.random.key(seed)
    ks = jax.random.split(key, 2 + 3 * NUM_REL)
    x = jax.random.normal(ks[0], (N, D_IN), dtype=jnp.float32)
    edge_indices = jax.random.randint(ks[1], (NUM_REL, 2, E), 0, N, dtype=jnp.int32)
    inp = {"x": x, "edge_indices": edge_indices}
    scale = 1.0 / np.sqrt(D_IN)
    for r in range(NUM_REL):
        kWl, kbl, kWr = ks[2 + 3 * r], ks[3 + 3 * r], ks[4 + 3 * r]
        inp[f"Wl{r}"] = jax.random.normal(kWl, (D_OUT, D_IN), dtype=jnp.float32) * scale
        inp[f"bl{r}"] = jnp.zeros((D_OUT,), dtype=jnp.float32)
        inp[f"Wr{r}"] = jax.random.normal(kWr, (D_OUT, D_IN), dtype=jnp.float32) * scale
    return inp


def _sage_conv(x, ei, Wl, bl, Wr):
    # PyG SAGEConv (aggr='mean'): out = lin_l(mean_{j in N(i)} x_j) + lin_r(x_i)
    src = ei[0]
    dst = ei[1]
    msgs = jnp.take(x, src, axis=0)
    agg = jax.ops.segment_sum(msgs, dst, num_segments=N)
    deg = jax.ops.segment_sum(jnp.ones((msgs.shape[0],), dtype=x.dtype), dst, num_segments=N)
    mean = agg / jnp.clip(deg, 1.0)[:, None]
    return mean @ Wl.T + bl + x @ Wr.T


def reference(x, edge_indices, Wl0, bl0, Wr0, Wl1, bl1, Wr1, Wl2, bl2, Wr2):
    params = [(Wl0, bl0, Wr0), (Wl1, bl1, Wr1), (Wl2, bl2, Wr2)]
    out = jnp.zeros((N, D_OUT), dtype=x.dtype)
    for r in range(NUM_REL):
        Wl, bl, Wr = params[r]
        out = out + _sage_conv(x, edge_indices[r], Wl, bl, Wr)
    return out

if __name__ == "__main__":
    import jax
    _d = setup_inputs()
    print(jax.jit(kernel)(*tuple(_d.values())))

</pallas_src>

<mosaic_0001>
#map = affine_map<(d0, d1) -> (0, 0)>
#map1 = affine_map<(d0, d1) -> (0)>
#map2 = affine_map<(d0, d1) -> (0, 0, 0, 0)>
module attributes {stable_mosaic.version = 14 : i64} {
  func.func @k(%arg0: i32, %arg1: i32, %arg2: memref<10000x128xf32, #tpu.memory_space<hbm>>, %arg3: memref<970752xi32, #tpu.memory_space<hbm>>, %arg4: memref<970752xi32, #tpu.memory_space<hbm>>, %arg5: memref<128x128xf32, #tpu.memory_space<hbm>>, %arg6: memref<3x2x10240x128xf32, #tpu.memory_space<hbm>>, %arg7: memref<10240x128xf32, #tpu.memory_space<vmem_shared>>, %arg8: memref<128xi32, #tpu.memory_space<vmem>>, %arg9: memref<128xi32, #tpu.memory_space<vmem>>, %arg10: memref<128x128xf32, #tpu.memory_space<vmem>>, %arg11: memref<!tpu.dma_semaphore, #tpu.memory_space<semaphore_mem>>) attributes {dimension_semantics = [#tpu.dimension_semantics<core_parallel>, #tpu.dimension_semantics<subcore_parallel>], iteration_bounds = array<i64: 2, 16>, scalar_prefetch = 0 : i64, scratch_operands = 5 : i64, tpu.core_type = #tpu.core_type<sc_vector_subcore>, window_params = [{transform_indices = #map}, {transform_indices = #map1}, {transform_indices = #map1}, {transform_indices = #map}, {transform_indices = #map2}]} {
    %mul3A = arith.constant 16 : i32
    %mul3A_0 = arith.muli %arg0, %mul3A : i32
    %add3A = arith.addi %mul3A_0, %arg1 : i32
    %mul3A_1 = arith.constant 640 : i32
    %mul3A_2 = arith.muli %arg1, %mul3A_1 : i32
    "tpu.region"() ({
      %run_scoped3A_129 = tpu.sem_alloc : memref<!tpu.dma_semaphore, #tpu.memory_space<semaphore_mem>>
      tpu.enqueue_dma source(%arg5 : memref<128x128xf32, #tpu.memory_space<hbm>>) target(%arg10 : memref<128x128xf32, #tpu.memory_space<vmem>>) target_semaphore(%run_scoped3A_129 : memref<!tpu.dma_semaphore, #tpu.memory_space<semaphore_mem>>)
      tpu.wait_dma2 semaphore(%run_scoped3A_129 : memref<!tpu.dma_semaphore, #tpu.memory_space<semaphore_mem>>) src(%arg5 : memref<128x128xf32, #tpu.memory_space<hbm>>) dst(%arg10 : memref<128x128xf32, #tpu.memory_space<vmem>>)
      tpu.yield
    }) : () -> ()
    %add3A_3 = arith.constant 0 : i32
    %add3A_4 = arith.addi %mul3A_2, %add3A_3 : i32
    "tpu.region"() ({
      %run_scoped3A_129 = tpu.sem_alloc : memref<!tpu.dma_semaphore, #tpu.memory_space<semaphore_mem>>
      %dma_start3A = arith.constant 0 : i32
      %dma_start3A_130 = tpu.memref_slice %arg7[%add3A_4, %dma_start3A] : memref<10240x128xf32, #tpu.memory_space<vmem_shared>> -> memref<128x128xf32, #tpu.memory_space<vmem_shared>>
      %dma_start3A_131 = arith.constant 0 : i32
      %dma_start3A_132 = tpu.memref_slice %arg7[%add3A_4, %dma_start3A_131] : memref<10240x128xf32, #tpu.memory_space<vmem_shared>> -> memref<128x128xf32, #tpu.memory_space<vmem_shared>>
      tpu.enqueue_dma source(%arg10 : memref<128x128xf32, #tpu.memory_space<vmem>>) target(%dma_start3A_132 : memref<128x128xf32, #tpu.memory_space<vmem_shared>>) target_semaphore(%run_scoped3A_129 : memref<!tpu.dma_semaphore, #tpu.memory_space<semaphore_mem>>)
      %dma_wait3A = arith.constant 0 : i32
      %dma_wait3A_133 = tpu.memref_slice %arg7[%add3A_4, %dma_wait3A] : memref<10240x128xf32, #tpu.memory_space<vmem_shared>> -> memref<128x128xf32, #tpu.memory_space<vmem_shared>>
      %dma_wait3A_134 = arith.constant 0 : i32
      %dma_wait3A_135 = tpu.memref_slice %arg7[%add3A_4, %dma_wait3A_134] : memref<10240x128xf32, #tpu.memory_space<vmem_shared>> -> memref<128x128xf32, #tpu.memory_space<vmem_shared>>
      tpu.wait_dma2 semaphore(%run_scoped3A_129 : memref<!tpu.dma_semaphore, #tpu.memory_space<semaphore_mem>>) src(%arg10 : memref<128x128xf32, #tpu.memory_space<vmem>>) dst(%dma_wait3A_135 : memref<128x128xf32, #tpu.memory_space<vmem_shared>>)
      tpu.yield
    }) : () -> ()
    %add3A_5 = arith.constant 128 : i32
    %add3A_6 = arith.addi %mul3A_2, %add3A_5 : i32
    "tpu.region"() ({
      %run_scoped3A_129 = tpu.sem_alloc : memref<!tpu.dma_semaphore, #tpu.memory_space<semaphore_mem>>
      %dma_start3A = arith.constant 0 : i32
      %dma_start3A_130 = tpu.memref_slice %arg7[%add3A_6, %dma_start3A] : memref<10240x128xf32, #tpu.memory_space<vmem_shared>> -> memref<128x128xf32, #tpu.memory_space<vmem_shared>>
      %dma_start3A_131 = arith.constant 0 : i32
      %dma_start3A_132 = tpu.memref_slice %arg7[%add3A_6, %dma_start3A_131] : memref<10240x128xf32, #tpu.memory_space<vmem_shared>> -> memref<128x128xf32, #tpu.memory_space<vmem_shared>>
      tpu.enqueue_dma source(%arg10 : memref<128x128xf32, #tpu.memory_space<vmem>>) target(%dma_start3A_132 : memref<128x128xf32, #tpu.memory_space<vmem_shared>>) target_semaphore(%run_scoped3A_129 : memref<!tpu.dma_semaphore, #tpu.memory_space<semaphore_mem>>)
      %dma_wait3A = arith.constant 0 : i32
      %dma_wait3A_133 = tpu.memref_slice %arg7[%add3A_6, %dma_wait3A] : memref<10240x128xf32, #tpu.memory_space<vmem_shared>> -> memref<128x128xf32, #tpu.memory_space<vmem_shared>>
      %dma_wait3A_134 = arith.constant 0 : i32
      %dma_wait3A_135 = tpu.memref_slice %arg7[%add3A_6, %dma_wait3A_134] : memref<10240x128xf32, #tpu.memory_space<vmem_shared>> -> memref<128x128xf32, #tpu.memory_space<vmem_shared>>
      tpu.wait_dma2 semaphore(%run_scoped3A_129 : memref<!tpu.dma_semaphore, #tpu.memory_space<semaphore_mem>>) src(%arg10 : memref<128x128xf32, #tpu.memory_space<vmem>>) dst(%dma_wait3A_135 : memref<128x128xf32, #tpu.memory_space<vmem_shared>>)
      tpu.yield
    }) : () -> ()
    %add3A_7 = arith.constant 256 : i32
    %add3A_8 = arith.addi %mul3A_2, %add3A_7 : i32
    "tpu.region"() ({
      %run_scoped3A_129 = tpu.sem_alloc : memref<!tpu.dma_semaphore, #tpu.memory_space<semaphore_mem>>
      %dma_start3A = arith.constant 0 : i32
      %dma_start3A_130 = tpu.memref_slice %arg7[%add3A_8, %dma_start3A] : memref<10240x128xf32, #tpu.memory_space<vmem_shared>> -> memref<128x128xf32, #tpu.memory_space<vmem_shared>>
      %dma_start3A_131 = arith.constant 0 : i32
      %dma_start3A_132 = tpu.memref_slice %arg7[%add3A_8, %dma_start3A_131] : memref<10240x128xf32, #tpu.memory_space<vmem_shared>> -> memref<128x128xf32, #tpu.memory_space<vmem_shared>>
      tpu.enqueue_dma source(%arg10 : memref<128x128xf32, #tpu.memory_space<vmem>>) target(%dma_start3A_132 : memref<128x128xf32, #tpu.memory_space<vmem_shared>>) target_semaphore(%run_scoped3A_129 : memref<!tpu.dma_semaphore, #tpu.memory_space<semaphore_mem>>)
      %dma_wait3A = arith.constant 0 : i32
      %dma_wait3A_133 = tpu.memref_slice %arg7[%add3A_8, %dma_wait3A] : memref<10240x128xf32, #tpu.memory_space<vmem_shared>> -> memref<128x128xf32, #tpu.memory_space<vmem_shared>>
      %dma_wait3A_134 = arith.constant 0 : i32
      %dma_wait3A_135 = tpu.memref_slice %arg7[%add3A_8, %dma_wait3A_134] : memref<10240x128xf32, #tpu.memory_space<vmem_shared>> -> memref<128x128xf32, #tpu.memory_space<vmem_shared>>
      tpu.wait_dma2 semaphore(%run_scoped3A_129 : memref<!tpu.dma_semaphore, #tpu.memory_space<semaphore_mem>>) src(%arg10 : memref<128x128xf32, #tpu.memory_space<vmem>>) dst(%dma_wait3A_135 : memref<128x128xf32, #tpu.memory_space<vmem_shared>>)
      tpu.yield
    }) : () -> ()
    %add3A_9 = arith.constant 384 : i32
    %add3A_10 = arith.addi %mul3A_2, %add3A_9 : i32
    "tpu.region"() ({
      %run_scoped3A_129 = tpu.sem_alloc : memref<!tpu.dma_semaphore, #tpu.memory_space<semaphore_mem>>
      %dma_start3A = arith.constant 0 : i32
      %dma_start3A_130 = tpu.memref_slice %arg7[%add3A_10, %dma_start3A] : memref<10240x128xf32, #tpu.memory_space<vmem_shared>> -> memref<128x128xf32, #tpu.memory_space<vmem_shared>>
      %dma_start3A_131 = arith.constant 0 : i32
      %dma_start3A_132 = tpu.memref_slice %arg7[%add3A_10, %dma_start3A_131] : memref<10240x128xf32, #tpu.memory_space<vmem_shared>> -> memref<128x128xf32, #tpu.memory_space<vmem_shared>>
      tpu.enqueue_dma source(%arg10 : memref<128x128xf32, #tpu.memory_space<vmem>>) target(%dma_start3A_132 : memref<128x128xf32, #tpu.memory_space<vmem_shared>>) target_semaphore(%run_scoped3A_129 : memref<!tpu.dma_semaphore, #tpu.memory_space<semaphore_mem>>)
      %dma_wait3A = arith.constant 0 : i32
      %dma_wait3A_133 = tpu.memref_slice %arg7[%add3A_10, %dma_wait3A] : memref<10240x128xf32, #tpu.memory_space<vmem_shared>> -> memref<128x128xf32, #tpu.memory_space<vmem_shared>>
      %dma_wait3A_134 = arith.constant 0 : i32
      %dma_wait3A_135 = tpu.memref_slice %arg7[%add3A_10, %dma_wait3A_134] : memref<10240x128xf32, #tpu.memory_space<vmem_shared>> -> memref<128x128xf32, #tpu.memory_space<vmem_shared>>
      tpu.wait_dma2 semaphore(%run_scoped3A_129 : memref<!tpu.dma_semaphore, #tpu.memory_space<semaphore_mem>>) src(%arg10 : memref<128x128xf32, #tpu.memory_space<vmem>>) dst(%dma_wait3A_135 : memref<128x128xf32, #tpu.memory_space<vmem_shared>>)
      tpu.yield
    }) : () -> ()
    %add3A_11 = arith.constant 512 : i32
    %add3A_12 = arith.addi %mul3A_2, %add3A_11 : i32
    "tpu.region"() ({
      %run_scoped3A_129 = tpu.sem_alloc : memref<!tpu.dma_semaphore, #tpu.memory_space<semaphore_mem>>
      %dma_start3A = arith.constant 0 : i32
      %dma_start3A_130 = tpu.memref_slice %arg7[%add3A_12, %dma_start3A] : memref<10240x128xf32, #tpu.memory_space<vmem_shared>> -> memref<128x128xf32, #tpu.memory_space<vmem_shared>>
      %dma_start3A_131 = arith.constant 0 : i32
      %dma_start3A_132 = tpu.memref_slice %arg7[%add3A_12, %dma_start3A_131] : memref<10240x128xf32, #tpu.memory_space<vmem_shared>> -> memref<128x128xf32, #tpu.memory_space<vmem_shared>>
      tpu.enqueue_dma source(%arg10 : memref<128x128xf32, #tpu.memory_space<vmem>>) target(%dma_start3A_132 : memref<128x128xf32, #tpu.memory_space<vmem_shared>>) target_semaphore(%run_scoped3A_129 : memref<!tpu.dma_semaphore, #tpu.memory_space<semaphore_mem>>)
      %dma_wait3A = arith.constant 0 : i32
      %dma_wait3A_133 = tpu.memref_slice %arg7[%add3A_12, %dma_wait3A] : memref<10240x128xf32, #tpu.memory_space<vmem_shared>> -> memref<128x128xf32, #tpu.memory_space<vmem_shared>>
      %dma_wait3A_134 = arith.constant 0 : i32
      %dma_wait3A_135 = tpu.memref_slice %arg7[%add3A_12, %dma_wait3A_134] : memref<10240x128xf32, #tpu.memory_space<vmem_shared>> -> memref<128x128xf32, #tpu.memory_space<vmem_shared>>
      tpu.wait_dma2 semaphore(%run_scoped3A_129 : memref<!tpu.dma_semaphore, #tpu.memory_space<semaphore_mem>>) src(%arg10 : memref<128x128xf32, #tpu.memory_space<vmem>>) dst(%dma_wait3A_135 : memref<128x128xf32, #tpu.memory_space<vmem_shared>>)
      tpu.yield
    }) : () -> ()
    %barrier3A = arith.constant 0 : index
    tpu.barrier barrier_id(%barrier3A)
    %scan3A = arith.constant 0 : i32
    %scan3A_13 = arith.constant 79 : i32
    %scan3A_14 = arith.addi %scan3A, %scan3A_13 : i32
    %scan3A_15 = arith.constant 1 : i32
    scf.for %scan3A_129 = %scan3A to %scan3A_14 step %scan3A_15  : i32 {
      %mul3A_130 = arith.constant 1 : i32
      %mul3A_131 = arith.muli %scan3A_129, %mul3A_130 : i32
      %add3A_132 = arith.constant 0 : i32
      %add3A_133 = arith.addi %add3A_132, %mul3A_131 : i32
      %mul3A_134 = arith.constant 79 : i32
      %mul3A_135 = arith.muli %add3A, %mul3A_134 : i32
      %add3A_136 = arith.addi %mul3A_135, %add3A_133 : i32
      %mul3A_137 = arith.constant 128 : i32
      %mul3A_138 = arith.muli %add3A_136, %mul3A_137 : i32
      %add3A_139 = arith.constant 0 : i32
      %add3A_140 = arith.addi %add3A_139, %mul3A_138 : i32
      "tpu.region"() ({
        %run_scoped3A_145 = tpu.sem_alloc : memref<!tpu.dma_semaphore, #tpu.memory_space<semaphore_mem>>
        %dma_start3A_146 = tpu.memref_slice %arg3[%add3A_140] : memref<970752xi32, #tpu.memory_space<hbm>> -> memref<128xi32, #tpu.memory_space<hbm>>
        %dma_start3A_147 = tpu.memref_slice %arg3[%add3A_140] : memref<970752xi32, #tpu.memory_space<hbm>> -> memref<128xi32, #tpu.memory_space<hbm>>
        tpu.enqueue_dma source(%dma_start3A_147 : memref<128xi32, #tpu.memory_space<hbm>>) target(%arg8 : memref<128xi32, #tpu.memory_space<vmem>>) target_semaphore(%run_scoped3A_145 : memref<!tpu.dma_semaphore, #tpu.memory_space<semaphore_mem>>)
        %dma_wait3A_148 = tpu.memref_slice %arg3[%add3A_140] : memref<970752xi32, #tpu.memory_space<hbm>> -> memref<128xi32, #tpu.memory_space<hbm>>
        %dma_wait3A_149 = tpu.memref_slice %arg3[%add3A_140] : memref<970752xi32, #tpu.memory_space<hbm>> -> memref<128xi32, #tpu.memory_space<hbm>>
        tpu.wait_dma2 semaphore(%run_scoped3A_145 : memref<!tpu.dma_semaphore, #tpu.memory_space<semaphore_mem>>) src(%dma_wait3A_149 : memref<128xi32, #tpu.memory_space<hbm>>) dst(%arg8 : memref<128xi32, #tpu.memory_space<vmem>>)
        tpu.yield
      }) : () -> ()
      "tpu.region"() ({
        %run_scoped3A_145 = tpu.sem_alloc : memref<!tpu.dma_semaphore, #tpu.memory_space<semaphore_mem>>
        %dma_start3A_146 = tpu.memref_slice %arg4[%add3A_140] : memref<970752xi32, #tpu.memory_space<hbm>> -> memref<128xi32, #tpu.memory_space<hbm>>
        %dma_start3A_147 = tpu.memref_slice %arg4[%add3A_140] : memref<970752xi32, #tpu.memory_space<hbm>> -> memref<128xi32, #tpu.memory_space<hbm>>
        tpu.enqueue_dma source(%dma_start3A_147 : memref<128xi32, #tpu.memory_space<hbm>>) target(%arg9 : memref<128xi32, #tpu.memory_space<vmem>>) target_semaphore(%run_scoped3A_145 : memref<!tpu.dma_semaphore, #tpu.memory_space<semaphore_mem>>)
        %dma_wait3A_148 = tpu.memref_slice %arg4[%add3A_140] : memref<970752xi32, #tpu.memory_space<hbm>> -> memref<128xi32, #tpu.memory_space<hbm>>
        %dma_wait3A_149 = tpu.memref_slice %arg4[%add3A_140] : memref<970752xi32, #tpu.memory_space<hbm>> -> memref<128xi32, #tpu.memory_space<hbm>>
        tpu.wait_dma2 semaphore(%run_scoped3A_145 : memref<!tpu.dma_semaphore, #tpu.memory_space<semaphore_mem>>) src(%dma_wait3A_149 : memref<128xi32, #tpu.memory_space<hbm>>) dst(%arg9 : memref<128xi32, #tpu.memory_space<vmem>>)
        tpu.yield
      }) : () -> ()
      %dma_start3A = arith.constant 0 : i32
      %dma_start3A_141 = arith.constant 0 : i32
      %dma_start3A_142 = tpu.memref_slice %arg2[%dma_start3A, %dma_start3A_141] : memref<10000x128xf32, #tpu.memory_space<hbm>> -> memref<10000x128xf32, #tpu.memory_space<hbm>>
      tpu.enqueue_indirect_dma source(%dma_start3A_142 : memref<10000x128xf32, #tpu.memory_space<hbm>>) target(%arg10 : memref<128x128xf32, #tpu.memory_space<vmem>>) offsets(%arg8 : memref<128xi32, #tpu.memory_space<vmem>>) semaphore(%arg11 : memref<!tpu.dma_semaphore, #tpu.memory_space<semaphore_mem>>)
      %dma_wait3A = arith.constant 0 : i32
      %dma_wait3A_143 = arith.constant 0 : i32
      %dma_wait3A_144 = tpu.memref_slice %arg2[%dma_wait3A, %dma_wait3A_143] : memref<10000x128xf32, #tpu.memory_space<hbm>> -> memref<10000x128xf32, #tpu.memory_space<hbm>>
      tpu.wait_indirect_dma semaphore(%arg11 : memref<!tpu.dma_semaphore, #tpu.memory_space<semaphore_mem>>) src(%dma_wait3A_144 : memref<10000x128xf32, #tpu.memory_space<hbm>>) dst(%arg10 : memref<128x128xf32, #tpu.memory_space<vmem>>)
      "tpu.region"() ({
        %run_scoped3A_145 = tpu.sem_alloc : memref<!tpu.dma_semaphore, #tpu.memory_space<semaphore_mem>>
        %dma_start3A_146 = arith.constant 0 : i32
        %dma_start3A_147 = arith.constant 0 : i32
        %dma_start3A_148 = tpu.memref_slice %arg7[%dma_start3A_146, %dma_start3A_147] : memref<10240x128xf32, #tpu.memory_space<vmem_shared>> -> memref<10240x128xf32, #tpu.memory_space<vmem_shared>>
        tpu.enqueue_indirect_dma source(%arg10 : memref<128x128xf32, #tpu.memory_space<vmem>>) target(%dma_start3A_148 : memref<10240x128xf32, #tpu.memory_space<vmem_shared>>) offsets(%arg9 : memref<128xi32, #tpu.memory_space<vmem>>) semaphore(%run_scoped3A_145 : memref<!tpu.dma_semaphore, #tpu.memory_space<semaphore_mem>>) {add = true}
        %dma_wait3A_149 = arith.constant 0 : i32
        %dma_wait3A_150 = arith.constant 0 : i32
        %dma_wait3A_151 = tpu.memref_slice %arg7[%dma_wait3A_149, %dma_wait3A_150] : memref<10240x128xf32, #tpu.memory_space<vmem_shared>> -> memref<10240x128xf32, #tpu.memory_space<vmem_shared>>
        tpu.wait_indirect_dma semaphore(%run_scoped3A_145 : memref<!tpu.dma_semaphore, #tpu.memory_space<semaphore_mem>>) src(%arg10 : memref<128x128xf32, #tpu.memory_space<vmem>>) dst(%dma_wait3A_151 : memref<10240x128xf32, #tpu.memory_space<vmem_shared>>)
        tpu.yield
      }) : () -> ()
    }
    %scan3A_16 = arith.constant 79 : i32
    %barrier3A_17 = arith.constant 0 : index
    tpu.barrier barrier_id(%barrier3A_17)
    %add3A_18 = arith.constant 0 : i32
    %add3A_19 = arith.addi %mul3A_2, %add3A_18 : i32
    "tpu.region"() ({
      %run_scoped3A_129 = tpu.sem_alloc : memref<!tpu.dma_semaphore, #tpu.memory_space<semaphore_mem>>
      %dma_start3A = arith.constant 0 : i32
      %dma_start3A_130 = tpu.memref_slice %arg7[%add3A_19, %dma_start3A] : memref<10240x128xf32, #tpu.memory_space<vmem_shared>> -> memref<128x128xf32, #tpu.memory_space<vmem_shared>>
      %dma_start3A_131 = arith.constant 0 : i32
      %dma_start3A_132 = tpu.memref_slice %arg7[%add3A_19, %dma_start3A_131] : memref<10240x128xf32, #tpu.memory_space<vmem_shared>> -> memref<128x128xf32, #tpu.memory_space<vmem_shared>>
      tpu.enqueue_dma source(%dma_start3A_132 : memref<128x128xf32, #tpu.memory_space<vmem_shared>>) target(%arg10 : memref<128x128xf32, #tpu.memory_space<vmem>>) target_semaphore(%run_scoped3A_129 : memref<!tpu.dma_semaphore, #tpu.memory_space<semaphore_mem>>)
      %dma_wait3A = arith.constant 0 : i32
      %dma_wait3A_133 = tpu.memref_slice %arg7[%add3A_19, %dma_wait3A] : memref<10240x128xf32, #tpu.memory_space<vmem_shared>> -> memref<128x128xf32, #tpu.memory_space<vmem_shared>>
      %dma_wait3A_134 = arith.constant 0 : i32
      %dma_wait3A_135 = tpu.memref_slice %arg7[%add3A_19, %dma_wait3A_134] : memref<10240x128xf32, #tpu.memory_space<vmem_shared>> -> memref<128x128xf32, #tpu.memory_space<vmem_shared>>
      tpu.wait_dma2 semaphore(%run_scoped3A_129 : memref<!tpu.dma_semaphore, #tpu.memory_space<semaphore_mem>>) src(%dma_wait3A_135 : memref<128x128xf32, #tpu.memory_space<vmem_shared>>) dst(%arg10 : memref<128x128xf32, #tpu.memory_space<vmem>>)
      tpu.yield
    }) : () -> ()
    %add3A_20 = arith.constant 0 : i32
    %add3A_21 = arith.addi %mul3A_2, %add3A_20 : i32
    %run_scoped3A = arith.constant 0 : i32
    "tpu.region"() ({
      %run_scoped3A_129 = tpu.sem_alloc : memref<!tpu.dma_semaphore, #tpu.memory_space<semaphore_mem>>
      %dma_start3A = arith.constant 0 : i32
      %dma_start3A_130 = tpu.memref_slice %arg6[%run_scoped3A, %arg0, %add3A_21, %dma_start3A] : memref<3x2x10240x128xf32, #tpu.memory_space<hbm>> -> memref<1x1x128x128xf32, #tpu.memory_space<hbm>>
      %dma_start3A_131 = tpu.memref_squeeze %dma_start3A_130 : memref<1x1x128x128xf32, #tpu.memory_space<hbm>> -> memref<128x128xf32, #tpu.memory_space<hbm>>
      %dma_start3A_132 = arith.constant 0 : i32
      %dma_start3A_133 = tpu.memref_slice %arg6[%run_scoped3A, %arg0, %add3A_21, %dma_start3A_132] : memref<3x2x10240x128xf32, #tpu.memory_space<hbm>> -> memref<1x1x128x128xf32, #tpu.memory_space<hbm>>
      %dma_start3A_134 = tpu.memref_squeeze %dma_start3A_133 : memref<1x1x128x128xf32, #tpu.memory_space<hbm>> -> memref<128x128xf32, #tpu.memory_space<hbm>>
      tpu.enqueue_dma source(%arg10 : memref<128x128xf32, #tpu.memory_space<vmem>>) target(%dma_start3A_134 : memref<128x128xf32, #tpu.memory_space<hbm>>) target_semaphore(%run_scoped3A_129 : memref<!tpu.dma_semaphore, #tpu.memory_space<semaphore_mem>>)
      %dma_wait3A = arith.constant 0 : i32
      %dma_wait3A_135 = tpu.memref_slice %arg6[%run_scoped3A, %arg0, %add3A_21, %dma_wait3A] : memref<3x2x10240x128xf32, #tpu.memory_space<hbm>> -> memref<1x1x128x128xf32, #tpu.memory_space<hbm>>
      %dma_wait3A_136 = tpu.memref_squeeze %dma_wait3A_135 : memref<1x1x128x128xf32, #tpu.memory_space<hbm>> -> memref<128x128xf32, #tpu.memory_space<hbm>>
      %dma_wait3A_137 = arith.constant 0 : i32
      %dma_wait3A_138 = tpu.memref_slice %arg6[%run_scoped3A, %arg0, %add3A_21, %dma_wait3A_137] : memref<3x2x10240x128xf32, #tpu.memory_space<hbm>> -> memref<1x1x128x128xf32, #tpu.memory_space<hbm>>
      %dma_wait3A_139 = tpu.memref_squeeze %dma_wait3A_138 : memref<1x1x128x128xf32, #tpu.memory_space<hbm>> -> memref<128x128xf32, #tpu.memory_space<hbm>>
      tpu.wait_dma2 semaphore(%run_scoped3A_129 : memref<!tpu.dma_semaphore, #tpu.memory_space<semaphore_mem>>) src(%arg10 : memref<128x128xf32, #tpu.memory_space<vmem>>) dst(%dma_wait3A_139 : memref<128x128xf32, #tpu.memory_space<hbm>>)
      tpu.yield
    }) : () -> ()
    %add3A_22 = arith.constant 128 : i32
    %add3A_23 = arith.addi %mul3A_2, %add3A_22 : i32
    "tpu.region"() ({
      %run_scoped3A_129 = tpu.sem_alloc : memref<!tpu.dma_semaphore, #tpu.memory_space<semaphore_mem>>
      %dma_start3A = arith.constant 0 : i32
      %dma_start3A_130 = tpu.memref_slice %arg7[%add3A_23, %dma_start3A] : memref<10240x128xf32, #tpu.memory_space<vmem_shared>> -> memref<128x128xf32, #tpu.memory_space<vmem_shared>>
      %dma_start3A_131 = arith.constant 0 : i32
      %dma_start3A_132 = tpu.memref_slice %arg7[%add3A_23, %dma_start3A_131] : memref<10240x128xf32, #tpu.memory_space<vmem_shared>> -> memref<128x128xf32, #tpu.memory_space<vmem_shared>>
      tpu.enqueue_dma source(%dma_start3A_132 : memref<128x128xf32, #tpu.memory_space<vmem_shared>>) target(%arg10 : memref<128x128xf32, #tpu.memory_space<vmem>>) target_semaphore(%run_scoped3A_129 : memref<!tpu.dma_semaphore, #tpu.memory_space<semaphore_mem>>)
      %dma_wait3A = arith.constant 0 : i32
      %dma_wait3A_133 = tpu.memref_slice %arg7[%add3A_23, %dma_wait3A] : memref<10240x128xf32, #tpu.memory_space<vmem_shared>> -> memref<128x128xf32, #tpu.memory_space<vmem_shared>>
      %dma_wait3A_134 = arith.constant 0 : i32
      %dma_wait3A_135 = tpu.memref_slice %arg7[%add3A_23, %dma_wait3A_134] : memref<10240x128xf32, #tpu.memory_space<vmem_shared>> -> memref<128x128xf32, #tpu.memory_space<vmem_shared>>
      tpu.wait_dma2 semaphore(%run_scoped3A_129 : memref<!tpu.dma_semaphore, #tpu.memory_space<semaphore_mem>>) src(%dma_wait3A_135 : memref<128x128xf32, #tpu.memory_space<vmem_shared>>) dst(%arg10 : memref<128x128xf32, #tpu.memory_space<vmem>>)
      tpu.yield
    }) : () -> ()
    %add3A_24 = arith.constant 128 : i32
    %add3A_25 = arith.addi %mul3A_2, %add3A_24 : i32
    %run_scoped3A_26 = arith.constant 0 : i32
    "tpu.region"() ({
      %run_scoped3A_129 = tpu.sem_alloc : memref<!tpu.dma_semaphore, #tpu.memory_space<semaphore_mem>>
      %dma_start3A = arith.constant 0 : i32
      %dma_start3A_130 = tpu.memref_slice %arg6[%run_scoped3A_26, %arg0, %add3A_25, %dma_start3A] : memref<3x2x10240x128xf32, #tpu.memory_space<hbm>> -> memref<1x1x128x128xf32, #tpu.memory_space<hbm>>
      %dma_start3A_131 = tpu.memref_squeeze %dma_start3A_130 : memref<1x1x128x128xf32, #tpu.memory_space<hbm>> -> memref<128x128xf32, #tpu.memory_space<hbm>>
      %dma_start3A_132 = arith.constant 0 : i32
      %dma_start3A_133 = tpu.memref_slice %arg6[%run_scoped3A_26, %arg0, %add3A_25, %dma_start3A_132] : memref<3x2x10240x128xf32, #tpu.memory_space<hbm>> -> memref<1x1x128x128xf32, #tpu.memory_space<hbm>>
      %dma_start3A_134 = tpu.memref_squeeze %dma_start3A_133 : memref<1x1x128x128xf32, #tpu.memory_space<hbm>> -> memref<128x128xf32, #tpu.memory_space<hbm>>
      tpu.enqueue_dma source(%arg10 : memref<128x128xf32, #tpu.memory_space<vmem>>) target(%dma_start3A_134 : memref<128x128xf32, #tpu.memory_space<hbm>>) target_semaphore(%run_scoped3A_129 : memref<!tpu.dma_semaphore, #tpu.memory_space<semaphore_mem>>)
      %dma_wait3A = arith.constant 0 : i32
      %dma_wait3A_135 = tpu.memref_slice %arg6[%run_scoped3A_26, %arg0, %add3A_25, %dma_wait3A] : memref<3x2x10240x128xf32, #tpu.memory_space<hbm>> -> memref<1x1x128x128xf32, #tpu.memory_space<hbm>>
      %dma_wait3A_136 = tpu.memref_squeeze %dma_wait3A_135 : memref<1x1x128x128xf32, #tpu.memory_space<hbm>> -> memref<128x128xf32, #tpu.memory_space<hbm>>
      %dma_wait3A_137 = arith.constant 0 : i32
      %dma_wait3A_138 = tpu.memref_slice %arg6[%run_scoped3A_26, %arg0, %add3A_25, %dma_wait3A_137] : memref<3x2x10240x128xf32, #tpu.memory_space<hbm>> -> memref<1x1x128x128xf32, #tpu.memory_space<hbm>>
      %dma_wait3A_139 = tpu.memref_squeeze %dma_wait3A_138 : memref<1x1x128x128xf32, #tpu.memory_space<hbm>> -> memref<128x128xf32, #tpu.memory_space<hbm>>
      tpu.wait_dma2 semaphore(%run_scoped3A_129 : memref<!tpu.dma_semaphore, #tpu.memory_space<semaphore_mem>>) src(%arg10 : memref<128x128xf32, #tpu.memory_space<vmem>>) dst(%dma_wait3A_139 : memref<128x128xf32, #tpu.memory_space<hbm>>)
      tpu.yield
    }) : () -> ()
    %add3A_27 = arith.constant 256 : i32
    %add3A_28 = arith.addi %mul3A_2, %add3A_27 : i32
    "tpu.region"() ({
      %run_scoped3A_129 = tpu.sem_alloc : memref<!tpu.dma_semaphore, #tpu.memory_space<semaphore_mem>>
      %dma_start3A = arith.constant 0 : i32
      %dma_start3A_130 = tpu.memref_slice %arg7[%add3A_28, %dma_start3A] : memref<10240x128xf32, #tpu.memory_space<vmem_shared>> -> memref<128x128xf32, #tpu.memory_space<vmem_shared>>
      %dma_start3A_131 = arith.constant 0 : i32
      %dma_start3A_132 = tpu.memref_slice %arg7[%add3A_28, %dma_start3A_131] : memref<10240x128xf32, #tpu.memory_space<vmem_shared>> -> memref<128x128xf32, #tpu.memory_space<vmem_shared>>
      tpu.enqueue_dma source(%dma_start3A_132 : memref<128x128xf32, #tpu.memory_space<vmem_shared>>) target(%arg10 : memref<128x128xf32, #tpu.memory_space<vmem>>) target_semaphore(%run_scoped3A_129 : memref<!tpu.dma_semaphore, #tpu.memory_space<semaphore_mem>>)
      %dma_wait3A = arith.constant 0 : i32
      %dma_wait3A_133 = tpu.memref_slice %arg7[%add3A_28, %dma_wait3A] : memref<10240x128xf32, #tpu.memory_space<vmem_shared>> -> memref<128x128xf32, #tpu.memory_space<vmem_shared>>
      %dma_wait3A_134 = arith.constant 0 : i32
      %dma_wait3A_135 = tpu.memref_slice %arg7[%add3A_28, %dma_wait3A_134] : memref<10240x128xf32, #tpu.memory_space<vmem_shared>> -> memref<128x128xf32, #tpu.memory_space<vmem_shared>>
      tpu.wait_dma2 semaphore(%run_scoped3A_129 : memref<!tpu.dma_semaphore, #tpu.memory_space<semaphore_mem>>) src(%dma_wait3A_135 : memref<128x128xf32, #tpu.memory_space<vmem_shared>>) dst(%arg10 : memref<128x128xf32, #tpu.memory_space<vmem>>)
      tpu.yield
    }) : () -> ()
    %add3A_29 = arith.constant 256 : i32
    %add3A_30 = arith.addi %mul3A_2, %add3A_29 : i32
    %run_scoped3A_31 = arith.constant 0 : i32
    "tpu.region"() ({
      %run_scoped3A_129 = tpu.sem_alloc : memref<!tpu.dma_semaphore, #tpu.memory_space<semaphore_mem>>
      %dma_start3A = arith.constant 0 : i32
      %dma_start3A_130 = tpu.memref_slice %arg6[%run_scoped3A_31, %arg0, %add3A_30, %dma_start3A] : memref<3x2x10240x128xf32, #tpu.memory_space<hbm>> -> memref<1x1x128x128xf32, #tpu.memory_space<hbm>>
      %dma_start3A_131 = tpu.memref_squeeze %dma_start3A_130 : memref<1x1x128x128xf32, #tpu.memory_space<hbm>> -> memref<128x128xf32, #tpu.memory_space<hbm>>
      %dma_start3A_132 = arith.constant 0 : i32
      %dma_start3A_133 = tpu.memref_slice %arg6[%run_scoped3A_31, %arg0, %add3A_30, %dma_start3A_132] : memref<3x2x10240x128xf32, #tpu.memory_space<hbm>> -> memref<1x1x128x128xf32, #tpu.memory_space<hbm>>
      %dma_start3A_134 = tpu.memref_squeeze %dma_start3A_133 : memref<1x1x128x128xf32, #tpu.memory_space<hbm>> -> memref<128x128xf32, #tpu.memory_space<hbm>>
      tpu.enqueue_dma source(%arg10 : memref<128x128xf32, #tpu.memory_space<vmem>>) target(%dma_start3A_134 : memref<128x128xf32, #tpu.memory_space<hbm>>) target_semaphore(%run_scoped3A_129 : memref<!tpu.dma_semaphore, #tpu.memory_space<semaphore_mem>>)
      %dma_wait3A = arith.constant 0 : i32
      %dma_wait3A_135 = tpu.memref_slice %arg6[%run_scoped3A_31, %arg0, %add3A_30, %dma_wait3A] : memref<3x2x10240x128xf32, #tpu.memory_space<hbm>> -> memref<1x1x128x128xf32, #tpu.memory_space<hbm>>
      %dma_wait3A_136 = tpu.memref_squeeze %dma_wait3A_135 : memref<1x1x128x128xf32, #tpu.memory_space<hbm>> -> memref<128x128xf32, #tpu.memory_space<hbm>>
      %dma_wait3A_137 = arith.constant 0 : i32
      %dma_wait3A_138 = tpu.memref_slice %arg6[%run_scoped3A_31, %arg0, %add3A_30, %dma_wait3A_137] : memref<3x2x10240x128xf32, #tpu.memory_space<hbm>> -> memref<1x1x128x128xf32, #tpu.memory_space<hbm>>
      %dma_wait3A_139 = tpu.memref_squeeze %dma_wait3A_138 : memref<1x1x128x128xf32, #tpu.memory_space<hbm>> -> memref<128x128xf32, #tpu.memory_space<hbm>>
      tpu.wait_dma2 semaphore(%run_scoped3A_129 : memref<!tpu.dma_semaphore, #tpu.memory_space<semaphore_mem>>) src(%arg10 : memref<128x128xf32, #tpu.memory_space<vmem>>) dst(%dma_wait3A_139 : memref<128x128xf32, #tpu.memory_space<hbm>>)
      tpu.yield
    }) : () -> ()
    %add3A_32 = arith.constant 384 : i32
    %add3A_33 = arith.addi %mul3A_2, %add3A_32 : i32
    "tpu.region"() ({
      %run_scoped3A_129 = tpu.sem_alloc : memref<!tpu.dma_semaphore, #tpu.memory_space<semaphore_mem>>
      %dma_start3A = arith.constant 0 : i32
      %dma_start3A_130 = tpu.memref_slice %arg7[%add3A_33, %dma_start3A] : memref<10240x128xf32, #tpu.memory_space<vmem_shared>> -> memref<128x128xf32, #tpu.memory_space<vmem_shared>>
      %dma_start3A_131 = arith.constant 0 : i32
      %dma_start3A_132 = tpu.memref_slice %arg7[%add3A_33, %dma_start3A_131] : memref<10240x128xf32, #tpu.memory_space<vmem_shared>> -> memref<128x128xf32, #tpu.memory_space<vmem_shared>>
      tpu.enqueue_dma source(%dma_start3A_132 : memref<128x128xf32, #tpu.memory_space<vmem_shared>>) target(%arg10 : memref<128x128xf32, #tpu.memory_space<vmem>>) target_semaphore(%run_scoped3A_129 : memref<!tpu.dma_semaphore, #tpu.memory_space<semaphore_mem>>)
      %dma_wait3A = arith.constant 0 : i32
      %dma_wait3A_133 = tpu.memref_slice %arg7[%add3A_33, %dma_wait3A] : memref<10240x128xf32, #tpu.memory_space<vmem_shared>> -> memref<128x128xf32, #tpu.memory_space<vmem_shared>>
      %dma_wait3A_134 = arith.constant 0 : i32
      %dma_wait3A_135 = tpu.memref_slice %arg7[%add3A_33, %dma_wait3A_134] : memref<10240x128xf32, #tpu.memory_space<vmem_shared>> -> memref<128x128xf32, #tpu.memory_space<vmem_shared>>
      tpu.wait_dma2 semaphore(%run_scoped3A_129 : memref<!tpu.dma_semaphore, #tpu.memory_space<semaphore_mem>>) src(%dma_wait3A_135 : memref<128x128xf32, #tpu.memory_space<vmem_shared>>) dst(%arg10 : memref<128x128xf32, #tpu.memory_space<vmem>>)
      tpu.yield
    }) : () -> ()
    %add3A_34 = arith.constant 384 : i32
    %add3A_35 = arith.addi %mul3A_2, %add3A_34 : i32
    %run_scoped3A_36 = arith.constant 0 : i32
    "tpu.region"() ({
      %run_scoped3A_129 = tpu.sem_alloc : memref<!tpu.dma_semaphore, #tpu.memory_space<semaphore_mem>>
      %dma_start3A = arith.constant 0 : i32
      %dma_start3A_130 = tpu.memref_slice %arg6[%run_scoped3A_36, %arg0, %add3A_35, %dma_start3A] : memref<3x2x10240x128xf32, #tpu.memory_space<hbm>> -> memref<1x1x128x128xf32, #tpu.memory_space<hbm>>
      %dma_start3A_131 = tpu.memref_squeeze %dma_start3A_130 : memref<1x1x128x128xf32, #tpu.memory_space<hbm>> -> memref<128x128xf32, #tpu.memory_space<hbm>>
      %dma_start3A_132 = arith.constant 0 : i32
      %dma_start3A_133 = tpu.memref_slice %arg6[%run_scoped3A_36, %arg0, %add3A_35, %dma_start3A_132] : memref<3x2x10240x128xf32, #tpu.memory_space<hbm>> -> memref<1x1x128x128xf32, #tpu.memory_space<hbm>>
      %dma_start3A_134 = tpu.memref_squeeze %dma_start3A_133 : memref<1x1x128x128xf32, #tpu.memory_space<hbm>> -> memref<128x128xf32, #tpu.memory_space<hbm>>
      tpu.enqueue_dma source(%arg10 : memref<128x128xf32, #tpu.memory_space<vmem>>) target(%dma_start3A_134 : memref<128x128xf32, #tpu.memory_space<hbm>>) target_semaphore(%run_scoped3A_129 : memref<!tpu.dma_semaphore, #tpu.memory_space<semaphore_mem>>)
      %dma_wait3A = arith.constant 0 : i32
      %dma_wait3A_135 = tpu.memref_slice %arg6[%run_scoped3A_36, %arg0, %add3A_35, %dma_wait3A] : memref<3x2x10240x128xf32, #tpu.memory_space<hbm>> -> memref<1x1x128x128xf32, #tpu.memory_space<hbm>>
      %dma_wait3A_136 = tpu.memref_squeeze %dma_wait3A_135 : memref<1x1x128x128xf32, #tpu.memory_space<hbm>> -> memref<128x128xf32, #tpu.memory_space<hbm>>
      %dma_wait3A_137 = arith.constant 0 : i32
      %dma_wait3A_138 = tpu.memref_slice %arg6[%run_scoped3A_36, %arg0, %add3A_35, %dma_wait3A_137] : memref<3x2x10240x128xf32, #tpu.memory_space<hbm>> -> memref<1x1x128x128xf32, #tpu.memory_space<hbm>>
      %dma_wait3A_139 = tpu.memref_squeeze %dma_wait3A_138 : memref<1x1x128x128xf32, #tpu.memory_space<hbm>> -> memref<128x128xf32, #tpu.memory_space<hbm>>
      tpu.wait_dma2 semaphore(%run_scoped3A_129 : memref<!tpu.dma_semaphore, #tpu.memory_space<semaphore_mem>>) src(%arg10 : memref<128x128xf32, #tpu.memory_space<vmem>>) dst(%dma_wait3A_139 : memref<128x128xf32, #tpu.memory_space<hbm>>)
      tpu.yield
    }) : () -> ()
    %add3A_37 = arith.constant 512 : i32
    %add3A_38 = arith.addi %mul3A_2, %add3A_37 : i32
    "tpu.region"() ({
      %run_scoped3A_129 = tpu.sem_alloc : memref<!tpu.dma_semaphore, #tpu.memory_space<semaphore_mem>>
      %dma_start3A = arith.constant 0 : i32
      %dma_start3A_130 = tpu.memref_slice %arg7[%add3A_38, %dma_start3A] : memref<10240x128xf32, #tpu.memory_space<vmem_shared>> -> memref<128x128xf32, #tpu.memory_space<vmem_shared>>
      %dma_start3A_131 = arith.constant 0 : i32
      %dma_start3A_132 = tpu.memref_slice %arg7[%add3A_38, %dma_start3A_131] : memref<10240x128xf32, #tpu.memory_space<vmem_shared>> -> memref<128x128xf32, #tpu.memory_space<vmem_shared>>
      tpu.enqueue_dma source(%dma_start3A_132 : memref<128x128xf32, #tpu.memory_space<vmem_shared>>) target(%arg10 : memref<128x128xf32, #tpu.memory_space<vmem>>) target_semaphore(%run_scoped3A_129 : memref<!tpu.dma_semaphore, #tpu.memory_space<semaphore_mem>>)
      %dma_wait3A = arith.constant 0 : i32
      %dma_wait3A_133 = tpu.memref_slice %arg7[%add3A_38, %dma_wait3A] : memref<10240x128xf32, #tpu.memory_space<vmem_shared>> -> memref<128x128xf32, #tpu.memory_space<vmem_shared>>
      %dma_wait3A_134 = arith.constant 0 : i32
      %dma_wait3A_135 = tpu.memref_slice %arg7[%add3A_38, %dma_wait3A_134] : memref<10240x128xf32, #tpu.memory_space<vmem_shared>> -> memref<128x128xf32, #tpu.memory_space<vmem_shared>>
      tpu.wait_dma2 semaphore(%run_scoped3A_129 : memref<!tpu.dma_semaphore, #tpu.memory_space<semaphore_mem>>) src(%dma_wait3A_135 : memref<128x128xf32, #tpu.memory_space<vmem_shared>>) dst(%arg10 : memref<128x128xf32, #tpu.memory_space<vmem>>)
      tpu.yield
    }) : () -> ()
    %add3A_39 = arith.constant 512 : i32
    %add3A_40 = arith.addi %mul3A_2, %add3A_39 : i32
    %run_scoped3A_41 = arith.constant 0 : i32
    "tpu.region"() ({
      %run_scoped3A_129 = tpu.sem_alloc : memref<!tpu.dma_semaphore, #tpu.memory_space<semaphore_mem>>
      %dma_start3A = arith.constant 0 : i32
      %dma_start3A_130 = tpu.memref_slice %arg6[%run_scoped3A_41, %arg0, %add3A_40, %dma_start3A] : memref<3x2x10240x128xf32, #tpu.memory_space<hbm>> -> memref<1x1x128x128xf32, #tpu.memory_space<hbm>>
      %dma_start3A_131 = tpu.memref_squeeze %dma_start3A_130 : memref<1x1x128x128xf32, #tpu.memory_space<hbm>> -> memref<128x128xf32, #tpu.memory_space<hbm>>
      %dma_start3A_132 = arith.constant 0 : i32
      %dma_start3A_133 = tpu.memref_slice %arg6[%run_scoped3A_41, %arg0, %add3A_40, %dma_start3A_132] : memref<3x2x10240x128xf32, #tpu.memory_space<hbm>> -> memref<1x1x128x128xf32, #tpu.memory_space<hbm>>
      %dma_start3A_134 = tpu.memref_squeeze %dma_start3A_133 : memref<1x1x128x128xf32, #tpu.memory_space<hbm>> -> memref<128x128xf32, #tpu.memory_space<hbm>>
      tpu.enqueue_dma source(%arg10 : memref<128x128xf32, #tpu.memory_space<vmem>>) target(%dma_start3A_134 : memref<128x128xf32, #tpu.memory_space<hbm>>) target_semaphore(%run_scoped3A_129 : memref<!tpu.dma_semaphore, #tpu.memory_space<semaphore_mem>>)
      %dma_wait3A = arith.constant 0 : i32
      %dma_wait3A_135 = tpu.memref_slice %arg6[%run_scoped3A_41, %arg0, %add3A_40, %dma_wait3A] : memref<3x2x10240x128xf32, #tpu.memory_space<hbm>> -> memref<1x1x128x128xf32, #tpu.memory_space<hbm>>
      %dma_wait3A_136 = tpu.memref_squeeze %dma_wait3A_135 : memref<1x1x128x128xf32, #tpu.memory_space<hbm>> -> memref<128x128xf32, #tpu.memory_space<hbm>>
      %dma_wait3A_137 = arith.constant 0 : i32
      %dma_wait3A_138 = tpu.memref_slice %arg6[%run_scoped3A_41, %arg0, %add3A_40, %dma_wait3A_137] : memref<3x2x10240x128xf32, #tpu.memory_space<hbm>> -> memref<1x1x128x128xf32, #tpu.memory_space<hbm>>
      %dma_wait3A_139 = tpu.memref_squeeze %dma_wait3A_138 : memref<1x1x128x128xf32, #tpu.memory_space<hbm>> -> memref<128x128xf32, #tpu.memory_space<hbm>>
      tpu.wait_dma2 semaphore(%run_scoped3A_129 : memref<!tpu.dma_semaphore, #tpu.memory_space<semaphore_mem>>) src(%arg10 : memref<128x128xf32, #tpu.memory_space<vmem>>) dst(%dma_wait3A_139 : memref<128x128xf32, #tpu.memory_space<hbm>>)
      tpu.yield
    }) : () -> ()
    %barrier3A_42 = arith.constant 0 : index
    tpu.barrier barrier_id(%barrier3A_42)
    "tpu.region"() ({
      %run_scoped3A_129 = tpu.sem_alloc : memref<!tpu.dma_semaphore, #tpu.memory_space<semaphore_mem>>
      tpu.enqueue_dma source(%arg5 : memref<128x128xf32, #tpu.memory_space<hbm>>) target(%arg10 : memref<128x128xf32, #tpu.memory_space<vmem>>) target_semaphore(%run_scoped3A_129 : memref<!tpu.dma_semaphore, #tpu.memory_space<semaphore_mem>>)
      tpu.wait_dma2 semaphore(%run_scoped3A_129 : memref<!tpu.dma_semaphore, #tpu.memory_space<semaphore_mem>>) src(%arg5 : memref<128x128xf32, #tpu.memory_space<hbm>>) dst(%arg10 : memref<128x128xf32, #tpu.memory_space<vmem>>)
      tpu.yield
    }) : () -> ()
    %add3A_43 = arith.constant 0 : i32
    %add3A_44 = arith.addi %mul3A_2, %add3A_43 : i32
    "tpu.region"() ({
      %run_scoped3A_129 = tpu.sem_alloc : memref<!tpu.dma_semaphore, #tpu.memory_space<semaphore_mem>>
      %dma_start3A = arith.constant 0 : i32
      %dma_start3A_130 = tpu.memref_slice %arg7[%add3A_44, %dma_start3A] : memref<10240x128xf32, #tpu.memory_space<vmem_shared>> -> memref<128x128xf32, #tpu.memory_space<vmem_shared>>
      %dma_start3A_131 = arith.constant 0 : i32
      %dma_start3A_132 = tpu.memref_slice %arg7[%add3A_44, %dma_start3A_131] : memref<10240x128xf32, #tpu.memory_space<vmem_shared>> -> memref<128x128xf32, #tpu.memory_space<vmem_shared>>
      tpu.enqueue_dma source(%arg10 : memref<128x128xf32, #tpu.memory_space<vmem>>) target(%dma_start3A_132 : memref<128x128xf32, #tpu.memory_space<vmem_shared>>) target_semaphore(%run_scoped3A_129 : memref<!tpu.dma_semaphore, #tpu.memory_space<semaphore_mem>>)
      %dma_wait3A = arith.constant 0 : i32
      %dma_wait3A_133 = tpu.memref_slice %arg7[%add3A_44, %dma_wait3A] : memref<10240x128xf32, #tpu.memory_space<vmem_shared>> -> memref<128x128xf32, #tpu.memory_space<vmem_shared>>
      %dma_wait3A_134 = arith.constant 0 : i32
      %dma_wait3A_135 = tpu.memref_slice %arg7[%add3A_44, %dma_wait3A_134] : memref<10240x128xf32, #tpu.memory_space<vmem_shared>> -> memref<128x128xf32, #tpu.memory_space<vmem_shared>>
      tpu.wait_dma2 semaphore(%run_scoped3A_129 : memref<!tpu.dma_semaphore, #tpu.memory_space<semaphore_mem>>) src(%arg10 : memref<128x128xf32, #tpu.memory_space<vmem>>) dst(%dma_wait3A_135 : memref<128x128xf32, #tpu.memory_space<vmem_shared>>)
      tpu.yield
    }) : () -> ()
    %add3A_45 = arith.constant 128 : i32
    %add3A_46 = arith.addi %mul3A_2, %add3A_45 : i32
    "tpu.region"() ({
      %run_scoped3A_129 = tpu.sem_alloc : memref<!tpu.dma_semaphore, #tpu.memory_space<semaphore_mem>>
      %dma_start3A = arith.constant 0 : i32
      %dma_start3A_130 = tpu.memref_slice %arg7[%add3A_46, %dma_start3A] : memref<10240x128xf32, #tpu.memory_space<vmem_shared>> -> memref<128x128xf32, #tpu.memory_space<vmem_shared>>
      %dma_start3A_131 = arith.constant 0 : i32
      %dma_start3A_132 = tpu.memref_slice %arg7[%add3A_46, %dma_start3A_131] : memref<10240x128xf32, #tpu.memory_space<vmem_shared>> -> memref<128x128xf32, #tpu.memory_space<vmem_shared>>
      tpu.enqueue_dma source(%arg10 : memref<128x128xf32, #tpu.memory_space<vmem>>) target(%dma_start3A_132 : memref<128x128xf32, #tpu.memory_space<vmem_shared>>) target_semaphore(%run_scoped3A_129 : memref<!tpu.dma_semaphore, #tpu.memory_space<semaphore_mem>>)
      %dma_wait3A = arith.constant 0 : i32
      %dma_wait3A_133 = tpu.memref_slice %arg7[%add3A_46, %dma_wait3A] : memref<10240x128xf32, #tpu.memory_space<vmem_shared>> -> memref<128x128xf32, #tpu.memory_space<vmem_shared>>
      %dma_wait3A_134 = arith.constant 0 : i32
      %dma_wait3A_135 = tpu.memref_slice %arg7[%add3A_46, %dma_wait3A_134] : memref<10240x128xf32, #tpu.memory_space<vmem_shared>> -> memref<128x128xf32, #tpu.memory_space<vmem_shared>>
      tpu.wait_dma2 semaphore(%run_scoped3A_129 : memref<!tpu.dma_semaphore, #tpu.memory_space<semaphore_mem>>) src(%arg10 : memref<128x128xf32, #tpu.memory_space<vmem>>) dst(%dma_wait3A_135 : memref<128x128xf32, #tpu.memory_space<vmem_shared>>)
      tpu.yield
    }) : () -> ()
    %add3A_47 = arith.constant 256 : i32
    %add3A_48 = arith.addi %mul3A_2, %add3A_47 : i32
    "tpu.region"() ({
      %run_scoped3A_129 = tpu.sem_alloc : memref<!tpu.dma_semaphore, #tpu.memory_space<semaphore_mem>>
      %dma_start3A = arith.constant 0 : i32
      %dma_start3A_130 = tpu.memref_slice %arg7[%add3A_48, %dma_start3A] : memref<10240x128xf32, #tpu.memory_space<vmem_shared>> -> memref<128x128xf32, #tpu.memory_space<vmem_shared>>
      %dma_start3A_131 = arith.constant 0 : i32
      %dma_start3A_132 = tpu.memref_slice %arg7[%add3A_48, %dma_start3A_131] : memref<10240x128xf32, #tpu.memory_space<vmem_shared>> -> memref<128x128xf32, #tpu.memory_space<vmem_shared>>
      tpu.enqueue_dma source(%arg10 : memref<128x128xf32, #tpu.memory_space<vmem>>) target(%dma_start3A_132 : memref<128x128xf32, #tpu.memory_space<vmem_shared>>) target_semaphore(%run_scoped3A_129 : memref<!tpu.dma_semaphore, #tpu.memory_space<semaphore_mem>>)
      %dma_wait3A = arith.constant 0 : i32
      %dma_wait3A_133 = tpu.memref_slice %arg7[%add3A_48, %dma_wait3A] : memref<10240x128xf32, #tpu.memory_space<vmem_shared>> -> memref<128x128xf32, #tpu.memory_space<vmem_shared>>
      %dma_wait3A_134 = arith.constant 0 : i32
      %dma_wait3A_135 = tpu.memref_slice %arg7[%add3A_48, %dma_wait3A_134] : memref<10240x128xf32, #tpu.memory_space<vmem_shared>> -> memref<128x128xf32, #tpu.memory_space<vmem_shared>>
      tpu.wait_dma2 semaphore(%run_scoped3A_129 : memref<!tpu.dma_semaphore, #tpu.memory_space<semaphore_mem>>) src(%arg10 : memref<128x128xf32, #tpu.memory_space<vmem>>) dst(%dma_wait3A_135 : memref<128x128xf32, #tpu.memory_space<vmem_shared>>)
      tpu.yield
    }) : () -> ()
    %add3A_49 = arith.constant 384 : i32
    %add3A_50 = arith.addi %mul3A_2, %add3A_49 : i32
    "tpu.region"() ({
      %run_scoped3A_129 = tpu.sem_alloc : memref<!tpu.dma_semaphore, #tpu.memory_space<semaphore_mem>>
      %dma_start3A = arith.constant 0 : i32
      %dma_start3A_130 = tpu.memref_slice %arg7[%add3A_50, %dma_start3A] : memref<10240x128xf32, #tpu.memory_space<vmem_shared>> -> memref<128x128xf32, #tpu.memory_space<vmem_shared>>
      %dma_start3A_131 = arith.constant 0 : i32
      %dma_start3A_132 = tpu.memref_slice %arg7[%add3A_50, %dma_start3A_131] : memref<10240x128xf32, #tpu.memory_space<vmem_shared>> -> memref<128x128xf32, #tpu.memory_space<vmem_shared>>
      tpu.enqueue_dma source(%arg10 : memref<128x128xf32, #tpu.memory_space<vmem>>) target(%dma_start3A_132 : memref<128x128xf32, #tpu.memory_space<vmem_shared>>) target_semaphore(%run_scoped3A_129 : memref<!tpu.dma_semaphore, #tpu.memory_space<semaphore_mem>>)
      %dma_wait3A = arith.constant 0 : i32
      %dma_wait3A_133 = tpu.memref_slice %arg7[%add3A_50, %dma_wait3A] : memref<10240x128xf32, #tpu.memory_space<vmem_shared>> -> memref<128x128xf32, #tpu.memory_space<vmem_shared>>
      %dma_wait3A_134 = arith.constant 0 : i32
      %dma_wait3A_135 = tpu.memref_slice %arg7[%add3A_50, %dma_wait3A_134] : memref<10240x128xf32, #tpu.memory_space<vmem_shared>> -> memref<128x128xf32, #tpu.memory_space<vmem_shared>>
      tpu.wait_dma2 semaphore(%run_scoped3A_129 : memref<!tpu.dma_semaphore, #tpu.memory_space<semaphore_mem>>) src(%arg10 : memref<128x128xf32, #tpu.memory_space<vmem>>) dst(%dma_wait3A_135 : memref<128x128xf32, #tpu.memory_space<vmem_shared>>)
      tpu.yield
    }) : () -> ()
    %add3A_51 = arith.constant 512 : i32
    %add3A_52 = arith.addi %mul3A_2, %add3A_51 : i32
    "tpu.region"() ({
      %run_scoped3A_129 = tpu.sem_alloc : memref<!tpu.dma_semaphore, #tpu.memory_space<semaphore_mem>>
      %dma_start3A = arith.constant 0 : i32
      %dma_start3A_130 = tpu.memref_slice %arg7[%add3A_52, %dma_start3A] : memref<10240x128xf32, #tpu.memory_space<vmem_shared>> -> memref<128x128xf32, #tpu.memory_space<vmem_shared>>
      %dma_start3A_131 = arith.constant 0 : i32
      %dma_start3A_132 = tpu.memref_slice %arg7[%add3A_52, %dma_start3A_131] : memref<10240x128xf32, #tpu.memory_space<vmem_shared>> -> memref<128x128xf32, #tpu.memory_space<vmem_shared>>
      tpu.enqueue_dma source(%arg10 : memref<128x128xf32, #tpu.memory_space<vmem>>) target(%dma_start3A_132 : memref<128x128xf32, #tpu.memory_space<vmem_shared>>) target_semaphore(%run_scoped3A_129 : memref<!tpu.dma_semaphore, #tpu.memory_space<semaphore_mem>>)
      %dma_wait3A = arith.constant 0 : i32
      %dma_wait3A_133 = tpu.memref_slice %arg7[%add3A_52, %dma_wait3A] : memref<10240x128xf32, #tpu.memory_space<vmem_shared>> -> memref<128x128xf32, #tpu.memory_space<vmem_shared>>
      %dma_wait3A_134 = arith.constant 0 : i32
      %dma_wait3A_135 = tpu.memref_slice %arg7[%add3A_52, %dma_wait3A_134] : memref<10240x128xf32, #tpu.memory_space<vmem_shared>> -> memref<128x128xf32, #tpu.memory_space<vmem_shared>>
      tpu.wait_dma2 semaphore(%run_scoped3A_129 : memref<!tpu.dma_semaphore, #tpu.memory_space<semaphore_mem>>) src(%arg10 : memref<128x128xf32, #tpu.memory_space<vmem>>) dst(%dma_wait3A_135 : memref<128x128xf32, #tpu.memory_space<vmem_shared>>)
      tpu.yield
    }) : () -> ()
    %barrier3A_53 = arith.constant 0 : index
    tpu.barrier barrier_id(%barrier3A_53)
    %scan3A_54 = arith.constant 0 : i32
    %scan3A_55 = arith.constant 79 : i32
    %scan3A_56 = arith.addi %scan3A_54, %scan3A_55 : i32
    %scan3A_57 = arith.constant 1 : i32
    scf.for %scan3A_129 = %scan3A_54 to %scan3A_56 step %scan3A_57  : i32 {
      %mul3A_130 = arith.constant 1 : i32
      %mul3A_131 = arith.muli %scan3A_129, %mul3A_130 : i32
      %add3A_132 = arith.constant 0 : i32
      %add3A_133 = arith.addi %add3A_132, %mul3A_131 : i32
      %mul3A_134 = arith.constant 79 : i32
      %mul3A_135 = arith.muli %add3A, %mul3A_134 : i32
      %add3A_136 = arith.addi %mul3A_135, %add3A_133 : i32
      %mul3A_137 = arith.constant 128 : i32
      %mul3A_138 = arith.muli %add3A_136, %mul3A_137 : i32
      %add3A_139 = arith.constant 323584 : i32
      %add3A_140 = arith.addi %add3A_139, %mul3A_138 : i32
      "tpu.region"() ({
        %run_scoped3A_145 = tpu.sem_alloc : memref<!tpu.dma_semaphore, #tpu.memory_space<semaphore_mem>>
        %dma_start3A_146 = tpu.memref_slice %arg3[%add3A_140] : memref<970752xi32, #tpu.memory_space<hbm>> -> memref<128xi32, #tpu.memory_space<hbm>>
        %dma_start3A_147 = tpu.memref_slice %arg3[%add3A_140] : memref<970752xi32, #tpu.memory_space<hbm>> -> memref<128xi32, #tpu.memory_space<hbm>>
        tpu.enqueue_dma source(%dma_start3A_147 : memref<128xi32, #tpu.memory_space<hbm>>) target(%arg8 : memref<128xi32, #tpu.memory_space<vmem>>) target_semaphore(%run_scoped3A_145 : memref<!tpu.dma_semaphore, #tpu.memory_space<semaphore_mem>>)
        %dma_wait3A_148 = tpu.memref_slice %arg3[%add3A_140] : memref<970752xi32, #tpu.memory_space<hbm>> -> memref<128xi32, #tpu.memory_space<hbm>>
        %dma_wait3A_149 = tpu.memref_slice %arg3[%add3A_140] : memref<970752xi32, #tpu.memory_space<hbm>> -> memref<128xi32, #tpu.memory_space<hbm>>
        tpu.wait_dma2 semaphore(%run_scoped3A_145 : memref<!tpu.dma_semaphore, #tpu.memory_space<semaphore_mem>>) src(%dma_wait3A_149 : memref<128xi32, #tpu.memory_space<hbm>>) dst(%arg8 : memref<128xi32, #tpu.memory_space<vmem>>)
        tpu.yield
      }) : () -> ()
      "tpu.region"() ({
        %run_scoped3A_145 = tpu.sem_alloc : memref<!tpu.dma_semaphore, #tpu.memory_space<semaphore_mem>>
        %dma_start3A_146 = tpu.memref_slice %arg4[%add3A_140] : memref<970752xi32, #tpu.memory_space<hbm>> -> memref<128xi32, #tpu.memory_space<hbm>>
        %dma_start3A_147 = tpu.memref_slice %arg4[%add3A_140] : memref<970752xi32, #tpu.memory_space<hbm>> -> memref<128xi32, #tpu.memory_space<hbm>>
        tpu.enqueue_dma source(%dma_start3A_147 : memref<128xi32, #tpu.memory_space<hbm>>) target(%arg9 : memref<128xi32, #tpu.memory_space<vmem>>) target_semaphore(%run_scoped3A_145 : memref<!tpu.dma_semaphore, #tpu.memory_space<semaphore_mem>>)
        %dma_wait3A_148 = tpu.memref_slice %arg4[%add3A_140] : memref<970752xi32, #tpu.memory_space<hbm>> -> memref<128xi32, #tpu.memory_space<hbm>>
        %dma_wait3A_149 = tpu.memref_slice %arg4[%add3A_140] : memref<970752xi32, #tpu.memory_space<hbm>> -> memref<128xi32, #tpu.memory_space<hbm>>
        tpu.wait_dma2 semaphore(%run_scoped3A_145 : memref<!tpu.dma_semaphore, #tpu.memory_space<semaphore_mem>>) src(%dma_wait3A_149 : memref<128xi32, #tpu.memory_space<hbm>>) dst(%arg9 : memref<128xi32, #tpu.memory_space<vmem>>)
        tpu.yield
      }) : () -> ()
      %dma_start3A = arith.constant 0 : i32
      %dma_start3A_141 = arith.constant 0 : i32
      %dma_start3A_142 = tpu.memref_slice %arg2[%dma_start3A, %dma_start3A_141] : memref<10000x128xf32, #tpu.memory_space<hbm>> -> memref<10000x128xf32, #tpu.memory_space<hbm>>
      tpu.enqueue_indirect_dma source(%dma_start3A_142 : memref<10000x128xf32, #tpu.memory_space<hbm>>) target(%arg10 : memref<128x128xf32, #tpu.memory_space<vmem>>) offsets(%arg8 : memref<128xi32, #tpu.memory_space<vmem>>) semaphore(%arg11 : memref<!tpu.dma_semaphore, #tpu.memory_space<semaphore_mem>>)
      %dma_wait3A = arith.constant 0 : i32
      %dma_wait3A_143 = arith.constant 0 : i32
      %dma_wait3A_144 = tpu.memref_slice %arg2[%dma_wait3A, %dma_wait3A_143] : memref<10000x128xf32, #tpu.memory_space<hbm>> -> memref<10000x128xf32, #tpu.memory_space<hbm>>
      tpu.wait_indirect_dma semaphore(%arg11 : memref<!tpu.dma_semaphore, #tpu.memory_space<semaphore_mem>>) src(%dma_wait3A_144 : memref<10000x128xf32, #tpu.memory_space<hbm>>) dst(%arg10 : memref<128x128xf32, #tpu.memory_space<vmem>>)
      "tpu.region"() ({
        %run_scoped3A_145 = tpu.sem_alloc : memref<!tpu.dma_semaphore, #tpu.memory_space<semaphore_mem>>
        %dma_start3A_146 = arith.constant 0 : i32
        %dma_start3A_147 = arith.constant 0 : i32
        %dma_start3A_148 = tpu.memref_slice %arg7[%dma_start3A_146, %dma_start3A_147] : memref<10240x128xf32, #tpu.memory_space<vmem_shared>> -> memref<10240x128xf32, #tpu.memory_space<vmem_shared>>
        tpu.enqueue_indirect_dma source(%arg10 : memref<128x128xf32, #tpu.memory_space<vmem>>) target(%dma_start3A_148 : memref<10240x128xf32, #tpu.memory_space<vmem_shared>>) offsets(%arg9 : memref<128xi32, #tpu.memory_space<vmem>>) semaphore(%run_scoped3A_145 : memref<!tpu.dma_semaphore, #tpu.memory_space<semaphore_mem>>) {add = true}
        %dma_wait3A_149 = arith.constant 0 : i32
        %dma_wait3A_150 = arith.constant 0 : i32
        %dma_wait3A_151 = tpu.memref_slice %arg7[%dma_wait3A_149, %dma_wait3A_150] : memref<10240x128xf32, #tpu.memory_space<vmem_shared>> -> memref<10240x128xf32, #tpu.memory_space<vmem_shared>>
        tpu.wait_indirect_dma semaphore(%run_scoped3A_145 : memref<!tpu.dma_semaphore, #tpu.memory_space<semaphore_mem>>) src(%arg10 : memref<128x128xf32, #tpu.memory_space<vmem>>) dst(%dma_wait3A_151 : memref<10240x128xf32, #tpu.memory_space<vmem_shared>>)
        tpu.yield
      }) : () -> ()
    }
    %scan3A_58 = arith.constant 79 : i32
    %barrier3A_59 = arith.constant 0 : index
    tpu.barrier barrier_id(%barrier3A_59)
    %add3A_60 = arith.constant 0 : i32
    %add3A_61 = arith.addi %mul3A_2, %add3A_60 : i32
    "tpu.region"() ({
      %run_scoped3A_129 = tpu.sem_alloc : memref<!tpu.dma_semaphore, #tpu.memory_space<semaphore_mem>>
      %dma_start3A = arith.constant 0 : i32
      %dma_start3A_130 = tpu.memref_slice %arg7[%add3A_61, %dma_start3A] : memref<10240x128xf32, #tpu.memory_space<vmem_shared>> -> memref<128x128xf32, #tpu.memory_space<vmem_shared>>
      %dma_start3A_131 = arith.constant 0 : i32
      %dma_start3A_132 = tpu.memref_slice %arg7[%add3A_61, %dma_start3A_131] : memref<10240x128xf32, #tpu.memory_space<vmem_shared>> -> memref<128x128xf32, #tpu.memory_space<vmem_shared>>
      tpu.enqueue_dma source(%dma_start3A_132 : memref<128x128xf32, #tpu.memory_space<vmem_shared>>) target(%arg10 : memref<128x128xf32, #tpu.memory_space<vmem>>) target_semaphore(%run_scoped3A_129 : memref<!tpu.dma_semaphore, #tpu.memory_space<semaphore_mem>>)
      %dma_wait3A = arith.constant 0 : i32
      %dma_wait3A_133 = tpu.memref_slice %arg7[%add3A_61, %dma_wait3A] : memref<10240x128xf32, #tpu.memory_space<vmem_shared>> -> memref<128x128xf32, #tpu.memory_space<vmem_shared>>
      %dma_wait3A_134 = arith.constant 0 : i32
      %dma_wait3A_135 = tpu.memref_slice %arg7[%add3A_61, %dma_wait3A_134] : memref<10240x128xf32, #tpu.memory_space<vmem_shared>> -> memref<128x128xf32, #tpu.memory_space<vmem_shared>>
      tpu.wait_dma2 semaphore(%run_scoped3A_129 : memref<!tpu.dma_semaphore, #tpu.memory_space<semaphore_mem>>) src(%dma_wait3A_135 : memref<128x128xf32, #tpu.memory_space<vmem_shared>>) dst(%arg10 : memref<128x128xf32, #tpu.memory_space<vmem>>)
      tpu.yield
    }) : () -> ()
    %add3A_62 = arith.constant 0 : i32
    %add3A_63 = arith.addi %mul3A_2, %add3A_62 : i32
    %run_scoped3A_64 = arith.constant 1 : i32
    "tpu.region"() ({
      %run_scoped3A_129 = tpu.sem_alloc : memref<!tpu.dma_semaphore, #tpu.memory_space<semaphore_mem>>
      %dma_start3A = arith.constant 0 : i32
      %dma_start3A_130 = tpu.memref_slice %arg6[%run_scoped3A_64, %arg0, %add3A_63, %dma_start3A] : memref<3x2x10240x128xf32, #tpu.memory_space<hbm>> -> memref<1x1x128x128xf32, #tpu.memory_space<hbm>>
      %dma_start3A_131 = tpu.memref_squeeze %dma_start3A_130 : memref<1x1x128x128xf32, #tpu.memory_space<hbm>> -> memref<128x128xf32, #tpu.memory_space<hbm>>
      %dma_start3A_132 = arith.constant 0 : i32
      %dma_start3A_133 = tpu.memref_slice %arg6[%run_scoped3A_64, %arg0, %add3A_63, %dma_start3A_132] : memref<3x2x10240x128xf32, #tpu.memory_space<hbm>> -> memref<1x1x128x128xf32, #tpu.memory_space<hbm>>
      %dma_start3A_134 = tpu.memref_squeeze %dma_start3A_133 : memref<1x1x128x128xf32, #tpu.memory_space<hbm>> -> memref<128x128xf32, #tpu.memory_space<hbm>>
      tpu.enqueue_dma source(%arg10 : memref<128x128xf32, #tpu.memory_space<vmem>>) target(%dma_start3A_134 : memref<128x128xf32, #tpu.memory_space<hbm>>) target_semaphore(%run_scoped3A_129 : memref<!tpu.dma_semaphore, #tpu.memory_space<semaphore_mem>>)
      %dma_wait3A = arith.constant 0 : i32
      %dma_wait3A_135 = tpu.memref_slice %arg6[%run_scoped3A_64, %arg0, %add3A_63, %dma_wait3A] : memref<3x2x10240x128xf32, #tpu.memory_space<hbm>> -> memref<1x1x128x128xf32, #tpu.memory_space<hbm>>
      %dma_wait3A_136 = tpu.memref_squeeze %dma_wait3A_135 : memref<1x1x128x128xf32, #tpu.memory_space<hbm>> -> memref<128x128xf32, #tpu.memory_space<hbm>>
      %dma_wait3A_137 = arith.constant 0 : i32
      %dma_wait3A_138 = tpu.memref_slice %arg6[%run_scoped3A_64, %arg0, %add3A_63, %dma_wait3A_137] : memref<3x2x10240x128xf32, #tpu.memory_space<hbm>> -> memref<1x1x128x128xf32, #tpu.memory_space<hbm>>
      %dma_wait3A_139 = tpu.memref_squeeze %dma_wait3A_138 : memref<1x1x128x128xf32, #tpu.memory_space<hbm>> -> memref<128x128xf32, #tpu.memory_space<hbm>>
      tpu.wait_dma2 semaphore(%run_scoped3A_129 : memref<!tpu.dma_semaphore, #tpu.memory_space<semaphore_mem>>) src(%arg10 : memref<128x128xf32, #tpu.memory_space<vmem>>) dst(%dma_wait3A_139 : memref<128x128xf32, #tpu.memory_space<hbm>>)
      tpu.yield
    }) : () -> ()
    %add3A_65 = arith.constant 128 : i32
    %add3A_66 = arith.addi %mul3A_2, %add3A_65 : i32
    "tpu.region"() ({
      %run_scoped3A_129 = tpu.sem_alloc : memref<!tpu.dma_semaphore, #tpu.memory_space<semaphore_mem>>
      %dma_start3A = arith.constant 0 : i32
      %dma_start3A_130 = tpu.memref_slice %arg7[%add3A_66, %dma_start3A] : memref<10240x128xf32, #tpu.memory_space<vmem_shared>> -> memref<128x128xf32, #tpu.memory_space<vmem_shared>>
      %dma_start3A_131 = arith.constant 0 : i32
      %dma_start3A_132 = tpu.memref_slice %arg7[%add3A_66, %dma_start3A_131] : memref<10240x128xf32, #tpu.memory_space<vmem_shared>> -> memref<128x128xf32, #tpu.memory_space<vmem_shared>>
      tpu.enqueue_dma source(%dma_start3A_132 : memref<128x128xf32, #tpu.memory_space<vmem_shared>>) target(%arg10 : memref<128x128xf32, #tpu.memory_space<vmem>>) target_semaphore(%run_scoped3A_129 : memref<!tpu.dma_semaphore, #tpu.memory_space<semaphore_mem>>)
      %dma_wait3A = arith.constant 0 : i32
      %dma_wait3A_133 = tpu.memref_slice %arg7[%add3A_66, %dma_wait3A] : memref<10240x128xf32, #tpu.memory_space<vmem_shared>> -> memref<128x128xf32, #tpu.memory_space<vmem_shared>>
      %dma_wait3A_134 = arith.constant 0 : i32
      %dma_wait3A_135 = tpu.memref_slice %arg7[%add3A_66, %dma_wait3A_134] : memref<10240x128xf32, #tpu.memory_space<vmem_shared>> -> memref<128x128xf32, #tpu.memory_space<vmem_shared>>
      tpu.wait_dma2 semaphore(%run_scoped3A_129 : memref<!tpu.dma_semaphore, #tpu.memory_space<semaphore_mem>>) src(%dma_wait3A_135 : memref<128x128xf32, #tpu.memory_space<vmem_shared>>) dst(%arg10 : memref<128x128xf32, #tpu.memory_space<vmem>>)
      tpu.yield
    }) : () -> ()
    %add3A_67 = arith.constant 128 : i32
    %add3A_68 = arith.addi %mul3A_2, %add3A_67 : i32
    %run_scoped3A_69 = arith.constant 1 : i32
    "tpu.region"() ({
      %run_scoped3A_129 = tpu.sem_alloc : memref<!tpu.dma_semaphore, #tpu.memory_space<semaphore_mem>>
      %dma_start3A = arith.constant 0 : i32
      %dma_start3A_130 = tpu.memref_slice %arg6[%run_scoped3A_69, %arg0, %add3A_68, %dma_start3A] : memref<3x2x10240x128xf32, #tpu.memory_space<hbm>> -> memref<1x1x128x128xf32, #tpu.memory_space<hbm>>
      %dma_start3A_131 = tpu.memref_squeeze %dma_start3A_130 : memref<1x1x128x128xf32, #tpu.memory_space<hbm>> -> memref<128x128xf32, #tpu.memory_space<hbm>>
      %dma_start3A_132 = arith.constant 0 : i32
      %dma_start3A_133 = tpu.memref_slice %arg6[%run_scoped3A_69, %arg0, %add3A_68, %dma_start3A_132] : memref<3x2x10240x128xf32, #tpu.memory_space<hbm>> -> memref<1x1x128x128xf32, #tpu.memory_space<hbm>>
      %dma_start3A_134 = tpu.memref_squeeze %dma_start3A_133 : memref<1x1x128x128xf32, #tpu.memory_space<hbm>> -> memref<128x128xf32, #tpu.memory_space<hbm>>
      tpu.enqueue_dma source(%arg10 : memref<128x128xf32, #tpu.memory_space<vmem>>) target(%dma_start3A_134 : memref<128x128xf32, #tpu.memory_space<hbm>>) target_semaphore(%run_scoped3A_129 : memref<!tpu.dma_semaphore, #tpu.memory_space<semaphore_mem>>)
      %dma_wait3A = arith.constant 0 : i32
      %dma_wait3A_135 = tpu.memref_slice %arg6[%run_scoped3A_69, %arg0, %add3A_68, %dma_wait3A] : memref<3x2x10240x128xf32, #tpu.memory_space<hbm>> -> memref<1x1x128x128xf32, #tpu.memory_space<hbm>>
      %dma_wait3A_136 = tpu.memref_squeeze %dma_wait3A_135 : memref<1x1x128x128xf32, #tpu.memory_space<hbm>> -> memref<128x128xf32, #tpu.memory_space<hbm>>
      %dma_wait3A_137 = arith.constant 0 : i32
      %dma_wait3A_138 = tpu.memref_slice %arg6[%run_scoped3A_69, %arg0, %add3A_68, %dma_wait3A_137] : memref<3x2x10240x128xf32, #tpu.memory_space<hbm>> -> memref<1x1x128x128xf32, #tpu.memory_space<hbm>>
      %dma_wait3A_139 = tpu.memref_squeeze %dma_wait3A_138 : memref<1x1x128x128xf32, #tpu.memory_space<hbm>> -> memref<128x128xf32, #tpu.memory_space<hbm>>
      tpu.wait_dma2 semaphore(%run_scoped3A_129 : memref<!tpu.dma_semaphore, #tpu.memory_space<semaphore_mem>>) src(%arg10 : memref<128x128xf32, #tpu.memory_space<vmem>>) dst(%dma_wait3A_139 : memref<128x128xf32, #tpu.memory_space<hbm>>)
      tpu.yield
    }) : () -> ()
    %add3A_70 = arith.constant 256 : i32
    %add3A_71 = arith.addi %mul3A_2, %add3A_70 : i32
    "tpu.region"() ({
      %run_scoped3A_129 = tpu.sem_alloc : memref<!tpu.dma_semaphore, #tpu.memory_space<semaphore_mem>>
      %dma_start3A = arith.constant 0 : i32
      %dma_start3A_130 = tpu.memref_slice %arg7[%add3A_71, %dma_start3A] : memref<10240x128xf32, #tpu.memory_space<vmem_shared>> -> memref<128x128xf32, #tpu.memory_space<vmem_shared>>
      %dma_start3A_131 = arith.constant 0 : i32
      %dma_start3A_132 = tpu.memref_slice %arg7[%add3A_71, %dma_start3A_131] : memref<10240x128xf32, #tpu.memory_space<vmem_shared>> -> memref<128x128xf32, #tpu.memory_space<vmem_shared>>
      tpu.enqueue_dma source(%dma_start3A_132 : memref<128x128xf32, #tpu.memory_space<vmem_shared>>) target(%arg10 : memref<128x128xf32, #tpu.memory_space<vmem>>) target_semaphore(%run_scoped3A_129 : memref<!tpu.dma_semaphore, #tpu.memory_space<semaphore_mem>>)
      %dma_wait3A = arith.constant 0 : i32
      %dma_wait3A_133 = tpu.memref_slice %arg7[%add3A_71, %dma_wait3A] : memref<10240x128xf32, #tpu.memory_space<vmem_shared>> -> memref<128x128xf32, #tpu.memory_space<vmem_shared>>
      %dma_wait3A_134 = arith.constant 0 : i32
      %dma_wait3A_135 = tpu.memref_slice %arg7[%add3A_71, %dma_wait3A_134] : memref<10240x128xf32, #tpu.memory_space<vmem_shared>> -> memref<128x128xf32, #tpu.memory_space<vmem_shared>>
      tpu.wait_dma2 semaphore(%run_scoped3A_129 : memref<!tpu.dma_semaphore, #tpu.memory_space<semaphore_mem>>) src(%dma_wait3A_135 : memref<128x128xf32, #tpu.memory_space<vmem_shared>>) dst(%arg10 : memref<128x128xf32, #tpu.memory_space<vmem>>)
      tpu.yield
    }) : () -> ()
    %add3A_72 = arith.constant 256 : i32
    %add3A_73 = arith.addi %mul3A_2, %add3A_72 : i32
    %run_scoped3A_74 = arith.constant 1 : i32
    "tpu.region"() ({
      %run_scoped3A_129 = tpu.sem_alloc : memref<!tpu.dma_semaphore, #tpu.memory_space<semaphore_mem>>
      %dma_start3A = arith.constant 0 : i32
      %dma_start3A_130 = tpu.memref_slice %arg6[%run_scoped3A_74, %arg0, %add3A_73, %dma_start3A] : memref<3x2x10240x128xf32, #tpu.memory_space<hbm>> -> memref<1x1x128x128xf32, #tpu.memory_space<hbm>>
      %dma_start3A_131 = tpu.memref_squeeze %dma_start3A_130 : memref<1x1x128x128xf32, #tpu.memory_space<hbm>> -> memref<128x128xf32, #tpu.memory_space<hbm>>
      %dma_start3A_132 = arith.constant 0 : i32
      %dma_start3A_133 = tpu.memref_slice %arg6[%run_scoped3A_74, %arg0, %add3A_73, %dma_start3A_132] : memref<3x2x10240x128xf32, #tpu.memory_space<hbm>> -> memref<1x1x128x128xf32, #tpu.memory_space<hbm>>
      %dma_start3A_134 = tpu.memref_squeeze %dma_start3A_133 : memref<1x1x128x128xf32, #tpu.memory_space<hbm>> -> memref<128x128xf32, #tpu.memory_space<hbm>>
      tpu.enqueue_dma source(%arg10 : memref<128x128xf32, #tpu.memory_space<vmem>>) target(%dma_start3A_134 : memref<128x128xf32, #tpu.memory_space<hbm>>) target_semaphore(%run_scoped3A_129 : memref<!tpu.dma_semaphore, #tpu.memory_space<semaphore_mem>>)
      %dma_wait3A = arith.constant 0 : i32
      %dma_wait3A_135 = tpu.memref_slice %arg6[%run_scoped3A_74, %arg0, %add3A_73, %dma_wait3A] : memref<3x2x10240x128xf32, #tpu.memory_space<hbm>> -> memref<1x1x128x128xf32, #tpu.memory_space<hbm>>
      %dma_wait3A_136 = tpu.memref_squeeze %dma_wait3A_135 : memref<1x1x128x128xf32, #tpu.memory_space<hbm>> -> memref<128x128xf32, #tpu.memory_space<hbm>>
      %dma_wait3A_137 = arith.constant 0 : i32
      %dma_wait3A_138 = tpu.memref_slice %arg6[%run_scoped3A_74, %arg0, %add3A_73, %dma_wait3A_137] : memref<3x2x10240x128xf32, #tpu.memory_space<hbm>> -> memref<1x1x128x128xf32, #tpu.memory_space<hbm>>
      %dma_wait3A_139 = tpu.memref_squeeze %dma_wait3A_138 : memref<1x1x128x128xf32, #tpu.memory_space<hbm>> -> memref<128x128xf32, #tpu.memory_space<hbm>>
      tpu.wait_dma2 semaphore(%run_scoped3A_129 : memref<!tpu.dma_semaphore, #tpu.memory_space<semaphore_mem>>) src(%arg10 : memref<128x128xf32, #tpu.memory_space<vmem>>) dst(%dma_wait3A_139 : memref<128x128xf32, #tpu.memory_space<hbm>>)
      tpu.yield
    }) : () -> ()
    %add3A_75 = arith.constant 384 : i32
    %add3A_76 = arith.addi %mul3A_2, %add3A_75 : i32
    "tpu.region"() ({
      %run_scoped3A_129 = tpu.sem_alloc : memref<!tpu.dma_semaphore, #tpu.memory_space<semaphore_mem>>
      %dma_start3A = arith.constant 0 : i32
      %dma_start3A_130 = tpu.memref_slice %arg7[%add3A_76, %dma_start3A] : memref<10240x128xf32, #tpu.memory_space<vmem_shared>> -> memref<128x128xf32, #tpu.memory_space<vmem_shared>>
      %dma_start3A_131 = arith.constant 0 : i32
      %dma_start3A_132 = tpu.memref_slice %arg7[%add3A_76, %dma_start3A_131] : memref<10240x128xf32, #tpu.memory_space<vmem_shared>> -> memref<128x128xf32, #tpu.memory_space<vmem_shared>>
      tpu.enqueue_dma source(%dma_start3A_132 : memref<128x128xf32, #tpu.memory_space<vmem_shared>>) target(%arg10 : memref<128x128xf32, #tpu.memory_space<vmem>>) target_semaphore(%run_scoped3A_129 : memref<!tpu.dma_semaphore, #tpu.memory_space<semaphore_mem>>)
      %dma_wait3A = arith.constant 0 : i32
      %dma_wait3A_133 = tpu.memref_slice %arg7[%add3A_76, %dma_wait3A] : memref<10240x128xf32, #tpu.memory_space<vmem_shared>> -> memref<128x128xf32, #tpu.memory_space<vmem_shared>>
      %dma_wait3A_134 = arith.constant 0 : i32
      %dma_wait3A_135 = tpu.memref_slice %arg7[%add3A_76, %dma_wait3A_134] : memref<10240x128xf32, #tpu.memory_space<vmem_shared>> -> memref<128x128xf32, #tpu.memory_space<vmem_shared>>
      tpu.wait_dma2 semaphore(%run_scoped3A_129 : memref<!tpu.dma_semaphore, #tpu.memory_space<semaphore_mem>>) src(%dma_wait3A_135 : memref<128x128xf32, #tpu.memory_space<vmem_shared>>) dst(%arg10 : memref<128x128xf32, #tpu.memory_space<vmem>>)
      tpu.yield
    }) : () -> ()
    %add3A_77 = arith.constant 384 : i32
    %add3A_78 = arith.addi %mul3A_2, %add3A_77 : i32
    %run_scoped3A_79 = arith.constant 1 : i32
    "tpu.region"() ({
      %run_scoped3A_129 = tpu.sem_alloc : memref<!tpu.dma_semaphore, #tpu.memory_space<semaphore_mem>>
      %dma_start3A = arith.constant 0 : i32
      %dma_start3A_130 = tpu.memref_slice %arg6[%run_scoped3A_79, %arg0, %add3A_78, %dma_start3A] : memref<3x2x10240x128xf32, #tpu.memory_space<hbm>> -> memref<1x1x128x128xf32, #tpu.memory_space<hbm>>
      %dma_start3A_131 = tpu.memref_squeeze %dma_start3A_130 : memref<1x1x128x128xf32, #tpu.memory_space<hbm>> -> memref<128x128xf32, #tpu.memory_space<hbm>>
      %dma_start3A_132 = arith.constant 0 : i32
      %dma_start3A_133 = tpu.memref_slice %arg6[%run_scoped3A_79, %arg0, %add3A_78, %dma_start3A_132] : memref<3x2x10240x128xf32, #tpu.memory_space<hbm>> -> memref<1x1x128x128xf32, #tpu.memory_space<hbm>>
      %dma_start3A_134 = tpu.memref_squeeze %dma_start3A_133 : memref<1x1x128x128xf32, #tpu.memory_space<hbm>> -> memref<128x128xf32, #tpu.memory_space<hbm>>
      tpu.enqueue_dma source(%arg10 : memref<128x128xf32, #tpu.memory_space<vmem>>) target(%dma_start3A_134 : memref<128x128xf32, #tpu.memory_space<hbm>>) target_semaphore(%run_scoped3A_129 : memref<!tpu.dma_semaphore, #tpu.memory_space<semaphore_mem>>)
      %dma_wait3A = arith.constant 0 : i32
      %dma_wait3A_135 = tpu.memref_slice %arg6[%run_scoped3A_79, %arg0, %add3A_78, %dma_wait3A] : memref<3x2x10240x128xf32, #tpu.memory_space<hbm>> -> memref<1x1x128x128xf32, #tpu.memory_space<hbm>>
      %dma_wait3A_136 = tpu.memref_squeeze %dma_wait3A_135 : memref<1x1x128x128xf32, #tpu.memory_space<hbm>> -> memref<128x128xf32, #tpu.memory_space<hbm>>
      %dma_wait3A_137 = arith.constant 0 : i32
      %dma_wait3A_138 = tpu.memref_slice %arg6[%run_scoped3A_79, %arg0, %add3A_78, %dma_wait3A_137] : memref<3x2x10240x128xf32, #tpu.memory_space<hbm>> -> memref<1x1x128x128xf32, #tpu.memory_space<hbm>>
      %dma_wait3A_139 = tpu.memref_squeeze %dma_wait3A_138 : memref<1x1x128x128xf32, #tpu.memory_space<hbm>> -> memref<128x128xf32, #tpu.memory_space<hbm>>
      tpu.wait_dma2 semaphore(%run_scoped3A_129 : memref<!tpu.dma_semaphore, #tpu.memory_space<semaphore_mem>>) src(%arg10 : memref<128x128xf32, #tpu.memory_space<vmem>>) dst(%dma_wait3A_139 : memref<128x128xf32, #tpu.memory_space<hbm>>)
      tpu.yield
    }) : () -> ()
    %add3A_80 = arith.constant 512 : i32
    %add3A_81 = arith.addi %mul3A_2, %add3A_80 : i32
    "tpu.region"() ({
      %run_scoped3A_129 = tpu.sem_alloc : memref<!tpu.dma_semaphore, #tpu.memory_space<semaphore_mem>>
      %dma_start3A = arith.constant 0 : i32
      %dma_start3A_130 = tpu.memref_slice %arg7[%add3A_81, %dma_start3A] : memref<10240x128xf32, #tpu.memory_space<vmem_shared>> -> memref<128x128xf32, #tpu.memory_space<vmem_shared>>
      %dma_start3A_131 = arith.constant 0 : i32
      %dma_start3A_132 = tpu.memref_slice %arg7[%add3A_81, %dma_start3A_131] : memref<10240x128xf32, #tpu.memory_space<vmem_shared>> -> memref<128x128xf32, #tpu.memory_space<vmem_shared>>
      tpu.enqueue_dma source(%dma_start3A_132 : memref<128x128xf32, #tpu.memory_space<vmem_shared>>) target(%arg10 : memref<128x128xf32, #tpu.memory_space<vmem>>) target_semaphore(%run_scoped3A_129 : memref<!tpu.dma_semaphore, #tpu.memory_space<semaphore_mem>>)
      %dma_wait3A = arith.constant 0 : i32
      %dma_wait3A_133 = tpu.memref_slice %arg7[%add3A_81, %dma_wait3A] : memref<10240x128xf32, #tpu.memory_space<vmem_shared>> -> memref<128x128xf32, #tpu.memory_space<vmem_shared>>
      %dma_wait3A_134 = arith.constant 0 : i32
      %dma_wait3A_135 = tpu.memref_slice %arg7[%add3A_81, %dma_wait3A_134] : memref<10240x128xf32, #tpu.memory_space<vmem_shared>> -> memref<128x128xf32, #tpu.memory_space<vmem_shared>>
      tpu.wait_dma2 semaphore(%run_scoped3A_129 : memref<!tpu.dma_semaphore, #tpu.memory_space<semaphore_mem>>) src(%dma_wait3A_135 : memref<128x128xf32, #tpu.memory_space<vmem_shared>>) dst(%arg10 : memref<128x128xf32, #tpu.memory_space<vmem>>)
      tpu.yield
    }) : () -> ()
    %add3A_82 = arith.constant 512 : i32
    %add3A_83 = arith.addi %mul3A_2, %add3A_82 : i32
    %run_scoped3A_84 = arith.constant 1 : i32
    "tpu.region"() ({
      %run_scoped3A_129 = tpu.sem_alloc : memref<!tpu.dma_semaphore, #tpu.memory_space<semaphore_mem>>
      %dma_start3A = arith.constant 0 : i32
      %dma_start3A_130 = tpu.memref_slice %arg6[%run_scoped3A_84, %arg0, %add3A_83, %dma_start3A] : memref<3x2x10240x128xf32, #tpu.memory_space<hbm>> -> memref<1x1x128x128xf32, #tpu.memory_space<hbm>>
      %dma_start3A_131 = tpu.memref_squeeze %dma_start3A_130 : memref<1x1x128x128xf32, #tpu.memory_space<hbm>> -> memref<128x128xf32, #tpu.memory_space<hbm>>
      %dma_start3A_132 = arith.constant 0 : i32
      %dma_start3A_133 = tpu.memref_slice %arg6[%run_scoped3A_84, %arg0, %add3A_83, %dma_start3A_132] : memref<3x2x10240x128xf32, #tpu.memory_space<hbm>> -> memref<1x1x128x128xf32, #tpu.memory_space<hbm>>
      %dma_start3A_134 = tpu.memref_squeeze %dma_start3A_133 : memref<1x1x128x128xf32, #tpu.memory_space<hbm>> -> memref<128x128xf32, #tpu.memory_space<hbm>>
      tpu.enqueue_dma source(%arg10 : memref<128x128xf32, #tpu.memory_space<vmem>>) target(%dma_start3A_134 : memref<128x128xf32, #tpu.memory_space<hbm>>) target_semaphore(%run_scoped3A_129 : memref<!tpu.dma_semaphore, #tpu.memory_space<semaphore_mem>>)
      %dma_wait3A = arith.constant 0 : i32
      %dma_wait3A_135 = tpu.memref_slice %arg6[%run_scoped3A_84, %arg0, %add3A_83, %dma_wait3A] : memref<3x2x10240x128xf32, #tpu.memory_space<hbm>> -> memref<1x1x128x128xf32, #tpu.memory_space<hbm>>
      %dma_wait3A_136 = tpu.memref_squeeze %dma_wait3A_135 : memref<1x1x128x128xf32, #tpu.memory_space<hbm>> -> memref<128x128xf32, #tpu.memory_space<hbm>>
      %dma_wait3A_137 = arith.constant 0 : i32
      %dma_wait3A_138 = tpu.memref_slice %arg6[%run_scoped3A_84, %arg0, %add3A_83, %dma_wait3A_137] : memref<3x2x10240x128xf32, #tpu.memory_space<hbm>> -> memref<1x1x128x128xf32, #tpu.memory_space<hbm>>
      %dma_wait3A_139 = tpu.memref_squeeze %dma_wait3A_138 : memref<1x1x128x128xf32, #tpu.memory_space<hbm>> -> memref<128x128xf32, #tpu.memory_space<hbm>>
      tpu.wait_dma2 semaphore(%run_scoped3A_129 : memref<!tpu.dma_semaphore, #tpu.memory_space<semaphore_mem>>) src(%arg10 : memref<128x128xf32, #tpu.memory_space<vmem>>) dst(%dma_wait3A_139 : memref<128x128xf32, #tpu.memory_space<hbm>>)
      tpu.yield
    }) : () -> ()
    %barrier3A_85 = arith.constant 0 : index
    tpu.barrier barrier_id(%barrier3A_85)
    "tpu.region"() ({
      %run_scoped3A_129 = tpu.sem_alloc : memref<!tpu.dma_semaphore, #tpu.memory_space<semaphore_mem>>
      tpu.enqueue_dma source(%arg5 : memref<128x128xf32, #tpu.memory_space<hbm>>) target(%arg10 : memref<128x128xf32, #tpu.memory_space<vmem>>) target_semaphore(%run_scoped3A_129 : memref<!tpu.dma_semaphore, #tpu.memory_space<semaphore_mem>>)
      tpu.wait_dma2 semaphore(%run_scoped3A_129 : memref<!tpu.dma_semaphore, #tpu.memory_space<semaphore_mem>>) src(%arg5 : memref<128x128xf32, #tpu.memory_space<hbm>>) dst(%arg10 : memref<128x128xf32, #tpu.memory_space<vmem>>)
      tpu.yield
    }) : () -> ()
    %add3A_86 = arith.constant 0 : i32
    %add3A_87 = arith.addi %mul3A_2, %add3A_86 : i32
    "tpu.region"() ({
      %run_scoped3A_129 = tpu.sem_alloc : memref<!tpu.dma_semaphore, #tpu.memory_space<semaphore_mem>>
      %dma_start3A = arith.constant 0 : i32
      %dma_start3A_130 = tpu.memref_slice %arg7[%add3A_87, %dma_start3A] : memref<10240x128xf32, #tpu.memory_space<vmem_shared>> -> memref<128x128xf32, #tpu.memory_space<vmem_shared>>
      %dma_start3A_131 = arith.constant 0 : i32
      %dma_start3A_132 = tpu.memref_slice %arg7[%add3A_87, %dma_start3A_131] : memref<10240x128xf32, #tpu.memory_space<vmem_shared>> -> memref<128x128xf32, #tpu.memory_space<vmem_shared>>
      tpu.enqueue_dma source(%arg10 : memref<128x128xf32, #tpu.memory_space<vmem>>) target(%dma_start3A_132 : memref<128x128xf32, #tpu.memory_space<vmem_shared>>) target_semaphore(%run_scoped3A_129 : memref<!tpu.dma_semaphore, #tpu.memory_space<semaphore_mem>>)
      %dma_wait3A = arith.constant 0 : i32
      %dma_wait3A_133 = tpu.memref_slice %arg7[%add3A_87, %dma_wait3A] : memref<10240x128xf32, #tpu.memory_space<vmem_shared>> -> memref<128x128xf32, #tpu.memory_space<vmem_shared>>
      %dma_wait3A_134 = arith.constant 0 : i32
      %dma_wait3A_135 = tpu.memref_slice %arg7[%add3A_87, %dma_wait3A_134] : memref<10240x128xf32, #tpu.memory_space<vmem_shared>> -> memref<128x128xf32, #tpu.memory_space<vmem_shared>>
      tpu.wait_dma2 semaphore(%run_scoped3A_129 : memref<!tpu.dma_semaphore, #tpu.memory_space<semaphore_mem>>) src(%arg10 : memref<128x128xf32, #tpu.memory_space<vmem>>) dst(%dma_wait3A_135 : memref<128x128xf32, #tpu.memory_space<vmem_shared>>)
      tpu.yield
    }) : () -> ()
    %add3A_88 = arith.constant 128 : i32
    %add3A_89 = arith.addi %mul3A_2, %add3A_88 : i32
    "tpu.region"() ({
      %run_scoped3A_129 = tpu.sem_alloc : memref<!tpu.dma_semaphore, #tpu.memory_space<semaphore_mem>>
      %dma_start3A = arith.constant 0 : i32
      %dma_start3A_130 = tpu.memref_slice %arg7[%add3A_89, %dma_start3A] : memref<10240x128xf32, #tpu.memory_space<vmem_shared>> -> memref<128x128xf32, #tpu.memory_space<vmem_shared>>
      %dma_start3A_131 = arith.constant 0 : i32
      %dma_start3A_132 = tpu.memref_slice %arg7[%add3A_89, %dma_start3A_131] : memref<10240x128xf32, #tpu.memory_space<vmem_shared>> -> memref<128x128xf32, #tpu.memory_space<vmem_shared>>
      tpu.enqueue_dma source(%arg10 : memref<128x128xf32, #tpu.memory_space<vmem>>) target(%dma_start3A_132 : memref<128x128xf32, #tpu.memory_space<vmem_shared>>) target_semaphore(%run_scoped3A_129 : memref<!tpu.dma_semaphore, #tpu.memory_space<semaphore_mem>>)
      %dma_wait3A = arith.constant 0 : i32
      %dma_wait3A_133 = tpu.memref_slice %arg7[%add3A_89, %dma_wait3A] : memref<10240x128xf32, #tpu.memory_space<vmem_shared>> -> memref<128x128xf32, #tpu.memory_space<vmem_shared>>
      %dma_wait3A_134 = arith.constant 0 : i32
      %dma_wait3A_135 = tpu.memref_slice %arg7[%add3A_89, %dma_wait3A_134] : memref<10240x128xf32, #tpu.memory_space<vmem_shared>> -> memref<128x128xf32, #tpu.memory_space<vmem_shared>>
      tpu.wait_dma2 semaphore(%run_scoped3A_129 : memref<!tpu.dma_semaphore, #tpu.memory_space<semaphore_mem>>) src(%arg10 : memref<128x128xf32, #tpu.memory_space<vmem>>) dst(%dma_wait3A_135 : memref<128x128xf32, #tpu.memory_space<vmem_shared>>)
      tpu.yield
    }) : () -> ()
    %add3A_90 = arith.constant 256 : i32
    %add3A_91 = arith.addi %mul3A_2, %add3A_90 : i32
    "tpu.region"() ({
      %run_scoped3A_129 = tpu.sem_alloc : memref<!tpu.dma_semaphore, #tpu.memory_space<semaphore_mem>>
      %dma_start3A = arith.constant 0 : i32
      %dma_start3A_130 = tpu.memref_slice %arg7[%add3A_91, %dma_start3A] : memref<10240x128xf32, #tpu.memory_space<vmem_shared>> -> memref<128x128xf32, #tpu.memory_space<vmem_shared>>
      %dma_start3A_131 = arith.constant 0 : i32
      %dma_start3A_132 = tpu.memref_slice %arg7[%add3A_91, %dma_start3A_131] : memref<10240x128xf32, #tpu.memory_space<vmem_shared>> -> memref<128x128xf32, #tpu.memory_space<vmem_shared>>
      tpu.enqueue_dma source(%arg10 : memref<128x128xf32, #tpu.memory_space<vmem>>) target(%dma_start3A_132 : memref<128x128xf32, #tpu.memory_space<vmem_shared>>) target_semaphore(%run_scoped3A_129 : memref<!tpu.dma_semaphore, #tpu.memory_space<semaphore_mem>>)
      %dma_wait3A = arith.constant 0 : i32
      %dma_wait3A_133 = tpu.memref_slice %arg7[%add3A_91, %dma_wait3A] : memref<10240x128xf32, #tpu.memory_space<vmem_shared>> -> memref<128x128xf32, #tpu.memory_space<vmem_shared>>
      %dma_wait3A_134 = arith.constant 0 : i32
      %dma_wait3A_135 = tpu.memref_slice %arg7[%add3A_91, %dma_wait3A_134] : memref<10240x128xf32, #tpu.memory_space<vmem_shared>> -> memref<128x128xf32, #tpu.memory_space<vmem_shared>>
      tpu.wait_dma2 semaphore(%run_scoped3A_129 : memref<!tpu.dma_semaphore, #tpu.memory_space<semaphore_mem>>) src(%arg10 : memref<128x128xf32, #tpu.memory_space<vmem>>) dst(%dma_wait3A_135 : memref<128x128xf32, #tpu.memory_space<vmem_shared>>)
      tpu.yield
    }) : () -> ()
    %add3A_92 = arith.constant 384 : i32
    %add3A_93 = arith.addi %mul3A_2, %add3A_92 : i32
    "tpu.region"() ({
      %run_scoped3A_129 = tpu.sem_alloc : memref<!tpu.dma_semaphore, #tpu.memory_space<semaphore_mem>>
      %dma_start3A = arith.constant 0 : i32
      %dma_start3A_130 = tpu.memref_slice %arg7[%add3A_93, %dma_start3A] : memref<10240x128xf32, #tpu.memory_space<vmem_shared>> -> memref<128x128xf32, #tpu.memory_space<vmem_shared>>
      %dma_start3A_131 = arith.constant 0 : i32
      %dma_start3A_132 = tpu.memref_slice %arg7[%add3A_93, %dma_start3A_131] : memref<10240x128xf32, #tpu.memory_space<vmem_shared>> -> memref<128x128xf32, #tpu.memory_space<vmem_shared>>
      tpu.enqueue_dma source(%arg10 : memref<128x128xf32, #tpu.memory_space<vmem>>) target(%dma_start3A_132 : memref<128x128xf32, #tpu.memory_space<vmem_shared>>) target_semaphore(%run_scoped3A_129 : memref<!tpu.dma_semaphore, #tpu.memory_space<semaphore_mem>>)
      %dma_wait3A = arith.constant 0 : i32
      %dma_wait3A_133 = tpu.memref_slice %arg7[%add3A_93, %dma_wait3A] : memref<10240x128xf32, #tpu.memory_space<vmem_shared>> -> memref<128x128xf32, #tpu.memory_space<vmem_shared>>
      %dma_wait3A_134 = arith.constant 0 : i32
      %dma_wait3A_135 = tpu.memref_slice %arg7[%add3A_93, %dma_wait3A_134] : memref<10240x128xf32, #tpu.memory_space<vmem_shared>> -> memref<128x128xf32, #tpu.memory_space<vmem_shared>>
      tpu.wait_dma2 semaphore(%run_scoped3A_129 : memref<!tpu.dma_semaphore, #tpu.memory_space<semaphore_mem>>) src(%arg10 : memref<128x128xf32, #tpu.memory_space<vmem>>) dst(%dma_wait3A_135 : memref<128x128xf32, #tpu.memory_space<vmem_shared>>)
      tpu.yield
    }) : () -> ()
    %add3A_94 = arith.constant 512 : i32
    %add3A_95 = arith.addi %mul3A_2, %add3A_94 : i32
    "tpu.region"() ({
      %run_scoped3A_129 = tpu.sem_alloc : memref<!tpu.dma_semaphore, #tpu.memory_space<semaphore_mem>>
      %dma_start3A = arith.constant 0 : i32
      %dma_start3A_130 = tpu.memref_slice %arg7[%add3A_95, %dma_start3A] : memref<10240x128xf32, #tpu.memory_space<vmem_shared>> -> memref<128x128xf32, #tpu.memory_space<vmem_shared>>
      %dma_start3A_131 = arith.constant 0 : i32
      %dma_start3A_132 = tpu.memref_slice %arg7[%add3A_95, %dma_start3A_131] : memref<10240x128xf32, #tpu.memory_space<vmem_shared>> -> memref<128x128xf32, #tpu.memory_space<vmem_shared>>
      tpu.enqueue_dma source(%arg10 : memref<128x128xf32, #tpu.memory_space<vmem>>) target(%dma_start3A_132 : memref<128x128xf32, #tpu.memory_space<vmem_shared>>) target_semaphore(%run_scoped3A_129 : memref<!tpu.dma_semaphore, #tpu.memory_space<semaphore_mem>>)
      %dma_wait3A = arith.constant 0 : i32
      %dma_wait3A_133 = tpu.memref_slice %arg7[%add3A_95, %dma_wait3A] : memref<10240x128xf32, #tpu.memory_space<vmem_shared>> -> memref<128x128xf32, #tpu.memory_space<vmem_shared>>
      %dma_wait3A_134 = arith.constant 0 : i32
      %dma_wait3A_135 = tpu.memref_slice %arg7[%add3A_95, %dma_wait3A_134] : memref<10240x128xf32, #tpu.memory_space<vmem_shared>> -> memref<128x128xf32, #tpu.memory_space<vmem_shared>>
      tpu.wait_dma2 semaphore(%run_scoped3A_129 : memref<!tpu.dma_semaphore, #tpu.memory_space<semaphore_mem>>) src(%arg10 : memref<128x128xf32, #tpu.memory_space<vmem>>) dst(%dma_wait3A_135 : memref<128x128xf32, #tpu.memory_space<vmem_shared>>)
      tpu.yield
    }) : () -> ()
    %barrier3A_96 = arith.constant 0 : index
    tpu.barrier barrier_id(%barrier3A_96)
    %scan3A_97 = arith.constant 0 : i32
    %scan3A_98 = arith.constant 79 : i32
    %scan3A_99 = arith.addi %scan3A_97, %scan3A_98 : i32
    %scan3A_100 = arith.constant 1 : i32
    scf.for %scan3A_129 = %scan3A_97 to %scan3A_99 step %scan3A_100  : i32 {
      %mul3A_130 = arith.constant 1 : i32
      %mul3A_131 = arith.muli %scan3A_129, %mul3A_130 : i32
      %add3A_132 = arith.constant 0 : i32
      %add3A_133 = arith.addi %add3A_132, %mul3A_131 : i32
      %mul3A_134 = arith.constant 79 : i32
      %mul3A_135 = arith.muli %add3A, %mul3A_134 : i32
      %add3A_136 = arith.addi %mul3A_135, %add3A_133 : i32
      %mul3A_137 = arith.constant 128 : i32
      %mul3A_138 = arith.muli %add3A_136, %mul3A_137 : i32
      %add3A_139 = arith.constant 647168 : i32
      %add3A_140 = arith.addi %add3A_139, %mul3A_138 : i32
      "tpu.region"() ({
        %run_scoped3A_145 = tpu.sem_alloc : memref<!tpu.dma_semaphore, #tpu.memory_space<semaphore_mem>>
        %dma_start3A_146 = tpu.memref_slice %arg3[%add3A_140] : memref<970752xi32, #tpu.memory_space<hbm>> -> memref<128xi32, #tpu.memory_space<hbm>>
        %dma_start3A_147 = tpu.memref_slice %arg3[%add3A_140] : memref<970752xi32, #tpu.memory_space<hbm>> -> memref<128xi32, #tpu.memory_space<hbm>>
        tpu.enqueue_dma source(%dma_start3A_147 : memref<128xi32, #tpu.memory_space<hbm>>) target(%arg8 : memref<128xi32, #tpu.memory_space<vmem>>) target_semaphore(%run_scoped3A_145 : memref<!tpu.dma_semaphore, #tpu.memory_space<semaphore_mem>>)
        %dma_wait3A_148 = tpu.memref_slice %arg3[%add3A_140] : memref<970752xi32, #tpu.memory_space<hbm>> -> memref<128xi32, #tpu.memory_space<hbm>>
        %dma_wait3A_149 = tpu.memref_slice %arg3[%add3A_140] : memref<970752xi32, #tpu.memory_space<hbm>> -> memref<128xi32, #tpu.memory_space<hbm>>
        tpu.wait_dma2 semaphore(%run_scoped3A_145 : memref<!tpu.dma_semaphore, #tpu.memory_space<semaphore_mem>>) src(%dma_wait3A_149 : memref<128xi32, #tpu.memory_space<hbm>>) dst(%arg8 : memref<128xi32, #tpu.memory_space<vmem>>)
        tpu.yield
      }) : () -> ()
      "tpu.region"() ({
        %run_scoped3A_145 = tpu.sem_alloc : memref<!tpu.dma_semaphore, #tpu.memory_space<semaphore_mem>>
        %dma_start3A_146 = tpu.memref_slice %arg4[%add3A_140] : memref<970752xi32, #tpu.memory_space<hbm>> -> memref<128xi32, #tpu.memory_space<hbm>>
        %dma_start3A_147 = tpu.memref_slice %arg4[%add3A_140] : memref<970752xi32, #tpu.memory_space<hbm>> -> memref<128xi32, #tpu.memory_space<hbm>>
        tpu.enqueue_dma source(%dma_start3A_147 : memref<128xi32, #tpu.memory_space<hbm>>) target(%arg9 : memref<128xi32, #tpu.memory_space<vmem>>) target_semaphore(%run_scoped3A_145 : memref<!tpu.dma_semaphore, #tpu.memory_space<semaphore_mem>>)
        %dma_wait3A_148 = tpu.memref_slice %arg4[%add3A_140] : memref<970752xi32, #tpu.memory_space<hbm>> -> memref<128xi32, #tpu.memory_space<hbm>>
        %dma_wait3A_149 = tpu.memref_slice %arg4[%add3A_140] : memref<970752xi32, #tpu.memory_space<hbm>> -> memref<128xi32, #tpu.memory_space<hbm>>
        tpu.wait_dma2 semaphore(%run_scoped3A_145 : memref<!tpu.dma_semaphore, #tpu.memory_space<semaphore_mem>>) src(%dma_wait3A_149 : memref<128xi32, #tpu.memory_space<hbm>>) dst(%arg9 : memref<128xi32, #tpu.memory_space<vmem>>)
        tpu.yield
      }) : () -> ()
      %dma_start3A = arith.constant 0 : i32
      %dma_start3A_141 = arith.constant 0 : i32
      %dma_start3A_142 = tpu.memref_slice %arg2[%dma_start3A, %dma_start3A_141] : memref<10000x128xf32, #tpu.memory_space<hbm>> -> memref<10000x128xf32, #tpu.memory_space<hbm>>
      tpu.enqueue_indirect_dma source(%dma_start3A_142 : memref<10000x128xf32, #tpu.memory_space<hbm>>) target(%arg10 : memref<128x128xf32, #tpu.memory_space<vmem>>) offsets(%arg8 : memref<128xi32, #tpu.memory_space<vmem>>) semaphore(%arg11 : memref<!tpu.dma_semaphore, #tpu.memory_space<semaphore_mem>>)
      %dma_wait3A = arith.constant 0 : i32
      %dma_wait3A_143 = arith.constant 0 : i32
      %dma_wait3A_144 = tpu.memref_slice %arg2[%dma_wait3A, %dma_wait3A_143] : memref<10000x128xf32, #tpu.memory_space<hbm>> -> memref<10000x128xf32, #tpu.memory_space<hbm>>
      tpu.wait_indirect_dma semaphore(%arg11 : memref<!tpu.dma_semaphore, #tpu.memory_space<semaphore_mem>>) src(%dma_wait3A_144 : memref<10000x128xf32, #tpu.memory_space<hbm>>) dst(%arg10 : memref<128x128xf32, #tpu.memory_space<vmem>>)
      "tpu.region"() ({
        %run_scoped3A_145 = tpu.sem_alloc : memref<!tpu.dma_semaphore, #tpu.memory_space<semaphore_mem>>
        %dma_start3A_146 = arith.constant 0 : i32
        %dma_start3A_147 = arith.constant 0 : i32
        %dma_start3A_148 = tpu.memref_slice %arg7[%dma_start3A_146, %dma_start3A_147] : memref<10240x128xf32, #tpu.memory_space<vmem_shared>> -> memref<10240x128xf32, #tpu.memory_space<vmem_shared>>
        tpu.enqueue_indirect_dma source(%arg10 : memref<128x128xf32, #tpu.memory_space<vmem>>) target(%dma_start3A_148 : memref<10240x128xf32, #tpu.memory_space<vmem_shared>>) offsets(%arg9 : memref<128xi32, #tpu.memory_space<vmem>>) semaphore(%run_scoped3A_145 : memref<!tpu.dma_semaphore, #tpu.memory_space<semaphore_mem>>) {add = true}
        %dma_wait3A_149 = arith.constant 0 : i32
        %dma_wait3A_150 = arith.constant 0 : i32
        %dma_wait3A_151 = tpu.memref_slice %arg7[%dma_wait3A_149, %dma_wait3A_150] : memref<10240x128xf32, #tpu.memory_space<vmem_shared>> -> memref<10240x128xf32, #tpu.memory_space<vmem_shared>>
        tpu.wait_indirect_dma semaphore(%run_scoped3A_145 : memref<!tpu.dma_semaphore, #tpu.memory_space<semaphore_mem>>) src(%arg10 : memref<128x128xf32, #tpu.memory_space<vmem>>) dst(%dma_wait3A_151 : memref<10240x128xf32, #tpu.memory_space<vmem_shared>>)
        tpu.yield
      }) : () -> ()
    }
    %scan3A_101 = arith.constant 79 : i32
    %barrier3A_102 = arith.constant 0 : index
    tpu.barrier barrier_id(%barrier3A_102)
    %add3A_103 = arith.constant 0 : i32
    %add3A_104 = arith.addi %mul3A_2, %add3A_103 : i32
    "tpu.region"() ({
      %run_scoped3A_129 = tpu.sem_alloc : memref<!tpu.dma_semaphore, #tpu.memory_space<semaphore_mem>>
      %dma_start3A = arith.constant 0 : i32
      %dma_start3A_130 = tpu.memref_slice %arg7[%add3A_104, %dma_start3A] : memref<10240x128xf32, #tpu.memory_space<vmem_shared>> -> memref<128x128xf32, #tpu.memory_space<vmem_shared>>
      %dma_start3A_131 = arith.constant 0 : i32
      %dma_start3A_132 = tpu.memref_slice %arg7[%add3A_104, %dma_start3A_131] : memref<10240x128xf32, #tpu.memory_space<vmem_shared>> -> memref<128x128xf32, #tpu.memory_space<vmem_shared>>
      tpu.enqueue_dma source(%dma_start3A_132 : memref<128x128xf32, #tpu.memory_space<vmem_shared>>) target(%arg10 : memref<128x128xf32, #tpu.memory_space<vmem>>) target_semaphore(%run_scoped3A_129 : memref<!tpu.dma_semaphore, #tpu.memory_space<semaphore_mem>>)
      %dma_wait3A = arith.constant 0 : i32
      %dma_wait3A_133 = tpu.memref_slice %arg7[%add3A_104, %dma_wait3A] : memref<10240x128xf32, #tpu.memory_space<vmem_shared>> -> memref<128x128xf32, #tpu.memory_space<vmem_shared>>
      %dma_wait3A_134 = arith.constant 0 : i32
      %dma_wait3A_135 = tpu.memref_slice %arg7[%add3A_104, %dma_wait3A_134] : memref<10240x128xf32, #tpu.memory_space<vmem_shared>> -> memref<128x128xf32, #tpu.memory_space<vmem_shared>>
      tpu.wait_dma2 semaphore(%run_scoped3A_129 : memref<!tpu.dma_semaphore, #tpu.memory_space<semaphore_mem>>) src(%dma_wait3A_135 : memref<128x128xf32, #tpu.memory_space<vmem_shared>>) dst(%arg10 : memref<128x128xf32, #tpu.memory_space<vmem>>)
      tpu.yield
    }) : () -> ()
    %add3A_105 = arith.constant 0 : i32
    %add3A_106 = arith.addi %mul3A_2, %add3A_105 : i32
    %run_scoped3A_107 = arith.constant 2 : i32
    "tpu.region"() ({
      %run_scoped3A_129 = tpu.sem_alloc : memref<!tpu.dma_semaphore, #tpu.memory_space<semaphore_mem>>
      %dma_start3A = arith.constant 0 : i32
      %dma_start3A_130 = tpu.memref_slice %arg6[%run_scoped3A_107, %arg0, %add3A_106, %dma_start3A] : memref<3x2x10240x128xf32, #tpu.memory_space<hbm>> -> memref<1x1x128x128xf32, #tpu.memory_space<hbm>>
      %dma_start3A_131 = tpu.memref_squeeze %dma_start3A_130 : memref<1x1x128x128xf32, #tpu.memory_space<hbm>> -> memref<128x128xf32, #tpu.memory_space<hbm>>
      %dma_start3A_132 = arith.constant 0 : i32
      %dma_start3A_133 = tpu.memref_slice %arg6[%run_scoped3A_107, %arg0, %add3A_106, %dma_start3A_132] : memref<3x2x10240x128xf32, #tpu.memory_space<hbm>> -> memref<1x1x128x128xf32, #tpu.memory_space<hbm>>
      %dma_start3A_134 = tpu.memref_squeeze %dma_start3A_133 : memref<1x1x128x128xf32, #tpu.memory_space<hbm>> -> memref<128x128xf32, #tpu.memory_space<hbm>>
      tpu.enqueue_dma source(%arg10 : memref<128x128xf32, #tpu.memory_space<vmem>>) target(%dma_start3A_134 : memref<128x128xf32, #tpu.memory_space<hbm>>) target_semaphore(%run_scoped3A_129 : memref<!tpu.dma_semaphore, #tpu.memory_space<semaphore_mem>>)
      %dma_wait3A = arith.constant 0 : i32
      %dma_wait3A_135 = tpu.memref_slice %arg6[%run_scoped3A_107, %arg0, %add3A_106, %dma_wait3A] : memref<3x2x10240x128xf32, #tpu.memory_space<hbm>> -> memref<1x1x128x128xf32, #tpu.memory_space<hbm>>
      %dma_wait3A_136 = tpu.memref_squeeze %dma_wait3A_135 : memref<1x1x128x128xf32, #tpu.memory_space<hbm>> -> memref<128x128xf32, #tpu.memory_space<hbm>>
      %dma_wait3A_137 = arith.constant 0 : i32
      %dma_wait3A_138 = tpu.memref_slice %arg6[%run_scoped3A_107, %arg0, %add3A_106, %dma_wait3A_137] : memref<3x2x10240x128xf32, #tpu.memory_space<hbm>> -> memref<1x1x128x128xf32, #tpu.memory_space<hbm>>
      %dma_wait3A_139 = tpu.memref_squeeze %dma_wait3A_138 : memref<1x1x128x128xf32, #tpu.memory_space<hbm>> -> memref<128x128xf32, #tpu.memory_space<hbm>>
      tpu.wait_dma2 semaphore(%run_scoped3A_129 : memref<!tpu.dma_semaphore, #tpu.memory_space<semaphore_mem>>) src(%arg10 : memref<128x128xf32, #tpu.memory_space<vmem>>) dst(%dma_wait3A_139 : memref<128x128xf32, #tpu.memory_space<hbm>>)
      tpu.yield
    }) : () -> ()
    %add3A_108 = arith.constant 128 : i32
    %add3A_109 = arith.addi %mul3A_2, %add3A_108 : i32
    "tpu.region"() ({
      %run_scoped3A_129 = tpu.sem_alloc : memref<!tpu.dma_semaphore, #tpu.memory_space<semaphore_mem>>
      %dma_start3A = arith.constant 0 : i32
      %dma_start3A_130 = tpu.memref_slice %arg7[%add3A_109, %dma_start3A] : memref<10240x128xf32, #tpu.memory_space<vmem_shared>> -> memref<128x128xf32, #tpu.memory_space<vmem_shared>>
      %dma_start3A_131 = arith.constant 0 : i32
      %dma_start3A_132 = tpu.memref_slice %arg7[%add3A_109, %dma_start3A_131] : memref<10240x128xf32, #tpu.memory_space<vmem_shared>> -> memref<128x128xf32, #tpu.memory_space<vmem_shared>>
      tpu.enqueue_dma source(%dma_start3A_132 : memref<128x128xf32, #tpu.memory_space<vmem_shared>>) target(%arg10 : memref<128x128xf32, #tpu.memory_space<vmem>>) target_semaphore(%run_scoped3A_129 : memref<!tpu.dma_semaphore, #tpu.memory_space<semaphore_mem>>)
      %dma_wait3A = arith.constant 0 : i32
      %dma_wait3A_133 = tpu.memref_slice %arg7[%add3A_109, %dma_wait3A] : memref<10240x128xf32, #tpu.memory_space<vmem_shared>> -> memref<128x128xf32, #tpu.memory_space<vmem_shared>>
      %dma_wait3A_134 = arith.constant 0 : i32
      %dma_wait3A_135 = tpu.memref_slice %arg7[%add3A_109, %dma_wait3A_134] : memref<10240x128xf32, #tpu.memory_space<vmem_shared>> -> memref<128x128xf32, #tpu.memory_space<vmem_shared>>
      tpu.wait_dma2 semaphore(%run_scoped3A_129 : memref<!tpu.dma_semaphore, #tpu.memory_space<semaphore_mem>>) src(%dma_wait3A_135 : memref<128x128xf32, #tpu.memory_space<vmem_shared>>) dst(%arg10 : memref<128x128xf32, #tpu.memory_space<vmem>>)
      tpu.yield
    }) : () -> ()
    %add3A_110 = arith.constant 128 : i32
    %add3A_111 = arith.addi %mul3A_2, %add3A_110 : i32
    %run_scoped3A_112 = arith.constant 2 : i32
    "tpu.region"() ({
      %run_scoped3A_129 = tpu.sem_alloc : memref<!tpu.dma_semaphore, #tpu.memory_space<semaphore_mem>>
      %dma_start3A = arith.constant 0 : i32
      %dma_start3A_130 = tpu.memref_slice %arg6[%run_scoped3A_112, %arg0, %add3A_111, %dma_start3A] : memref<3x2x10240x128xf32, #tpu.memory_space<hbm>> -> memref<1x1x128x128xf32, #tpu.memory_space<hbm>>
      %dma_start3A_131 = tpu.memref_squeeze %dma_start3A_130 : memref<1x1x128x128xf32, #tpu.memory_space<hbm>> -> memref<128x128xf32, #tpu.memory_space<hbm>>
      %dma_start3A_132 = arith.constant 0 : i32
      %dma_start3A_133 = tpu.memref_slice %arg6[%run_scoped3A_112, %arg0, %add3A_111, %dma_start3A_132] : memref<3x2x10240x128xf32, #tpu.memory_space<hbm>> -> memref<1x1x128x128xf32, #tpu.memory_space<hbm>>
      %dma_start3A_134 = tpu.memref_squeeze %dma_start3A_133 : memref<1x1x128x128xf32, #tpu.memory_space<hbm>> -> memref<128x128xf32, #tpu.memory_space<hbm>>
      tpu.enqueue_dma source(%arg10 : memref<128x128xf32, #tpu.memory_space<vmem>>) target(%dma_start3A_134 : memref<128x128xf32, #tpu.memory_space<hbm>>) target_semaphore(%run_scoped3A_129 : memref<!tpu.dma_semaphore, #tpu.memory_space<semaphore_mem>>)
      %dma_wait3A = arith.constant 0 : i32
      %dma_wait3A_135 = tpu.memref_slice %arg6[%run_scoped3A_112, %arg0, %add3A_111, %dma_wait3A] : memref<3x2x10240x128xf32, #tpu.memory_space<hbm>> -> memref<1x1x128x128xf32, #tpu.memory_space<hbm>>
      %dma_wait3A_136 = tpu.memref_squeeze %dma_wait3A_135 : memref<1x1x128x128xf32, #tpu.memory_space<hbm>> -> memref<128x128xf32, #tpu.memory_space<hbm>>
      %dma_wait3A_137 = arith.constant 0 : i32
      %dma_wait3A_138 = tpu.memref_slice %arg6[%run_scoped3A_112, %arg0, %add3A_111, %dma_wait3A_137] : memref<3x2x10240x128xf32, #tpu.memory_space<hbm>> -> memref<1x1x128x128xf32, #tpu.memory_space<hbm>>
      %dma_wait3A_139 = tpu.memref_squeeze %dma_wait3A_138 : memref<1x1x128x128xf32, #tpu.memory_space<hbm>> -> memref<128x128xf32, #tpu.memory_space<hbm>>
      tpu.wait_dma2 semaphore(%run_scoped3A_129 : memref<!tpu.dma_semaphore, #tpu.memory_space<semaphore_mem>>) src(%arg10 : memref<128x128xf32, #tpu.memory_space<vmem>>) dst(%dma_wait3A_139 : memref<128x128xf32, #tpu.memory_space<hbm>>)
      tpu.yield
    }) : () -> ()
    %add3A_113 = arith.constant 256 : i32
    %add3A_114 = arith.addi %mul3A_2, %add3A_113 : i32
    "tpu.region"() ({
      %run_scoped3A_129 = tpu.sem_alloc : memref<!tpu.dma_semaphore, #tpu.memory_space<semaphore_mem>>
      %dma_start3A = arith.constant 0 : i32
      %dma_start3A_130 = tpu.memref_slice %arg7[%add3A_114, %dma_start3A] : memref<10240x128xf32, #tpu.memory_space<vmem_shared>> -> memref<128x128xf32, #tpu.memory_space<vmem_shared>>
      %dma_start3A_131 = arith.constant 0 : i32
      %dma_start3A_132 = tpu.memref_slice %arg7[%add3A_114, %dma_start3A_131] : memref<10240x128xf32, #tpu.memory_space<vmem_shared>> -> memref<128x128xf32, #tpu.memory_space<vmem_shared>>
      tpu.enqueue_dma source(%dma_start3A_132 : memref<128x128xf32, #tpu.memory_space<vmem_shared>>) target(%arg10 : memref<128x128xf32, #tpu.memory_space<vmem>>) target_semaphore(%run_scoped3A_129 : memref<!tpu.dma_semaphore, #tpu.memory_space<semaphore_mem>>)
      %dma_wait3A = arith.constant 0 : i32
      %dma_wait3A_133 = tpu.memref_slice %arg7[%add3A_114, %dma_wait3A] : memref<10240x128xf32, #tpu.memory_space<vmem_shared>> -> memref<128x128xf32, #tpu.memory_space<vmem_shared>>
      %dma_wait3A_134 = arith.constant 0 : i32
      %dma_wait3A_135 = tpu.memref_slice %arg7[%add3A_114, %dma_wait3A_134] : memref<10240x128xf32, #tpu.memory_space<vmem_shared>> -> memref<128x128xf32, #tpu.memory_space<vmem_shared>>
      tpu.wait_dma2 semaphore(%run_scoped3A_129 : memref<!tpu.dma_semaphore, #tpu.memory_space<semaphore_mem>>) src(%dma_wait3A_135 : memref<128x128xf32, #tpu.memory_space<vmem_shared>>) dst(%arg10 : memref<128x128xf32, #tpu.memory_space<vmem>>)
      tpu.yield
    }) : () -> ()
    %add3A_115 = arith.constant 256 : i32
    %add3A_116 = arith.addi %mul3A_2, %add3A_115 : i32
    %run_scoped3A_117 = arith.constant 2 : i32
    "tpu.region"() ({
      %run_scoped3A_129 = tpu.sem_alloc : memref<!tpu.dma_semaphore, #tpu.memory_space<semaphore_mem>>
      %dma_start3A = arith.constant 0 : i32
      %dma_start3A_130 = tpu.memref_slice %arg6[%run_scoped3A_117, %arg0, %add3A_116, %dma_start3A] : memref<3x2x10240x128xf32, #tpu.memory_space<hbm>> -> memref<1x1x128x128xf32, #tpu.memory_space<hbm>>
      %dma_start3A_131 = tpu.memref_squeeze %dma_start3A_130 : memref<1x1x128x128xf32, #tpu.memory_space<hbm>> -> memref<128x128xf32, #tpu.memory_space<hbm>>
      %dma_start3A_132 = arith.constant 0 : i32
      %dma_start3A_133 = tpu.memref_slice %arg6[%run_scoped3A_117, %arg0, %add3A_116, %dma_start3A_132] : memref<3x2x10240x128xf32, #tpu.memory_space<hbm>> -> memref<1x1x128x128xf32, #tpu.memory_space<hbm>>
      %dma_start3A_134 = tpu.memref_squeeze %dma_start3A_133 : memref<1x1x128x128xf32, #tpu.memory_space<hbm>> -> memref<128x128xf32, #tpu.memory_space<hbm>>
      tpu.enqueue_dma source(%arg10 : memref<128x128xf32, #tpu.memory_space<vmem>>) target(%dma_start3A_134 : memref<128x128xf32, #tpu.memory_space<hbm>>) target_semaphore(%run_scoped3A_129 : memref<!tpu.dma_semaphore, #tpu.memory_space<semaphore_mem>>)
      %dma_wait3A = arith.constant 0 : i32
      %dma_wait3A_135 = tpu.memref_slice %arg6[%run_scoped3A_117, %arg0, %add3A_116, %dma_wait3A] : memref<3x2x10240x128xf32, #tpu.memory_space<hbm>> -> memref<1x1x128x128xf32, #tpu.memory_space<hbm>>
      %dma_wait3A_136 = tpu.memref_squeeze %dma_wait3A_135 : memref<1x1x128x128xf32, #tpu.memory_space<hbm>> -> memref<128x128xf32, #tpu.memory_space<hbm>>
      %dma_wait3A_137 = arith.constant 0 : i32
      %dma_wait3A_138 = tpu.memref_slice %arg6[%run_scoped3A_117, %arg0, %add3A_116, %dma_wait3A_137] : memref<3x2x10240x128xf32, #tpu.memory_space<hbm>> -> memref<1x1x128x128xf32, #tpu.memory_space<hbm>>
      %dma_wait3A_139 = tpu.memref_squeeze %dma_wait3A_138 : memref<1x1x128x128xf32, #tpu.memory_space<hbm>> -> memref<128x128xf32, #tpu.memory_space<hbm>>
      tpu.wait_dma2 semaphore(%run_scoped3A_129 : memref<!tpu.dma_semaphore, #tpu.memory_space<semaphore_mem>>) src(%arg10 : memref<128x128xf32, #tpu.memory_space<vmem>>) dst(%dma_wait3A_139 : memref<128x128xf32, #tpu.memory_space<hbm>>)
      tpu.yield
    }) : () -> ()
    %add3A_118 = arith.constant 384 : i32
    %add3A_119 = arith.addi %mul3A_2, %add3A_118 : i32
    "tpu.region"() ({
      %run_scoped3A_129 = tpu.sem_alloc : memref<!tpu.dma_semaphore, #tpu.memory_space<semaphore_mem>>
      %dma_start3A = arith.constant 0 : i32
      %dma_start3A_130 = tpu.memref_slice %arg7[%add3A_119, %dma_start3A] : memref<10240x128xf32, #tpu.memory_space<vmem_shared>> -> memref<128x128xf32, #tpu.memory_space<vmem_shared>>
      %dma_start3A_131 = arith.constant 0 : i32
      %dma_start3A_132 = tpu.memref_slice %arg7[%add3A_119, %dma_start3A_131] : memref<10240x128xf32, #tpu.memory_space<vmem_shared>> -> memref<128x128xf32, #tpu.memory_space<vmem_shared>>
      tpu.enqueue_dma source(%dma_start3A_132 : memref<128x128xf32, #tpu.memory_space<vmem_shared>>) target(%arg10 : memref<128x128xf32, #tpu.memory_space<vmem>>) target_semaphore(%run_scoped3A_129 : memref<!tpu.dma_semaphore, #tpu.memory_space<semaphore_mem>>)
      %dma_wait3A = arith.constant 0 : i32
      %dma_wait3A_133 = tpu.memref_slice %arg7[%add3A_119, %dma_wait3A] : memref<10240x128xf32, #tpu.memory_space<vmem_shared>> -> memref<128x128xf32, #tpu.memory_space<vmem_shared>>
      %dma_wait3A_134 = arith.constant 0 : i32
      %dma_wait3A_135 = tpu.memref_slice %arg7[%add3A_119, %dma_wait3A_134] : memref<10240x128xf32, #tpu.memory_space<vmem_shared>> -> memref<128x128xf32, #tpu.memory_space<vmem_shared>>
      tpu.wait_dma2 semaphore(%run_scoped3A_129 : memref<!tpu.dma_semaphore, #tpu.memory_space<semaphore_mem>>) src(%dma_wait3A_135 : memref<128x128xf32, #tpu.memory_space<vmem_shared>>) dst(%arg10 : memref<128x128xf32, #tpu.memory_space<vmem>>)
      tpu.yield
    }) : () -> ()
    %add3A_120 = arith.constant 384 : i32
    %add3A_121 = arith.addi %mul3A_2, %add3A_120 : i32
    %run_scoped3A_122 = arith.constant 2 : i32
    "tpu.region"() ({
      %run_scoped3A_129 = tpu.sem_alloc : memref<!tpu.dma_semaphore, #tpu.memory_space<semaphore_mem>>
      %dma_start3A = arith.constant 0 : i32
      %dma_start3A_130 = tpu.memref_slice %arg6[%run_scoped3A_122, %arg0, %add3A_121, %dma_start3A] : memref<3x2x10240x128xf32, #tpu.memory_space<hbm>> -> memref<1x1x128x128xf32, #tpu.memory_space<hbm>>
      %dma_start3A_131 = tpu.memref_squeeze %dma_start3A_130 : memref<1x1x128x128xf32, #tpu.memory_space<hbm>> -> memref<128x128xf32, #tpu.memory_space<hbm>>
      %dma_start3A_132 = arith.constant 0 : i32
      %dma_start3A_133 = tpu.memref_slice %arg6[%run_scoped3A_122, %arg0, %add3A_121, %dma_start3A_132] : memref<3x2x10240x128xf32, #tpu.memory_space<hbm>> -> memref<1x1x128x128xf32, #tpu.memory_space<hbm>>
      %dma_start3A_134 = tpu.memref_squeeze %dma_start3A_133 : memref<1x1x128x128xf32, #tpu.memory_space<hbm>> -> memref<128x128xf32, #tpu.memory_space<hbm>>
      tpu.enqueue_dma source(%arg10 : memref<128x128xf32, #tpu.memory_space<vmem>>) target(%dma_start3A_134 : memref<128x128xf32, #tpu.memory_space<hbm>>) target_semaphore(%run_scoped3A_129 : memref<!tpu.dma_semaphore, #tpu.memory_space<semaphore_mem>>)
      %dma_wait3A = arith.constant 0 : i32
      %dma_wait3A_135 = tpu.memref_slice %arg6[%run_scoped3A_122, %arg0, %add3A_121, %dma_wait3A] : memref<3x2x10240x128xf32, #tpu.memory_space<hbm>> -> memref<1x1x128x128xf32, #tpu.memory_space<hbm>>
      %dma_wait3A_136 = tpu.memref_squeeze %dma_wait3A_135 : memref<1x1x128x128xf32, #tpu.memory_space<hbm>> -> memref<128x128xf32, #tpu.memory_space<hbm>>
      %dma_wait3A_137 = arith.constant 0 : i32
      %dma_wait3A_138 = tpu.memref_slice %arg6[%run_scoped3A_122, %arg0, %add3A_121, %dma_wait3A_137] : memref<3x2x10240x128xf32, #tpu.memory_space<hbm>> -> memref<1x1x128x128xf32, #tpu.memory_space<hbm>>
      %dma_wait3A_139 = tpu.memref_squeeze %dma_wait3A_138 : memref<1x1x128x128xf32, #tpu.memory_space<hbm>> -> memref<128x128xf32, #tpu.memory_space<hbm>>
      tpu.wait_dma2 semaphore(%run_scoped3A_129 : memref<!tpu.dma_semaphore, #tpu.memory_space<semaphore_mem>>) src(%arg10 : memref<128x128xf32, #tpu.memory_space<vmem>>) dst(%dma_wait3A_139 : memref<128x128xf32, #tpu.memory_space<hbm>>)
      tpu.yield
    }) : () -> ()
    %add3A_123 = arith.constant 512 : i32
    %add3A_124 = arith.addi %mul3A_2, %add3A_123 : i32
    "tpu.region"() ({
      %run_scoped3A_129 = tpu.sem_alloc : memref<!tpu.dma_semaphore, #tpu.memory_space<semaphore_mem>>
      %dma_start3A = arith.constant 0 : i32
      %dma_start3A_130 = tpu.memref_slice %arg7[%add3A_124, %dma_start3A] : memref<10240x128xf32, #tpu.memory_space<vmem_shared>> -> memref<128x128xf32, #tpu.memory_space<vmem_shared>>
      %dma_start3A_131 = arith.constant 0 : i32
      %dma_start3A_132 = tpu.memref_slice %arg7[%add3A_124, %dma_start3A_131] : memref<10240x128xf32, #tpu.memory_space<vmem_shared>> -> memref<128x128xf32, #tpu.memory_space<vmem_shared>>
      tpu.enqueue_dma source(%dma_start3A_132 : memref<128x128xf32, #tpu.memory_space<vmem_shared>>) target(%arg10 : memref<128x128xf32, #tpu.memory_space<vmem>>) target_semaphore(%run_scoped3A_129 : memref<!tpu.dma_semaphore, #tpu.memory_space<semaphore_mem>>)
      %dma_wait3A = arith.constant 0 : i32
      %dma_wait3A_133 = tpu.memref_slice %arg7[%add3A_124, %dma_wait3A] : memref<10240x128xf32, #tpu.memory_space<vmem_shared>> -> memref<128x128xf32, #tpu.memory_space<vmem_shared>>
      %dma_wait3A_134 = arith.constant 0 : i32
      %dma_wait3A_135 = tpu.memref_slice %arg7[%add3A_124, %dma_wait3A_134] : memref<10240x128xf32, #tpu.memory_space<vmem_shared>> -> memref<128x128xf32, #tpu.memory_space<vmem_shared>>
      tpu.wait_dma2 semaphore(%run_scoped3A_129 : memref<!tpu.dma_semaphore, #tpu.memory_space<semaphore_mem>>) src(%dma_wait3A_135 : memref<128x128xf32, #tpu.memory_space<vmem_shared>>) dst(%arg10 : memref<128x128xf32, #tpu.memory_space<vmem>>)
      tpu.yield
    }) : () -> ()
    %add3A_125 = arith.constant 512 : i32
    %add3A_126 = arith.addi %mul3A_2, %add3A_125 : i32
    %run_scoped3A_127 = arith.constant 2 : i32
    "tpu.region"() ({
      %run_scoped3A_129 = tpu.sem_alloc : memref<!tpu.dma_semaphore, #tpu.memory_space<semaphore_mem>>
      %dma_start3A = arith.constant 0 : i32
      %dma_start3A_130 = tpu.memref_slice %arg6[%run_scoped3A_127, %arg0, %add3A_126, %dma_start3A] : memref<3x2x10240x128xf32, #tpu.memory_space<hbm>> -> memref<1x1x128x128xf32, #tpu.memory_space<hbm>>
      %dma_start3A_131 = tpu.memref_squeeze %dma_start3A_130 : memref<1x1x128x128xf32, #tpu.memory_space<hbm>> -> memref<128x128xf32, #tpu.memory_space<hbm>>
      %dma_start3A_132 = arith.constant 0 : i32
      %dma_start3A_133 = tpu.memref_slice %arg6[%run_scoped3A_127, %arg0, %add3A_126, %dma_start3A_132] : memref<3x2x10240x128xf32, #tpu.memory_space<hbm>> -> memref<1x1x128x128xf32, #tpu.memory_space<hbm>>
      %dma_start3A_134 = tpu.memref_squeeze %dma_start3A_133 : memref<1x1x128x128xf32, #tpu.memory_space<hbm>> -> memref<128x128xf32, #tpu.memory_space<hbm>>
      tpu.enqueue_dma source(%arg10 : memref<128x128xf32, #tpu.memory_space<vmem>>) target(%dma_start3A_134 : memref<128x128xf32, #tpu.memory_space<hbm>>) target_semaphore(%run_scoped3A_129 : memref<!tpu.dma_semaphore, #tpu.memory_space<semaphore_mem>>)
      %dma_wait3A = arith.constant 0 : i32
      %dma_wait3A_135 = tpu.memref_slice %arg6[%run_scoped3A_127, %arg0, %add3A_126, %dma_wait3A] : memref<3x2x10240x128xf32, #tpu.memory_space<hbm>> -> memref<1x1x128x128xf32, #tpu.memory_space<hbm>>
      %dma_wait3A_136 = tpu.memref_squeeze %dma_wait3A_135 : memref<1x1x128x128xf32, #tpu.memory_space<hbm>> -> memref<128x128xf32, #tpu.memory_space<hbm>>
      %dma_wait3A_137 = arith.constant 0 : i32
      %dma_wait3A_138 = tpu.memref_slice %arg6[%run_scoped3A_127, %arg0, %add3A_126, %dma_wait3A_137] : memref<3x2x10240x128xf32, #tpu.memory_space<hbm>> -> memref<1x1x128x128xf32, #tpu.memory_space<hbm>>
      %dma_wait3A_139 = tpu.memref_squeeze %dma_wait3A_138 : memref<1x1x128x128xf32, #tpu.memory_space<hbm>> -> memref<128x128xf32, #tpu.memory_space<hbm>>
      tpu.wait_dma2 semaphore(%run_scoped3A_129 : memref<!tpu.dma_semaphore, #tpu.memory_space<semaphore_mem>>) src(%arg10 : memref<128x128xf32, #tpu.memory_space<vmem>>) dst(%dma_wait3A_139 : memref<128x128xf32, #tpu.memory_space<hbm>>)
      tpu.yield
    }) : () -> ()
    %barrier3A_128 = arith.constant 0 : index
    tpu.barrier barrier_id(%barrier3A_128)
    return
  }
}

#map = affine_map<(d0, d1) -> (0)>
#map1 = affine_map<(d0, d1) -> (0, 0)>
#map2 = affine_map<(d0, d1) -> (0, 0, 0, 0)>
module attributes {stable_mosaic.version = 14 : i64} {
  func.func @k(%arg0: i32, %arg1: i32, %arg2: memref<970752xi32, #tpu.memory_space<hbm>>, %arg3: memref<128x128xf32, #tpu.memory_space<hbm>>, %arg4: memref<128x128xf32, #tpu.memory_space<hbm>>, %arg5: memref<3x2x10240x128xf32, #tpu.memory_space<hbm>>, %arg6: memref<10240x128xf32, #tpu.memory_space<vmem_shared>>, %arg7: memref<128xi32, #tpu.memory_space<vmem>>, %arg8: memref<128x128xf32, #tpu.memory_space<vmem>>) attributes {dimension_semantics = [#tpu.dimension_semantics<core_parallel>, #tpu.dimension_semantics<subcore_parallel>], iteration_bounds = array<i64: 2, 16>, scalar_prefetch = 0 : i64, scratch_operands = 3 : i64, tpu.core_type = #tpu.core_type<sc_vector_subcore>, window_params = [{transform_indices = #map}, {transform_indices = #map1}, {transform_indices = #map1}, {transform_indices = #map2}]} {
    %mul3A = arith.constant 16 : i32
    %mul3A_0 = arith.muli %arg0, %mul3A : i32
    %add3A = arith.addi %mul3A_0, %arg1 : i32
    %mul3A_1 = arith.constant 640 : i32
    %mul3A_2 = arith.muli %arg1, %mul3A_1 : i32
    "tpu.region"() ({
      %run_scoped3A_129 = tpu.sem_alloc : memref<!tpu.dma_semaphore, #tpu.memory_space<semaphore_mem>>
      tpu.enqueue_dma source(%arg3 : memref<128x128xf32, #tpu.memory_space<hbm>>) target(%arg8 : memref<128x128xf32, #tpu.memory_space<vmem>>) target_semaphore(%run_scoped3A_129 : memref<!tpu.dma_semaphore, #tpu.memory_space<semaphore_mem>>)
      tpu.wait_dma2 semaphore(%run_scoped3A_129 : memref<!tpu.dma_semaphore, #tpu.memory_space<semaphore_mem>>) src(%arg3 : memref<128x128xf32, #tpu.memory_space<hbm>>) dst(%arg8 : memref<128x128xf32, #tpu.memory_space<vmem>>)
      tpu.yield
    }) : () -> ()
    %add3A_3 = arith.constant 0 : i32
    %add3A_4 = arith.addi %mul3A_2, %add3A_3 : i32
    "tpu.region"() ({
      %run_scoped3A_129 = tpu.sem_alloc : memref<!tpu.dma_semaphore, #tpu.memory_space<semaphore_mem>>
      %dma_start3A = arith.constant 0 : i32
      %dma_start3A_130 = tpu.memref_slice %arg6[%add3A_4, %dma_start3A] : memref<10240x128xf32, #tpu.memory_space<vmem_shared>> -> memref<128x128xf32, #tpu.memory_space<vmem_shared>>
      %dma_start3A_131 = arith.constant 0 : i32
      %dma_start3A_132 = tpu.memref_slice %arg6[%add3A_4, %dma_start3A_131] : memref<10240x128xf32, #tpu.memory_space<vmem_shared>> -> memref<128x128xf32, #tpu.memory_space<vmem_shared>>
      tpu.enqueue_dma source(%arg8 : memref<128x128xf32, #tpu.memory_space<vmem>>) target(%dma_start3A_132 : memref<128x128xf32, #tpu.memory_space<vmem_shared>>) target_semaphore(%run_scoped3A_129 : memref<!tpu.dma_semaphore, #tpu.memory_space<semaphore_mem>>)
      %dma_wait3A = arith.constant 0 : i32
      %dma_wait3A_133 = tpu.memref_slice %arg6[%add3A_4, %dma_wait3A] : memref<10240x128xf32, #tpu.memory_space<vmem_shared>> -> memref<128x128xf32, #tpu.memory_space<vmem_shared>>
      %dma_wait3A_134 = arith.constant 0 : i32
      %dma_wait3A_135 = tpu.memref_slice %arg6[%add3A_4, %dma_wait3A_134] : memref<10240x128xf32, #tpu.memory_space<vmem_shared>> -> memref<128x128xf32, #tpu.memory_space<vmem_shared>>
      tpu.wait_dma2 semaphore(%run_scoped3A_129 : memref<!tpu.dma_semaphore, #tpu.memory_space<semaphore_mem>>) src(%arg8 : memref<128x128xf32, #tpu.memory_space<vmem>>) dst(%dma_wait3A_135 : memref<128x128xf32, #tpu.memory_space<vmem_shared>>)
      tpu.yield
    }) : () -> ()
    %add3A_5 = arith.constant 128 : i32
    %add3A_6 = arith.addi %mul3A_2, %add3A_5 : i32
    "tpu.region"() ({
      %run_scoped3A_129 = tpu.sem_alloc : memref<!tpu.dma_semaphore, #tpu.memory_space<semaphore_mem>>
      %dma_start3A = arith.constant 0 : i32
      %dma_start3A_130 = tpu.memref_slice %arg6[%add3A_6, %dma_start3A] : memref<10240x128xf32, #tpu.memory_space<vmem_shared>> -> memref<128x128xf32, #tpu.memory_space<vmem_shared>>
      %dma_start3A_131 = arith.constant 0 : i32
      %dma_start3A_132 = tpu.memref_slice %arg6[%add3A_6, %dma_start3A_131] : memref<10240x128xf32, #tpu.memory_space<vmem_shared>> -> memref<128x128xf32, #tpu.memory_space<vmem_shared>>
      tpu.enqueue_dma source(%arg8 : memref<128x128xf32, #tpu.memory_space<vmem>>) target(%dma_start3A_132 : memref<128x128xf32, #tpu.memory_space<vmem_shared>>) target_semaphore(%run_scoped3A_129 : memref<!tpu.dma_semaphore, #tpu.memory_space<semaphore_mem>>)
      %dma_wait3A = arith.constant 0 : i32
      %dma_wait3A_133 = tpu.memref_slice %arg6[%add3A_6, %dma_wait3A] : memref<10240x128xf32, #tpu.memory_space<vmem_shared>> -> memref<128x128xf32, #tpu.memory_space<vmem_shared>>
      %dma_wait3A_134 = arith.constant 0 : i32
      %dma_wait3A_135 = tpu.memref_slice %arg6[%add3A_6, %dma_wait3A_134] : memref<10240x128xf32, #tpu.memory_space<vmem_shared>> -> memref<128x128xf32, #tpu.memory_space<vmem_shared>>
      tpu.wait_dma2 semaphore(%run_scoped3A_129 : memref<!tpu.dma_semaphore, #tpu.memory_space<semaphore_mem>>) src(%arg8 : memref<128x128xf32, #tpu.memory_space<vmem>>) dst(%dma_wait3A_135 : memref<128x128xf32, #tpu.memory_space<vmem_shared>>)
      tpu.yield
    }) : () -> ()
    %add3A_7 = arith.constant 256 : i32
    %add3A_8 = arith.addi %mul3A_2, %add3A_7 : i32
    "tpu.region"() ({
      %run_scoped3A_129 = tpu.sem_alloc : memref<!tpu.dma_semaphore, #tpu.memory_space<semaphore_mem>>
      %dma_start3A = arith.constant 0 : i32
      %dma_start3A_130 = tpu.memref_slice %arg6[%add3A_8, %dma_start3A] : memref<10240x128xf32, #tpu.memory_space<vmem_shared>> -> memref<128x128xf32, #tpu.memory_space<vmem_shared>>
      %dma_start3A_131 = arith.constant 0 : i32
      %dma_start3A_132 = tpu.memref_slice %arg6[%add3A_8, %dma_start3A_131] : memref<10240x128xf32, #tpu.memory_space<vmem_shared>> -> memref<128x128xf32, #tpu.memory_space<vmem_shared>>
      tpu.enqueue_dma source(%arg8 : memref<128x128xf32, #tpu.memory_space<vmem>>) target(%dma_start3A_132 : memref<128x128xf32, #tpu.memory_space<vmem_shared>>) target_semaphore(%run_scoped3A_129 : memref<!tpu.dma_semaphore, #tpu.memory_space<semaphore_mem>>)
      %dma_wait3A = arith.constant 0 : i32
      %dma_wait3A_133 = tpu.memref_slice %arg6[%add3A_8, %dma_wait3A] : memref<10240x128xf32, #tpu.memory_space<vmem_shared>> -> memref<128x128xf32, #tpu.memory_space<vmem_shared>>
      %dma_wait3A_134 = arith.constant 0 : i32
      %dma_wait3A_135 = tpu.memref_slice %arg6[%add3A_8, %dma_wait3A_134] : memref<10240x128xf32, #tpu.memory_space<vmem_shared>> -> memref<128x128xf32, #tpu.memory_space<vmem_shared>>
      tpu.wait_dma2 semaphore(%run_scoped3A_129 : memref<!tpu.dma_semaphore, #tpu.memory_space<semaphore_mem>>) src(%arg8 : memref<128x128xf32, #tpu.memory_space<vmem>>) dst(%dma_wait3A_135 : memref<128x128xf32, #tpu.memory_space<vmem_shared>>)
      tpu.yield
    }) : () -> ()
    %add3A_9 = arith.constant 384 : i32
    %add3A_10 = arith.addi %mul3A_2, %add3A_9 : i32
    "tpu.region"() ({
      %run_scoped3A_129 = tpu.sem_alloc : memref<!tpu.dma_semaphore, #tpu.memory_space<semaphore_mem>>
      %dma_start3A = arith.constant 0 : i32
      %dma_start3A_130 = tpu.memref_slice %arg6[%add3A_10, %dma_start3A] : memref<10240x128xf32, #tpu.memory_space<vmem_shared>> -> memref<128x128xf32, #tpu.memory_space<vmem_shared>>
      %dma_start3A_131 = arith.constant 0 : i32
      %dma_start3A_132 = tpu.memref_slice %arg6[%add3A_10, %dma_start3A_131] : memref<10240x128xf32, #tpu.memory_space<vmem_shared>> -> memref<128x128xf32, #tpu.memory_space<vmem_shared>>
      tpu.enqueue_dma source(%arg8 : memref<128x128xf32, #tpu.memory_space<vmem>>) target(%dma_start3A_132 : memref<128x128xf32, #tpu.memory_space<vmem_shared>>) target_semaphore(%run_scoped3A_129 : memref<!tpu.dma_semaphore, #tpu.memory_space<semaphore_mem>>)
      %dma_wait3A = arith.constant 0 : i32
      %dma_wait3A_133 = tpu.memref_slice %arg6[%add3A_10, %dma_wait3A] : memref<10240x128xf32, #tpu.memory_space<vmem_shared>> -> memref<128x128xf32, #tpu.memory_space<vmem_shared>>
      %dma_wait3A_134 = arith.constant 0 : i32
      %dma_wait3A_135 = tpu.memref_slice %arg6[%add3A_10, %dma_wait3A_134] : memref<10240x128xf32, #tpu.memory_space<vmem_shared>> -> memref<128x128xf32, #tpu.memory_space<vmem_shared>>
      tpu.wait_dma2 semaphore(%run_scoped3A_129 : memref<!tpu.dma_semaphore, #tpu.memory_space<semaphore_mem>>) src(%arg8 : memref<128x128xf32, #tpu.memory_space<vmem>>) dst(%dma_wait3A_135 : memref<128x128xf32, #tpu.memory_space<vmem_shared>>)
      tpu.yield
    }) : () -> ()
    %add3A_11 = arith.constant 512 : i32
    %add3A_12 = arith.addi %mul3A_2, %add3A_11 : i32
    "tpu.region"() ({
      %run_scoped3A_129 = tpu.sem_alloc : memref<!tpu.dma_semaphore, #tpu.memory_space<semaphore_mem>>
      %dma_start3A = arith.constant 0 : i32
      %dma_start3A_130 = tpu.memref_slice %arg6[%add3A_12, %dma_start3A] : memref<10240x128xf32, #tpu.memory_space<vmem_shared>> -> memref<128x128xf32, #tpu.memory_space<vmem_shared>>
      %dma_start3A_131 = arith.constant 0 : i32
      %dma_start3A_132 = tpu.memref_slice %arg6[%add3A_12, %dma_start3A_131] : memref<10240x128xf32, #tpu.memory_space<vmem_shared>> -> memref<128x128xf32, #tpu.memory_space<vmem_shared>>
      tpu.enqueue_dma source(%arg8 : memref<128x128xf32, #tpu.memory_space<vmem>>) target(%dma_start3A_132 : memref<128x128xf32, #tpu.memory_space<vmem_shared>>) target_semaphore(%run_scoped3A_129 : memref<!tpu.dma_semaphore, #tpu.memory_space<semaphore_mem>>)
      %dma_wait3A = arith.constant 0 : i32
      %dma_wait3A_133 = tpu.memref_slice %arg6[%add3A_12, %dma_wait3A] : memref<10240x128xf32, #tpu.memory_space<vmem_shared>> -> memref<128x128xf32, #tpu.memory_space<vmem_shared>>
      %dma_wait3A_134 = arith.constant 0 : i32
      %dma_wait3A_135 = tpu.memref_slice %arg6[%add3A_12, %dma_wait3A_134] : memref<10240x128xf32, #tpu.memory_space<vmem_shared>> -> memref<128x128xf32, #tpu.memory_space<vmem_shared>>
      tpu.wait_dma2 semaphore(%run_scoped3A_129 : memref<!tpu.dma_semaphore, #tpu.memory_space<semaphore_mem>>) src(%arg8 : memref<128x128xf32, #tpu.memory_space<vmem>>) dst(%dma_wait3A_135 : memref<128x128xf32, #tpu.memory_space<vmem_shared>>)
      tpu.yield
    }) : () -> ()
    "tpu.region"() ({
      %run_scoped3A_129 = tpu.sem_alloc : memref<!tpu.dma_semaphore, #tpu.memory_space<semaphore_mem>>
      tpu.enqueue_dma source(%arg4 : memref<128x128xf32, #tpu.memory_space<hbm>>) target(%arg8 : memref<128x128xf32, #tpu.memory_space<vmem>>) target_semaphore(%run_scoped3A_129 : memref<!tpu.dma_semaphore, #tpu.memory_space<semaphore_mem>>)
      tpu.wait_dma2 semaphore(%run_scoped3A_129 : memref<!tpu.dma_semaphore, #tpu.memory_space<semaphore_mem>>) src(%arg4 : memref<128x128xf32, #tpu.memory_space<hbm>>) dst(%arg8 : memref<128x128xf32, #tpu.memory_space<vmem>>)
      tpu.yield
    }) : () -> ()
    %barrier3A = arith.constant 0 : index
    tpu.barrier barrier_id(%barrier3A)
    %scan3A = arith.constant 0 : i32
    %scan3A_13 = arith.constant 79 : i32
    %scan3A_14 = arith.addi %scan3A, %scan3A_13 : i32
    %scan3A_15 = arith.constant 1 : i32
    scf.for %scan3A_129 = %scan3A to %scan3A_14 step %scan3A_15  : i32 {
      %mul3A_130 = arith.constant 1 : i32
      %mul3A_131 = arith.muli %scan3A_129, %mul3A_130 : i32
      %add3A_132 = arith.constant 0 : i32
      %add3A_133 = arith.addi %add3A_132, %mul3A_131 : i32
      %mul3A_134 = arith.constant 79 : i32
      %mul3A_135 = arith.muli %add3A, %mul3A_134 : i32
      %add3A_136 = arith.addi %mul3A_135, %add3A_133 : i32
      %mul3A_137 = arith.constant 128 : i32
      %mul3A_138 = arith.muli %add3A_136, %mul3A_137 : i32
      %add3A_139 = arith.constant 0 : i32
      %add3A_140 = arith.addi %add3A_139, %mul3A_138 : i32
      "tpu.region"() ({
        %run_scoped3A_141 = tpu.sem_alloc : memref<!tpu.dma_semaphore, #tpu.memory_space<semaphore_mem>>
        %dma_start3A = tpu.memref_slice %arg2[%add3A_140] : memref<970752xi32, #tpu.memory_space<hbm>> -> memref<128xi32, #tpu.memory_space<hbm>>
        %dma_start3A_142 = tpu.memref_slice %arg2[%add3A_140] : memref<970752xi32, #tpu.memory_space<hbm>> -> memref<128xi32, #tpu.memory_space<hbm>>
        tpu.enqueue_dma source(%dma_start3A_142 : memref<128xi32, #tpu.memory_space<hbm>>) target(%arg7 : memref<128xi32, #tpu.memory_space<vmem>>) target_semaphore(%run_scoped3A_141 : memref<!tpu.dma_semaphore, #tpu.memory_space<semaphore_mem>>)
        %dma_wait3A = tpu.memref_slice %arg2[%add3A_140] : memref<970752xi32, #tpu.memory_space<hbm>> -> memref<128xi32, #tpu.memory_space<hbm>>
        %dma_wait3A_143 = tpu.memref_slice %arg2[%add3A_140] : memref<970752xi32, #tpu.memory_space<hbm>> -> memref<128xi32, #tpu.memory_space<hbm>>
        tpu.wait_dma2 semaphore(%run_scoped3A_141 : memref<!tpu.dma_semaphore, #tpu.memory_space<semaphore_mem>>) src(%dma_wait3A_143 : memref<128xi32, #tpu.memory_space<hbm>>) dst(%arg7 : memref<128xi32, #tpu.memory_space<vmem>>)
        tpu.yield
      }) : () -> ()
      "tpu.region"() ({
        %run_scoped3A_141 = tpu.sem_alloc : memref<!tpu.dma_semaphore, #tpu.memory_space<semaphore_mem>>
        %dma_start3A = arith.constant 0 : i32
        %dma_start3A_142 = arith.constant 0 : i32
        %dma_start3A_143 = tpu.memref_slice %arg6[%dma_start3A, %dma_start3A_142] : memref<10240x128xf32, #tpu.memory_space<vmem_shared>> -> memref<10240x128xf32, #tpu.memory_space<vmem_shared>>
        tpu.enqueue_indirect_dma source(%arg8 : memref<128x128xf32, #tpu.memory_space<vmem>>) target(%dma_start3A_143 : memref<10240x128xf32, #tpu.memory_space<vmem_shared>>) offsets(%arg7 : memref<128xi32, #tpu.memory_space<vmem>>) semaphore(%run_scoped3A_141 : memref<!tpu.dma_semaphore, #tpu.memory_space<semaphore_mem>>) {add = true}
        %dma_wait3A = arith.constant 0 : i32
        %dma_wait3A_144 = arith.constant 0 : i32
        %dma_wait3A_145 = tpu.memref_slice %arg6[%dma_wait3A, %dma_wait3A_144] : memref<10240x128xf32, #tpu.memory_space<vmem_shared>> -> memref<10240x128xf32, #tpu.memory_space<vmem_shared>>
        tpu.wait_indirect_dma semaphore(%run_scoped3A_141 : memref<!tpu.dma_semaphore, #tpu.memory_space<semaphore_mem>>) src(%arg8 : memref<128x128xf32, #tpu.memory_space<vmem>>) dst(%dma_wait3A_145 : memref<10240x128xf32, #tpu.memory_space<vmem_shared>>)
        tpu.yield
      }) : () -> ()
    }
    %scan3A_16 = arith.constant 79 : i32
    %barrier3A_17 = arith.constant 0 : index
    tpu.barrier barrier_id(%barrier3A_17)
    %add3A_18 = arith.constant 0 : i32
    %add3A_19 = arith.addi %mul3A_2, %add3A_18 : i32
    "tpu.region"() ({
      %run_scoped3A_129 = tpu.sem_alloc : memref<!tpu.dma_semaphore, #tpu.memory_space<semaphore_mem>>
      %dma_start3A = arith.constant 0 : i32
      %dma_start3A_130 = tpu.memref_slice %arg6[%add3A_19, %dma_start3A] : memref<10240x128xf32, #tpu.memory_space<vmem_shared>> -> memref<128x128xf32, #tpu.memory_space<vmem_shared>>
      %dma_start3A_131 = arith.constant 0 : i32
      %dma_start3A_132 = tpu.memref_slice %arg6[%add3A_19, %dma_start3A_131] : memref<10240x128xf32, #tpu.memory_space<vmem_shared>> -> memref<128x128xf32, #tpu.memory_space<vmem_shared>>
      tpu.enqueue_dma source(%dma_start3A_132 : memref<128x128xf32, #tpu.memory_space<vmem_shared>>) target(%arg8 : memref<128x128xf32, #tpu.memory_space<vmem>>) target_semaphore(%run_scoped3A_129 : memref<!tpu.dma_semaphore, #tpu.memory_space<semaphore_mem>>)
      %dma_wait3A = arith.constant 0 : i32
      %dma_wait3A_133 = tpu.memref_slice %arg6[%add3A_19, %dma_wait3A] : memref<10240x128xf32, #tpu.memory_space<vmem_shared>> -> memref<128x128xf32, #tpu.memory_space<vmem_shared>>
      %dma_wait3A_134 = arith.constant 0 : i32
      %dma_wait3A_135 = tpu.memref_slice %arg6[%add3A_19, %dma_wait3A_134] : memref<10240x128xf32, #tpu.memory_space<vmem_shared>> -> memref<128x128xf32, #tpu.memory_space<vmem_shared>>
      tpu.wait_dma2 semaphore(%run_scoped3A_129 : memref<!tpu.dma_semaphore, #tpu.memory_space<semaphore_mem>>) src(%dma_wait3A_135 : memref<128x128xf32, #tpu.memory_space<vmem_shared>>) dst(%arg8 : memref<128x128xf32, #tpu.memory_space<vmem>>)
      tpu.yield
    }) : () -> ()
    %add3A_20 = arith.constant 0 : i32
    %add3A_21 = arith.addi %mul3A_2, %add3A_20 : i32
    %run_scoped3A = arith.constant 0 : i32
    "tpu.region"() ({
      %run_scoped3A_129 = tpu.sem_alloc : memref<!tpu.dma_semaphore, #tpu.memory_space<semaphore_mem>>
      %dma_start3A = arith.constant 0 : i32
      %dma_start3A_130 = tpu.memref_slice %arg5[%run_scoped3A, %arg0, %add3A_21, %dma_start3A] : memref<3x2x10240x128xf32, #tpu.memory_space<hbm>> -> memref<1x1x128x128xf32, #tpu.memory_space<hbm>>
      %dma_start3A_131 = tpu.memref_squeeze %dma_start3A_130 : memref<1x1x128x128xf32, #tpu.memory_space<hbm>> -> memref<128x128xf32, #tpu.memory_space<hbm>>
      %dma_start3A_132 = arith.constant 0 : i32
      %dma_start3A_133 = tpu.memref_slice %arg5[%run_scoped3A, %arg0, %add3A_21, %dma_start3A_132] : memref<3x2x10240x128xf32, #tpu.memory_space<hbm>> -> memref<1x1x128x128xf32, #tpu.memory_space<hbm>>
      %dma_start3A_134 = tpu.memref_squeeze %dma_start3A_133 : memref<1x1x128x128xf32, #tpu.memory_space<hbm>> -> memref<128x128xf32, #tpu.memory_space<hbm>>
      tpu.enqueue_dma source(%arg8 : memref<128x128xf32, #tpu.memory_space<vmem>>) target(%dma_start3A_134 : memref<128x128xf32, #tpu.memory_space<hbm>>) target_semaphore(%run_scoped3A_129 : memref<!tpu.dma_semaphore, #tpu.memory_space<semaphore_mem>>)
      %dma_wait3A = arith.constant 0 : i32
      %dma_wait3A_135 = tpu.memref_slice %arg5[%run_scoped3A, %arg0, %add3A_21, %dma_wait3A] : memref<3x2x10240x128xf32, #tpu.memory_space<hbm>> -> memref<1x1x128x128xf32, #tpu.memory_space<hbm>>
      %dma_wait3A_136 = tpu.memref_squeeze %dma_wait3A_135 : memref<1x1x128x128xf32, #tpu.memory_space<hbm>> -> memref<128x128xf32, #tpu.memory_space<hbm>>
      %dma_wait3A_137 = arith.constant 0 : i32
      %dma_wait3A_138 = tpu.memref_slice %arg5[%run_scoped3A, %arg0, %add3A_21, %dma_wait3A_137] : memref<3x2x10240x128xf32, #tpu.memory_space<hbm>> -> memref<1x1x128x128xf32, #tpu.memory_space<hbm>>
      %dma_wait3A_139 = tpu.memref_squeeze %dma_wait3A_138 : memref<1x1x128x128xf32, #tpu.memory_space<hbm>> -> memref<128x128xf32, #tpu.memory_space<hbm>>
      tpu.wait_dma2 semaphore(%run_scoped3A_129 : memref<!tpu.dma_semaphore, #tpu.memory_space<semaphore_mem>>) src(%arg8 : memref<128x128xf32, #tpu.memory_space<vmem>>) dst(%dma_wait3A_139 : memref<128x128xf32, #tpu.memory_space<hbm>>)
      tpu.yield
    }) : () -> ()
    %add3A_22 = arith.constant 128 : i32
    %add3A_23 = arith.addi %mul3A_2, %add3A_22 : i32
    "tpu.region"() ({
      %run_scoped3A_129 = tpu.sem_alloc : memref<!tpu.dma_semaphore, #tpu.memory_space<semaphore_mem>>
      %dma_start3A = arith.constant 0 : i32
      %dma_start3A_130 = tpu.memref_slice %arg6[%add3A_23, %dma_start3A] : memref<10240x128xf32, #tpu.memory_space<vmem_shared>> -> memref<128x128xf32, #tpu.memory_space<vmem_shared>>
      %dma_start3A_131 = arith.constant 0 : i32
      %dma_start3A_132 = tpu.memref_slice %arg6[%add3A_23, %dma_start3A_131] : memref<10240x128xf32, #tpu.memory_space<vmem_shared>> -> memref<128x128xf32, #tpu.memory_space<vmem_shared>>
      tpu.enqueue_dma source(%dma_start3A_132 : memref<128x128xf32, #tpu.memory_space<vmem_shared>>) target(%arg8 : memref<128x128xf32, #tpu.memory_space<vmem>>) target_semaphore(%run_scoped3A_129 : memref<!tpu.dma_semaphore, #tpu.memory_space<semaphore_mem>>)
      %dma_wait3A = arith.constant 0 : i32
      %dma_wait3A_133 = tpu.memref_slice %arg6[%add3A_23, %dma_wait3A] : memref<10240x128xf32, #tpu.memory_space<vmem_shared>> -> memref<128x128xf32, #tpu.memory_space<vmem_shared>>
      %dma_wait3A_134 = arith.constant 0 : i32
      %dma_wait3A_135 = tpu.memref_slice %arg6[%add3A_23, %dma_wait3A_134] : memref<10240x128xf32, #tpu.memory_space<vmem_shared>> -> memref<128x128xf32, #tpu.memory_space<vmem_shared>>
      tpu.wait_dma2 semaphore(%run_scoped3A_129 : memref<!tpu.dma_semaphore, #tpu.memory_space<semaphore_mem>>) src(%dma_wait3A_135 : memref<128x128xf32, #tpu.memory_space<vmem_shared>>) dst(%arg8 : memref<128x128xf32, #tpu.memory_space<vmem>>)
      tpu.yield
    }) : () -> ()
    %add3A_24 = arith.constant 128 : i32
    %add3A_25 = arith.addi %mul3A_2, %add3A_24 : i32
    %run_scoped3A_26 = arith.constant 0 : i32
    "tpu.region"() ({
      %run_scoped3A_129 = tpu.sem_alloc : memref<!tpu.dma_semaphore, #tpu.memory_space<semaphore_mem>>
      %dma_start3A = arith.constant 0 : i32
      %dma_start3A_130 = tpu.memref_slice %arg5[%run_scoped3A_26, %arg0, %add3A_25, %dma_start3A] : memref<3x2x10240x128xf32, #tpu.memory_space<hbm>> -> memref<1x1x128x128xf32, #tpu.memory_space<hbm>>
      %dma_start3A_131 = tpu.memref_squeeze %dma_start3A_130 : memref<1x1x128x128xf32, #tpu.memory_space<hbm>> -> memref<128x128xf32, #tpu.memory_space<hbm>>
      %dma_start3A_132 = arith.constant 0 : i32
      %dma_start3A_133 = tpu.memref_slice %arg5[%run_scoped3A_26, %arg0, %add3A_25, %dma_start3A_132] : memref<3x2x10240x128xf32, #tpu.memory_space<hbm>> -> memref<1x1x128x128xf32, #tpu.memory_space<hbm>>
      %dma_start3A_134 = tpu.memref_squeeze %dma_start3A_133 : memref<1x1x128x128xf32, #tpu.memory_space<hbm>> -> memref<128x128xf32, #tpu.memory_space<hbm>>
      tpu.enqueue_dma source(%arg8 : memref<128x128xf32, #tpu.memory_space<vmem>>) target(%dma_start3A_134 : memref<128x128xf32, #tpu.memory_space<hbm>>) target_semaphore(%run_scoped3A_129 : memref<!tpu.dma_semaphore, #tpu.memory_space<semaphore_mem>>)
      %dma_wait3A = arith.constant 0 : i32
      %dma_wait3A_135 = tpu.memref_slice %arg5[%run_scoped3A_26, %arg0, %add3A_25, %dma_wait3A] : memref<3x2x10240x128xf32, #tpu.memory_space<hbm>> -> memref<1x1x128x128xf32, #tpu.memory_space<hbm>>
      %dma_wait3A_136 = tpu.memref_squeeze %dma_wait3A_135 : memref<1x1x128x128xf32, #tpu.memory_space<hbm>> -> memref<128x128xf32, #tpu.memory_space<hbm>>
      %dma_wait3A_137 = arith.constant 0 : i32
      %dma_wait3A_138 = tpu.memref_slice %arg5[%run_scoped3A_26, %arg0, %add3A_25, %dma_wait3A_137] : memref<3x2x10240x128xf32, #tpu.memory_space<hbm>> -> memref<1x1x128x128xf32, #tpu.memory_space<hbm>>
      %dma_wait3A_139 = tpu.memref_squeeze %dma_wait3A_138 : memref<1x1x128x128xf32, #tpu.memory_space<hbm>> -> memref<128x128xf32, #tpu.memory_space<hbm>>
      tpu.wait_dma2 semaphore(%run_scoped3A_129 : memref<!tpu.dma_semaphore, #tpu.memory_space<semaphore_mem>>) src(%arg8 : memref<128x128xf32, #tpu.memory_space<vmem>>) dst(%dma_wait3A_139 : memref<128x128xf32, #tpu.memory_space<hbm>>)
      tpu.yield
    }) : () -> ()
    %add3A_27 = arith.constant 256 : i32
    %add3A_28 = arith.addi %mul3A_2, %add3A_27 : i32
    "tpu.region"() ({
      %run_scoped3A_129 = tpu.sem_alloc : memref<!tpu.dma_semaphore, #tpu.memory_space<semaphore_mem>>
      %dma_start3A = arith.constant 0 : i32
      %dma_start3A_130 = tpu.memref_slice %arg6[%add3A_28, %dma_start3A] : memref<10240x128xf32, #tpu.memory_space<vmem_shared>> -> memref<128x128xf32, #tpu.memory_space<vmem_shared>>
      %dma_start3A_131 = arith.constant 0 : i32
      %dma_start3A_132 = tpu.memref_slice %arg6[%add3A_28, %dma_start3A_131] : memref<10240x128xf32, #tpu.memory_space<vmem_shared>> -> memref<128x128xf32, #tpu.memory_space<vmem_shared>>
      tpu.enqueue_dma source(%dma_start3A_132 : memref<128x128xf32, #tpu.memory_space<vmem_shared>>) target(%arg8 : memref<128x128xf32, #tpu.memory_space<vmem>>) target_semaphore(%run_scoped3A_129 : memref<!tpu.dma_semaphore, #tpu.memory_space<semaphore_mem>>)
      %dma_wait3A = arith.constant 0 : i32
      %dma_wait3A_133 = tpu.memref_slice %arg6[%add3A_28, %dma_wait3A] : memref<10240x128xf32, #tpu.memory_space<vmem_shared>> -> memref<128x128xf32, #tpu.memory_space<vmem_shared>>
      %dma_wait3A_134 = arith.constant 0 : i32
      %dma_wait3A_135 = tpu.memref_slice %arg6[%add3A_28, %dma_wait3A_134] : memref<10240x128xf32, #tpu.memory_space<vmem_shared>> -> memref<128x128xf32, #tpu.memory_space<vmem_shared>>
      tpu.wait_dma2 semaphore(%run_scoped3A_129 : memref<!tpu.dma_semaphore, #tpu.memory_space<semaphore_mem>>) src(%dma_wait3A_135 : memref<128x128xf32, #tpu.memory_space<vmem_shared>>) dst(%arg8 : memref<128x128xf32, #tpu.memory_space<vmem>>)
      tpu.yield
    }) : () -> ()
    %add3A_29 = arith.constant 256 : i32
    %add3A_30 = arith.addi %mul3A_2, %add3A_29 : i32
    %run_scoped3A_31 = arith.constant 0 : i32
    "tpu.region"() ({
      %run_scoped3A_129 = tpu.sem_alloc : memref<!tpu.dma_semaphore, #tpu.memory_space<semaphore_mem>>
      %dma_start3A = arith.constant 0 : i32
      %dma_start3A_130 = tpu.memref_slice %arg5[%run_scoped3A_31, %arg0, %add3A_30, %dma_start3A] : memref<3x2x10240x128xf32, #tpu.memory_space<hbm>> -> memref<1x1x128x128xf32, #tpu.memory_space<hbm>>
      %dma_start3A_131 = tpu.memref_squeeze %dma_start3A_130 : memref<1x1x128x128xf32, #tpu.memory_space<hbm>> -> memref<128x128xf32, #tpu.memory_space<hbm>>
      %dma_start3A_132 = arith.constant 0 : i32
      %dma_start3A_133 = tpu.memref_slice %arg5[%run_scoped3A_31, %arg0, %add3A_30, %dma_start3A_132] : memref<3x2x10240x128xf32, #tpu.memory_space<hbm>> -> memref<1x1x128x128xf32, #tpu.memory_space<hbm>>
      %dma_start3A_134 = tpu.memref_squeeze %dma_start3A_133 : memref<1x1x128x128xf32, #tpu.memory_space<hbm>> -> memref<128x128xf32, #tpu.memory_space<hbm>>
      tpu.enqueue_dma source(%arg8 : memref<128x128xf32, #tpu.memory_space<vmem>>) target(%dma_start3A_134 : memref<128x128xf32, #tpu.memory_space<hbm>>) target_semaphore(%run_scoped3A_129 : memref<!tpu.dma_semaphore, #tpu.memory_space<semaphore_mem>>)
      %dma_wait3A = arith.constant 0 : i32
      %dma_wait3A_135 = tpu.memref_slice %arg5[%run_scoped3A_31, %arg0, %add3A_30, %dma_wait3A] : memref<3x2x10240x128xf32, #tpu.memory_space<hbm>> -> memref<1x1x128x128xf32, #tpu.memory_space<hbm>>
      %dma_wait3A_136 = tpu.memref_squeeze %dma_wait3A_135 : memref<1x1x128x128xf32, #tpu.memory_space<hbm>> -> memref<128x128xf32, #tpu.memory_space<hbm>>
      %dma_wait3A_137 = arith.constant 0 : i32
      %dma_wait3A_138 = tpu.memref_slice %arg5[%run_scoped3A_31, %arg0, %add3A_30, %dma_wait3A_137] : memref<3x2x10240x128xf32, #tpu.memory_space<hbm>> -> memref<1x1x128x128xf32, #tpu.memory_space<hbm>>
      %dma_wait3A_139 = tpu.memref_squeeze %dma_wait3A_138 : memref<1x1x128x128xf32, #tpu.memory_space<hbm>> -> memref<128x128xf32, #tpu.memory_space<hbm>>
      tpu.wait_dma2 semaphore(%run_scoped3A_129 : memref<!tpu.dma_semaphore, #tpu.memory_space<semaphore_mem>>) src(%arg8 : memref<128x128xf32, #tpu.memory_space<vmem>>) dst(%dma_wait3A_139 : memref<128x128xf32, #tpu.memory_space<hbm>>)
      tpu.yield
    }) : () -> ()
    %add3A_32 = arith.constant 384 : i32
    %add3A_33 = arith.addi %mul3A_2, %add3A_32 : i32
    "tpu.region"() ({
      %run_scoped3A_129 = tpu.sem_alloc : memref<!tpu.dma_semaphore, #tpu.memory_space<semaphore_mem>>
      %dma_start3A = arith.constant 0 : i32
      %dma_start3A_130 = tpu.memref_slice %arg6[%add3A_33, %dma_start3A] : memref<10240x128xf32, #tpu.memory_space<vmem_shared>> -> memref<128x128xf32, #tpu.memory_space<vmem_shared>>
      %dma_start3A_131 = arith.constant 0 : i32
      %dma_start3A_132 = tpu.memref_slice %arg6[%add3A_33, %dma_start3A_131] : memref<10240x128xf32, #tpu.memory_space<vmem_shared>> -> memref<128x128xf32, #tpu.memory_space<vmem_shared>>
      tpu.enqueue_dma source(%dma_start3A_132 : memref<128x128xf32, #tpu.memory_space<vmem_shared>>) target(%arg8 : memref<128x128xf32, #tpu.memory_space<vmem>>) target_semaphore(%run_scoped3A_129 : memref<!tpu.dma_semaphore, #tpu.memory_space<semaphore_mem>>)
      %dma_wait3A = arith.constant 0 : i32
      %dma_wait3A_133 = tpu.memref_slice %arg6[%add3A_33, %dma_wait3A] : memref<10240x128xf32, #tpu.memory_space<vmem_shared>> -> memref<128x128xf32, #tpu.memory_space<vmem_shared>>
      %dma_wait3A_134 = arith.constant 0 : i32
      %dma_wait3A_135 = tpu.memref_slice %arg6[%add3A_33, %dma_wait3A_134] : memref<10240x128xf32, #tpu.memory_space<vmem_shared>> -> memref<128x128xf32, #tpu.memory_space<vmem_shared>>
      tpu.wait_dma2 semaphore(%run_scoped3A_129 : memref<!tpu.dma_semaphore, #tpu.memory_space<semaphore_mem>>) src(%dma_wait3A_135 : memref<128x128xf32, #tpu.memory_space<vmem_shared>>) dst(%arg8 : memref<128x128xf32, #tpu.memory_space<vmem>>)
      tpu.yield
    }) : () -> ()
    %add3A_34 = arith.constant 384 : i32
    %add3A_35 = arith.addi %mul3A_2, %add3A_34 : i32
    %run_scoped3A_36 = arith.constant 0 : i32
    "tpu.region"() ({
      %run_scoped3A_129 = tpu.sem_alloc : memref<!tpu.dma_semaphore, #tpu.memory_space<semaphore_mem>>
      %dma_start3A = arith.constant 0 : i32
      %dma_start3A_130 = tpu.memref_slice %arg5[%run_scoped3A_36, %arg0, %add3A_35, %dma_start3A] : memref<3x2x10240x128xf32, #tpu.memory_space<hbm>> -> memref<1x1x128x128xf32, #tpu.memory_space<hbm>>
      %dma_start3A_131 = tpu.memref_squeeze %dma_start3A_130 : memref<1x1x128x128xf32, #tpu.memory_space<hbm>> -> memref<128x128xf32, #tpu.memory_space<hbm>>
      %dma_start3A_132 = arith.constant 0 : i32
      %dma_start3A_133 = tpu.memref_slice %arg5[%run_scoped3A_36, %arg0, %add3A_35, %dma_start3A_132] : memref<3x2x10240x128xf32, #tpu.memory_space<hbm>> -> memref<1x1x128x128xf32, #tpu.memory_space<hbm>>
      %dma_start3A_134 = tpu.memref_squeeze %dma_start3A_133 : memref<1x1x128x128xf32, #tpu.memory_space<hbm>> -> memref<128x128xf32, #tpu.memory_space<hbm>>
      tpu.enqueue_dma source(%arg8 : memref<128x128xf32, #tpu.memory_space<vmem>>) target(%dma_start3A_134 : memref<128x128xf32, #tpu.memory_space<hbm>>) target_semaphore(%run_scoped3A_129 : memref<!tpu.dma_semaphore, #tpu.memory_space<semaphore_mem>>)
      %dma_wait3A = arith.constant 0 : i32
      %dma_wait3A_135 = tpu.memref_slice %arg5[%run_scoped3A_36, %arg0, %add3A_35, %dma_wait3A] : memref<3x2x10240x128xf32, #tpu.memory_space<hbm>> -> memref<1x1x128x128xf32, #tpu.memory_space<hbm>>
      %dma_wait3A_136 = tpu.memref_squeeze %dma_wait3A_135 : memref<1x1x128x128xf32, #tpu.memory_space<hbm>> -> memref<128x128xf32, #tpu.memory_space<hbm>>
      %dma_wait3A_137 = arith.constant 0 : i32
      %dma_wait3A_138 = tpu.memref_slice %arg5[%run_scoped3A_36, %arg0, %add3A_35, %dma_wait3A_137] : memref<3x2x10240x128xf32, #tpu.memory_space<hbm>> -> memref<1x1x128x128xf32, #tpu.memory_space<hbm>>
      %dma_wait3A_139 = tpu.memref_squeeze %dma_wait3A_138 : memref<1x1x128x128xf32, #tpu.memory_space<hbm>> -> memref<128x128xf32, #tpu.memory_space<hbm>>
      tpu.wait_dma2 semaphore(%run_scoped3A_129 : memref<!tpu.dma_semaphore, #tpu.memory_space<semaphore_mem>>) src(%arg8 : memref<128x128xf32, #tpu.memory_space<vmem>>) dst(%dma_wait3A_139 : memref<128x128xf32, #tpu.memory_space<hbm>>)
      tpu.yield
    }) : () -> ()
    %add3A_37 = arith.constant 512 : i32
    %add3A_38 = arith.addi %mul3A_2, %add3A_37 : i32
    "tpu.region"() ({
      %run_scoped3A_129 = tpu.sem_alloc : memref<!tpu.dma_semaphore, #tpu.memory_space<semaphore_mem>>
      %dma_start3A = arith.constant 0 : i32
      %dma_start3A_130 = tpu.memref_slice %arg6[%add3A_38, %dma_start3A] : memref<10240x128xf32, #tpu.memory_space<vmem_shared>> -> memref<128x128xf32, #tpu.memory_space<vmem_shared>>
      %dma_start3A_131 = arith.constant 0 : i32
      %dma_start3A_132 = tpu.memref_slice %arg6[%add3A_38, %dma_start3A_131] : memref<10240x128xf32, #tpu.memory_space<vmem_shared>> -> memref<128x128xf32, #tpu.memory_space<vmem_shared>>
      tpu.enqueue_dma source(%dma_start3A_132 : memref<128x128xf32, #tpu.memory_space<vmem_shared>>) target(%arg8 : memref<128x128xf32, #tpu.memory_space<vmem>>) target_semaphore(%run_scoped3A_129 : memref<!tpu.dma_semaphore, #tpu.memory_space<semaphore_mem>>)
      %dma_wait3A = arith.constant 0 : i32
      %dma_wait3A_133 = tpu.memref_slice %arg6[%add3A_38, %dma_wait3A] : memref<10240x128xf32, #tpu.memory_space<vmem_shared>> -> memref<128x128xf32, #tpu.memory_space<vmem_shared>>
      %dma_wait3A_134 = arith.constant 0 : i32
      %dma_wait3A_135 = tpu.memref_slice %arg6[%add3A_38, %dma_wait3A_134] : memref<10240x128xf32, #tpu.memory_space<vmem_shared>> -> memref<128x128xf32, #tpu.memory_space<vmem_shared>>
      tpu.wait_dma2 semaphore(%run_scoped3A_129 : memref<!tpu.dma_semaphore, #tpu.memory_space<semaphore_mem>>) src(%dma_wait3A_135 : memref<128x128xf32, #tpu.memory_space<vmem_shared>>) dst(%arg8 : memref<128x128xf32, #tpu.memory_space<vmem>>)
      tpu.yield
    }) : () -> ()
    %add3A_39 = arith.constant 512 : i32
    %add3A_40 = arith.addi %mul3A_2, %add3A_39 : i32
    %run_scoped3A_41 = arith.constant 0 : i32
    "tpu.region"() ({
      %run_scoped3A_129 = tpu.sem_alloc : memref<!tpu.dma_semaphore, #tpu.memory_space<semaphore_mem>>
      %dma_start3A = arith.constant 0 : i32
      %dma_start3A_130 = tpu.memref_slice %arg5[%run_scoped3A_41, %arg0, %add3A_40, %dma_start3A] : memref<3x2x10240x128xf32, #tpu.memory_space<hbm>> -> memref<1x1x128x128xf32, #tpu.memory_space<hbm>>
      %dma_start3A_131 = tpu.memref_squeeze %dma_start3A_130 : memref<1x1x128x128xf32, #tpu.memory_space<hbm>> -> memref<128x128xf32, #tpu.memory_space<hbm>>
      %dma_start3A_132 = arith.constant 0 : i32
      %dma_start3A_133 = tpu.memref_slice %arg5[%run_scoped3A_41, %arg0, %add3A_40, %dma_start3A_132] : memref<3x2x10240x128xf32, #tpu.memory_space<hbm>> -> memref<1x1x128x128xf32, #tpu.memory_space<hbm>>
      %dma_start3A_134 = tpu.memref_squeeze %dma_start3A_133 : memref<1x1x128x128xf32, #tpu.memory_space<hbm>> -> memref<128x128xf32, #tpu.memory_space<hbm>>
      tpu.enqueue_dma source(%arg8 : memref<128x128xf32, #tpu.memory_space<vmem>>) target(%dma_start3A_134 : memref<128x128xf32, #tpu.memory_space<hbm>>) target_semaphore(%run_scoped3A_129 : memref<!tpu.dma_semaphore, #tpu.memory_space<semaphore_mem>>)
      %dma_wait3A = arith.constant 0 : i32
      %dma_wait3A_135 = tpu.memref_slice %arg5[%run_scoped3A_41, %arg0, %add3A_40, %dma_wait3A] : memref<3x2x10240x128xf32, #tpu.memory_space<hbm>> -> memref<1x1x128x128xf32, #tpu.memory_space<hbm>>
      %dma_wait3A_136 = tpu.memref_squeeze %dma_wait3A_135 : memref<1x1x128x128xf32, #tpu.memory_space<hbm>> -> memref<128x128xf32, #tpu.memory_space<hbm>>
      %dma_wait3A_137 = arith.constant 0 : i32
      %dma_wait3A_138 = tpu.memref_slice %arg5[%run_scoped3A_41, %arg0, %add3A_40, %dma_wait3A_137] : memref<3x2x10240x128xf32, #tpu.memory_space<hbm>> -> memref<1x1x128x128xf32, #tpu.memory_space<hbm>>
      %dma_wait3A_139 = tpu.memref_squeeze %dma_wait3A_138 : memref<1x1x128x128xf32, #tpu.memory_space<hbm>> -> memref<128x128xf32, #tpu.memory_space<hbm>>
      tpu.wait_dma2 semaphore(%run_scoped3A_129 : memref<!tpu.dma_semaphore, #tpu.memory_space<semaphore_mem>>) src(%arg8 : memref<128x128xf32, #tpu.memory_space<vmem>>) dst(%dma_wait3A_139 : memref<128x128xf32, #tpu.memory_space<hbm>>)
      tpu.yield
    }) : () -> ()
    %barrier3A_42 = arith.constant 0 : index
    tpu.barrier barrier_id(%barrier3A_42)
    "tpu.region"() ({
      %run_scoped3A_129 = tpu.sem_alloc : memref<!tpu.dma_semaphore, #tpu.memory_space<semaphore_mem>>
      tpu.enqueue_dma source(%arg3 : memref<128x128xf32, #tpu.memory_space<hbm>>) target(%arg8 : memref<128x128xf32, #tpu.memory_space<vmem>>) target_semaphore(%run_scoped3A_129 : memref<!tpu.dma_semaphore, #tpu.memory_space<semaphore_mem>>)
      tpu.wait_dma2 semaphore(%run_scoped3A_129 : memref<!tpu.dma_semaphore, #tpu.memory_space<semaphore_mem>>) src(%arg3 : memref<128x128xf32, #tpu.memory_space<hbm>>) dst(%arg8 : memref<128x128xf32, #tpu.memory_space<vmem>>)
      tpu.yield
    }) : () -> ()
    %add3A_43 = arith.constant 0 : i32
    %add3A_44 = arith.addi %mul3A_2, %add3A_43 : i32
    "tpu.region"() ({
      %run_scoped3A_129 = tpu.sem_alloc : memref<!tpu.dma_semaphore, #tpu.memory_space<semaphore_mem>>
      %dma_start3A = arith.constant 0 : i32
      %dma_start3A_130 = tpu.memref_slice %arg6[%add3A_44, %dma_start3A] : memref<10240x128xf32, #tpu.memory_space<vmem_shared>> -> memref<128x128xf32, #tpu.memory_space<vmem_shared>>
      %dma_start3A_131 = arith.constant 0 : i32
      %dma_start3A_132 = tpu.memref_slice %arg6[%add3A_44, %dma_start3A_131] : memref<10240x128xf32, #tpu.memory_space<vmem_shared>> -> memref<128x128xf32, #tpu.memory_space<vmem_shared>>
      tpu.enqueue_dma source(%arg8 : memref<128x128xf32, #tpu.memory_space<vmem>>) target(%dma_start3A_132 : memref<128x128xf32, #tpu.memory_space<vmem_shared>>) target_semaphore(%run_scoped3A_129 : memref<!tpu.dma_semaphore, #tpu.memory_space<semaphore_mem>>)
      %dma_wait3A = arith.constant 0 : i32
      %dma_wait3A_133 = tpu.memref_slice %arg6[%add3A_44, %dma_wait3A] : memref<10240x128xf32, #tpu.memory_space<vmem_shared>> -> memref<128x128xf32, #tpu.memory_space<vmem_shared>>
      %dma_wait3A_134 = arith.constant 0 : i32
      %dma_wait3A_135 = tpu.memref_slice %arg6[%add3A_44, %dma_wait3A_134] : memref<10240x128xf32, #tpu.memory_space<vmem_shared>> -> memref<128x128xf32, #tpu.memory_space<vmem_shared>>
      tpu.wait_dma2 semaphore(%run_scoped3A_129 : memref<!tpu.dma_semaphore, #tpu.memory_space<semaphore_mem>>) src(%arg8 : memref<128x128xf32, #tpu.memory_space<vmem>>) dst(%dma_wait3A_135 : memref<128x128xf32, #tpu.memory_space<vmem_shared>>)
      tpu.yield
    }) : () -> ()
    %add3A_45 = arith.constant 128 : i32
    %add3A_46 = arith.addi %mul3A_2, %add3A_45 : i32
    "tpu.region"() ({
      %run_scoped3A_129 = tpu.sem_alloc : memref<!tpu.dma_semaphore, #tpu.memory_space<semaphore_mem>>
      %dma_start3A = arith.constant 0 : i32
      %dma_start3A_130 = tpu.memref_slice %arg6[%add3A_46, %dma_start3A] : memref<10240x128xf32, #tpu.memory_space<vmem_shared>> -> memref<128x128xf32, #tpu.memory_space<vmem_shared>>
      %dma_start3A_131 = arith.constant 0 : i32
      %dma_start3A_132 = tpu.memref_slice %arg6[%add3A_46, %dma_start3A_131] : memref<10240x128xf32, #tpu.memory_space<vmem_shared>> -> memref<128x128xf32, #tpu.memory_space<vmem_shared>>
      tpu.enqueue_dma source(%arg8 : memref<128x128xf32, #tpu.memory_space<vmem>>) target(%dma_start3A_132 : memref<128x128xf32, #tpu.memory_space<vmem_shared>>) target_semaphore(%run_scoped3A_129 : memref<!tpu.dma_semaphore, #tpu.memory_space<semaphore_mem>>)
      %dma_wait3A = arith.constant 0 : i32
      %dma_wait3A_133 = tpu.memref_slice %arg6[%add3A_46, %dma_wait3A] : memref<10240x128xf32, #tpu.memory_space<vmem_shared>> -> memref<128x128xf32, #tpu.memory_space<vmem_shared>>
      %dma_wait3A_134 = arith.constant 0 : i32
      %dma_wait3A_135 = tpu.memref_slice %arg6[%add3A_46, %dma_wait3A_134] : memref<10240x128xf32, #tpu.memory_space<vmem_shared>> -> memref<128x128xf32, #tpu.memory_space<vmem_shared>>
      tpu.wait_dma2 semaphore(%run_scoped3A_129 : memref<!tpu.dma_semaphore, #tpu.memory_space<semaphore_mem>>) src(%arg8 : memref<128x128xf32, #tpu.memory_space<vmem>>) dst(%dma_wait3A_135 : memref<128x128xf32, #tpu.memory_space<vmem_shared>>)
      tpu.yield
    }) : () -> ()
    %add3A_47 = arith.constant 256 : i32
    %add3A_48 = arith.addi %mul3A_2, %add3A_47 : i32
    "tpu.region"() ({
      %run_scoped3A_129 = tpu.sem_alloc : memref<!tpu.dma_semaphore, #tpu.memory_space<semaphore_mem>>
      %dma_start3A = arith.constant 0 : i32
      %dma_start3A_130 = tpu.memref_slice %arg6[%add3A_48, %dma_start3A] : memref<10240x128xf32, #tpu.memory_space<vmem_shared>> -> memref<128x128xf32, #tpu.memory_space<vmem_shared>>
      %dma_start3A_131 = arith.constant 0 : i32
      %dma_start3A_132 = tpu.memref_slice %arg6[%add3A_48, %dma_start3A_131] : memref<10240x128xf32, #tpu.memory_space<vmem_shared>> -> memref<128x128xf32, #tpu.memory_space<vmem_shared>>
      tpu.enqueue_dma source(%arg8 : memref<128x128xf32, #tpu.memory_space<vmem>>) target(%dma_start3A_132 : memref<128x128xf32, #tpu.memory_space<vmem_shared>>) target_semaphore(%run_scoped3A_129 : memref<!tpu.dma_semaphore, #tpu.memory_space<semaphore_mem>>)
      %dma_wait3A = arith.constant 0 : i32
      %dma_wait3A_133 = tpu.memref_slice %arg6[%add3A_48, %dma_wait3A] : memref<10240x128xf32, #tpu.memory_space<vmem_shared>> -> memref<128x128xf32, #tpu.memory_space<vmem_shared>>
      %dma_wait3A_134 = arith.constant 0 : i32
      %dma_wait3A_135 = tpu.memref_slice %arg6[%add3A_48, %dma_wait3A_134] : memref<10240x128xf32, #tpu.memory_space<vmem_shared>> -> memref<128x128xf32, #tpu.memory_space<vmem_shared>>
      tpu.wait_dma2 semaphore(%run_scoped3A_129 : memref<!tpu.dma_semaphore, #tpu.memory_space<semaphore_mem>>) src(%arg8 : memref<128x128xf32, #tpu.memory_space<vmem>>) dst(%dma_wait3A_135 : memref<128x128xf32, #tpu.memory_space<vmem_shared>>)
      tpu.yield
    }) : () -> ()
    %add3A_49 = arith.constant 384 : i32
    %add3A_50 = arith.addi %mul3A_2, %add3A_49 : i32
    "tpu.region"() ({
      %run_scoped3A_129 = tpu.sem_alloc : memref<!tpu.dma_semaphore, #tpu.memory_space<semaphore_mem>>
      %dma_start3A = arith.constant 0 : i32
      %dma_start3A_130 = tpu.memref_slice %arg6[%add3A_50, %dma_start3A] : memref<10240x128xf32, #tpu.memory_space<vmem_shared>> -> memref<128x128xf32, #tpu.memory_space<vmem_shared>>
      %dma_start3A_131 = arith.constant 0 : i32
      %dma_start3A_132 = tpu.memref_slice %arg6[%add3A_50, %dma_start3A_131] : memref<10240x128xf32, #tpu.memory_space<vmem_shared>> -> memref<128x128xf32, #tpu.memory_space<vmem_shared>>
      tpu.enqueue_dma source(%arg8 : memref<128x128xf32, #tpu.memory_space<vmem>>) target(%dma_start3A_132 : memref<128x128xf32, #tpu.memory_space<vmem_shared>>) target_semaphore(%run_scoped3A_129 : memref<!tpu.dma_semaphore, #tpu.memory_space<semaphore_mem>>)
      %dma_wait3A = arith.constant 0 : i32
      %dma_wait3A_133 = tpu.memref_slice %arg6[%add3A_50, %dma_wait3A] : memref<10240x128xf32, #tpu.memory_space<vmem_shared>> -> memref<128x128xf32, #tpu.memory_space<vmem_shared>>
      %dma_wait3A_134 = arith.constant 0 : i32
      %dma_wait3A_135 = tpu.memref_slice %arg6[%add3A_50, %dma_wait3A_134] : memref<10240x128xf32, #tpu.memory_space<vmem_shared>> -> memref<128x128xf32, #tpu.memory_space<vmem_shared>>
      tpu.wait_dma2 semaphore(%run_scoped3A_129 : memref<!tpu.dma_semaphore, #tpu.memory_space<semaphore_mem>>) src(%arg8 : memref<128x128xf32, #tpu.memory_space<vmem>>) dst(%dma_wait3A_135 : memref<128x128xf32, #tpu.memory_space<vmem_shared>>)
      tpu.yield
    }) : () -> ()
    %add3A_51 = arith.constant 512 : i32
    %add3A_52 = arith.addi %mul3A_2, %add3A_51 : i32
    "tpu.region"() ({
      %run_scoped3A_129 = tpu.sem_alloc : memref<!tpu.dma_semaphore, #tpu.memory_space<semaphore_mem>>
      %dma_start3A = arith.constant 0 : i32
      %dma_start3A_130 = tpu.memref_slice %arg6[%add3A_52, %dma_start3A] : memref<10240x128xf32, #tpu.memory_space<vmem_shared>> -> memref<128x128xf32, #tpu.memory_space<vmem_shared>>
      %dma_start3A_131 = arith.constant 0 : i32
      %dma_start3A_132 = tpu.memref_slice %arg6[%add3A_52, %dma_start3A_131] : memref<10240x128xf32, #tpu.memory_space<vmem_shared>> -> memref<128x128xf32, #tpu.memory_space<vmem_shared>>
      tpu.enqueue_dma source(%arg8 : memref<128x128xf32, #tpu.memory_space<vmem>>) target(%dma_start3A_132 : memref<128x128xf32, #tpu.memory_space<vmem_shared>>) target_semaphore(%run_scoped3A_129 : memref<!tpu.dma_semaphore, #tpu.memory_space<semaphore_mem>>)
      %dma_wait3A = arith.constant 0 : i32
      %dma_wait3A_133 = tpu.memref_slice %arg6[%add3A_52, %dma_wait3A] : memref<10240x128xf32, #tpu.memory_space<vmem_shared>> -> memref<128x128xf32, #tpu.memory_space<vmem_shared>>
      %dma_wait3A_134 = arith.constant 0 : i32
      %dma_wait3A_135 = tpu.memref_slice %arg6[%add3A_52, %dma_wait3A_134] : memref<10240x128xf32, #tpu.memory_space<vmem_shared>> -> memref<128x128xf32, #tpu.memory_space<vmem_shared>>
      tpu.wait_dma2 semaphore(%run_scoped3A_129 : memref<!tpu.dma_semaphore, #tpu.memory_space<semaphore_mem>>) src(%arg8 : memref<128x128xf32, #tpu.memory_space<vmem>>) dst(%dma_wait3A_135 : memref<128x128xf32, #tpu.memory_space<vmem_shared>>)
      tpu.yield
    }) : () -> ()
    "tpu.region"() ({
      %run_scoped3A_129 = tpu.sem_alloc : memref<!tpu.dma_semaphore, #tpu.memory_space<semaphore_mem>>
      tpu.enqueue_dma source(%arg4 : memref<128x128xf32, #tpu.memory_space<hbm>>) target(%arg8 : memref<128x128xf32, #tpu.memory_space<vmem>>) target_semaphore(%run_scoped3A_129 : memref<!tpu.dma_semaphore, #tpu.memory_space<semaphore_mem>>)
      tpu.wait_dma2 semaphore(%run_scoped3A_129 : memref<!tpu.dma_semaphore, #tpu.memory_space<semaphore_mem>>) src(%arg4 : memref<128x128xf32, #tpu.memory_space<hbm>>) dst(%arg8 : memref<128x128xf32, #tpu.memory_space<vmem>>)
      tpu.yield
    }) : () -> ()
    %barrier3A_53 = arith.constant 0 : index
    tpu.barrier barrier_id(%barrier3A_53)
    %scan3A_54 = arith.constant 0 : i32
    %scan3A_55 = arith.constant 79 : i32
    %scan3A_56 = arith.addi %scan3A_54, %scan3A_55 : i32
    %scan3A_57 = arith.constant 1 : i32
    scf.for %scan3A_129 = %scan3A_54 to %scan3A_56 step %scan3A_57  : i32 {
      %mul3A_130 = arith.constant 1 : i32
      %mul3A_131 = arith.muli %scan3A_129, %mul3A_130 : i32
      %add3A_132 = arith.constant 0 : i32
      %add3A_133 = arith.addi %add3A_132, %mul3A_131 : i32
      %mul3A_134 = arith.constant 79 : i32
      %mul3A_135 = arith.muli %add3A, %mul3A_134 : i32
      %add3A_136 = arith.addi %mul3A_135, %add3A_133 : i32
      %mul3A_137 = arith.constant 128 : i32
      %mul3A_138 = arith.muli %add3A_136, %mul3A_137 : i32
      %add3A_139 = arith.constant 323584 : i32
      %add3A_140 = arith.addi %add3A_139, %mul3A_138 : i32
      "tpu.region"() ({
        %run_scoped3A_141 = tpu.sem_alloc : memref<!tpu.dma_semaphore, #tpu.memory_space<semaphore_mem>>
        %dma_start3A = tpu.memref_slice %arg2[%add3A_140] : memref<970752xi32, #tpu.memory_space<hbm>> -> memref<128xi32, #tpu.memory_space<hbm>>
        %dma_start3A_142 = tpu.memref_slice %arg2[%add3A_140] : memref<970752xi32, #tpu.memory_space<hbm>> -> memref<128xi32, #tpu.memory_space<hbm>>
        tpu.enqueue_dma source(%dma_start3A_142 : memref<128xi32, #tpu.memory_space<hbm>>) target(%arg7 : memref<128xi32, #tpu.memory_space<vmem>>) target_semaphore(%run_scoped3A_141 : memref<!tpu.dma_semaphore, #tpu.memory_space<semaphore_mem>>)
        %dma_wait3A = tpu.memref_slice %arg2[%add3A_140] : memref<970752xi32, #tpu.memory_space<hbm>> -> memref<128xi32, #tpu.memory_space<hbm>>
        %dma_wait3A_143 = tpu.memref_slice %arg2[%add3A_140] : memref<970752xi32, #tpu.memory_space<hbm>> -> memref<128xi32, #tpu.memory_space<hbm>>
        tpu.wait_dma2 semaphore(%run_scoped3A_141 : memref<!tpu.dma_semaphore, #tpu.memory_space<semaphore_mem>>) src(%dma_wait3A_143 : memref<128xi32, #tpu.memory_space<hbm>>) dst(%arg7 : memref<128xi32, #tpu.memory_space<vmem>>)
        tpu.yield
      }) : () -> ()
      "tpu.region"() ({
        %run_scoped3A_141 = tpu.sem_alloc : memref<!tpu.dma_semaphore, #tpu.memory_space<semaphore_mem>>
        %dma_start3A = arith.constant 0 : i32
        %dma_start3A_142 = arith.constant 0 : i32
        %dma_start3A_143 = tpu.memref_slice %arg6[%dma_start3A, %dma_start3A_142] : memref<10240x128xf32, #tpu.memory_space<vmem_shared>> -> memref<10240x128xf32, #tpu.memory_space<vmem_shared>>
        tpu.enqueue_indirect_dma source(%arg8 : memref<128x128xf32, #tpu.memory_space<vmem>>) target(%dma_start3A_143 : memref<10240x128xf32, #tpu.memory_space<vmem_shared>>) offsets(%arg7 : memref<128xi32, #tpu.memory_space<vmem>>) semaphore(%run_scoped3A_141 : memref<!tpu.dma_semaphore, #tpu.memory_space<semaphore_mem>>) {add = true}
        %dma_wait3A = arith.constant 0 : i32
        %dma_wait3A_144 = arith.constant 0 : i32
        %dma_wait3A_145 = tpu.memref_slice %arg6[%dma_wait3A, %dma_wait3A_144] : memref<10240x128xf32, #tpu.memory_space<vmem_shared>> -> memref<10240x128xf32, #tpu.memory_space<vmem_shared>>
        tpu.wait_indirect_dma semaphore(%run_scoped3A_141 : memref<!tpu.dma_semaphore, #tpu.memory_space<semaphore_mem>>) src(%arg8 : memref<128x128xf32, #tpu.memory_space<vmem>>) dst(%dma_wait3A_145 : memref<10240x128xf32, #tpu.memory_space<vmem_shared>>)
        tpu.yield
      }) : () -> ()
    }
    %scan3A_58 = arith.constant 79 : i32
    %barrier3A_59 = arith.constant 0 : index
    tpu.barrier barrier_id(%barrier3A_59)
    %add3A_60 = arith.constant 0 : i32
    %add3A_61 = arith.addi %mul3A_2, %add3A_60 : i32
    "tpu.region"() ({
      %run_scoped3A_129 = tpu.sem_alloc : memref<!tpu.dma_semaphore, #tpu.memory_space<semaphore_mem>>
      %dma_start3A = arith.constant 0 : i32
      %dma_start3A_130 = tpu.memref_slice %arg6[%add3A_61, %dma_start3A] : memref<10240x128xf32, #tpu.memory_space<vmem_shared>> -> memref<128x128xf32, #tpu.memory_space<vmem_shared>>
      %dma_start3A_131 = arith.constant 0 : i32
      %dma_start3A_132 = tpu.memref_slice %arg6[%add3A_61, %dma_start3A_131] : memref<10240x128xf32, #tpu.memory_space<vmem_shared>> -> memref<128x128xf32, #tpu.memory_space<vmem_shared>>
      tpu.enqueue_dma source(%dma_start3A_132 : memref<128x128xf32, #tpu.memory_space<vmem_shared>>) target(%arg8 : memref<128x128xf32, #tpu.memory_space<vmem>>) target_semaphore(%run_scoped3A_129 : memref<!tpu.dma_semaphore, #tpu.memory_space<semaphore_mem>>)
      %dma_wait3A = arith.constant 0 : i32
      %dma_wait3A_133 = tpu.memref_slice %arg6[%add3A_61, %dma_wait3A] : memref<10240x128xf32, #tpu.memory_space<vmem_shared>> -> memref<128x128xf32, #tpu.memory_space<vmem_shared>>
      %dma_wait3A_134 = arith.constant 0 : i32
      %dma_wait3A_135 = tpu.memref_slice %arg6[%add3A_61, %dma_wait3A_134] : memref<10240x128xf32, #tpu.memory_space<vmem_shared>> -> memref<128x128xf32, #tpu.memory_space<vmem_shared>>
      tpu.wait_dma2 semaphore(%run_scoped3A_129 : memref<!tpu.dma_semaphore, #tpu.memory_space<semaphore_mem>>) src(%dma_wait3A_135 : memref<128x128xf32, #tpu.memory_space<vmem_shared>>) dst(%arg8 : memref<128x128xf32, #tpu.memory_space<vmem>>)
      tpu.yield
    }) : () -> ()
    %add3A_62 = arith.constant 0 : i32
    %add3A_63 = arith.addi %mul3A_2, %add3A_62 : i32
    %run_scoped3A_64 = arith.constant 1 : i32
    "tpu.region"() ({
      %run_scoped3A_129 = tpu.sem_alloc : memref<!tpu.dma_semaphore, #tpu.memory_space<semaphore_mem>>
      %dma_start3A = arith.constant 0 : i32
      %dma_start3A_130 = tpu.memref_slice %arg5[%run_scoped3A_64, %arg0, %add3A_63, %dma_start3A] : memref<3x2x10240x128xf32, #tpu.memory_space<hbm>> -> memref<1x1x128x128xf32, #tpu.memory_space<hbm>>
      %dma_start3A_131 = tpu.memref_squeeze %dma_start3A_130 : memref<1x1x128x128xf32, #tpu.memory_space<hbm>> -> memref<128x128xf32, #tpu.memory_space<hbm>>
      %dma_start3A_132 = arith.constant 0 : i32
      %dma_start3A_133 = tpu.memref_slice %arg5[%run_scoped3A_64, %arg0, %add3A_63, %dma_start3A_132] : memref<3x2x10240x128xf32, #tpu.memory_space<hbm>> -> memref<1x1x128x128xf32, #tpu.memory_space<hbm>>
      %dma_start3A_134 = tpu.memref_squeeze %dma_start3A_133 : memref<1x1x128x128xf32, #tpu.memory_space<hbm>> -> memref<128x128xf32, #tpu.memory_space<hbm>>
      tpu.enqueue_dma source(%arg8 : memref<128x128xf32, #tpu.memory_space<vmem>>) target(%dma_start3A_134 : memref<128x128xf32, #tpu.memory_space<hbm>>) target_semaphore(%run_scoped3A_129 : memref<!tpu.dma_semaphore, #tpu.memory_space<semaphore_mem>>)
      %dma_wait3A = arith.constant 0 : i32
      %dma_wait3A_135 = tpu.memref_slice %arg5[%run_scoped3A_64, %arg0, %add3A_63, %dma_wait3A] : memref<3x2x10240x128xf32, #tpu.memory_space<hbm>> -> memref<1x1x128x128xf32, #tpu.memory_space<hbm>>
      %dma_wait3A_136 = tpu.memref_squeeze %dma_wait3A_135 : memref<1x1x128x128xf32, #tpu.memory_space<hbm>> -> memref<128x128xf32, #tpu.memory_space<hbm>>
      %dma_wait3A_137 = arith.constant 0 : i32
      %dma_wait3A_138 = tpu.memref_slice %arg5[%run_scoped3A_64, %arg0, %add3A_63, %dma_wait3A_137] : memref<3x2x10240x128xf32, #tpu.memory_space<hbm>> -> memref<1x1x128x128xf32, #tpu.memory_space<hbm>>
      %dma_wait3A_139 = tpu.memref_squeeze %dma_wait3A_138 : memref<1x1x128x128xf32, #tpu.memory_space<hbm>> -> memref<128x128xf32, #tpu.memory_space<hbm>>
      tpu.wait_dma2 semaphore(%run_scoped3A_129 : memref<!tpu.dma_semaphore, #tpu.memory_space<semaphore_mem>>) src(%arg8 : memref<128x128xf32, #tpu.memory_space<vmem>>) dst(%dma_wait3A_139 : memref<128x128xf32, #tpu.memory_space<hbm>>)
      tpu.yield
    }) : () -> ()
    %add3A_65 = arith.constant 128 : i32
    %add3A_66 = arith.addi %mul3A_2, %add3A_65 : i32
    "tpu.region"() ({
      %run_scoped3A_129 = tpu.sem_alloc : memref<!tpu.dma_semaphore, #tpu.memory_space<semaphore_mem>>
      %dma_start3A = arith.constant 0 : i32
      %dma_start3A_130 = tpu.memref_slice %arg6[%add3A_66, %dma_start3A] : memref<10240x128xf32, #tpu.memory_space<vmem_shared>> -> memref<128x128xf32, #tpu.memory_space<vmem_shared>>
      %dma_start3A_131 = arith.constant 0 : i32
      %dma_start3A_132 = tpu.memref_slice %arg6[%add3A_66, %dma_start3A_131] : memref<10240x128xf32, #tpu.memory_space<vmem_shared>> -> memref<128x128xf32, #tpu.memory_space<vmem_shared>>
      tpu.enqueue_dma source(%dma_start3A_132 : memref<128x128xf32, #tpu.memory_space<vmem_shared>>) target(%arg8 : memref<128x128xf32, #tpu.memory_space<vmem>>) target_semaphore(%run_scoped3A_129 : memref<!tpu.dma_semaphore, #tpu.memory_space<semaphore_mem>>)
      %dma_wait3A = arith.constant 0 : i32
      %dma_wait3A_133 = tpu.memref_slice %arg6[%add3A_66, %dma_wait3A] : memref<10240x128xf32, #tpu.memory_space<vmem_shared>> -> memref<128x128xf32, #tpu.memory_space<vmem_shared>>
      %dma_wait3A_134 = arith.constant 0 : i32
      %dma_wait3A_135 = tpu.memref_slice %arg6[%add3A_66, %dma_wait3A_134] : memref<10240x128xf32, #tpu.memory_space<vmem_shared>> -> memref<128x128xf32, #tpu.memory_space<vmem_shared>>
      tpu.wait_dma2 semaphore(%run_scoped3A_129 : memref<!tpu.dma_semaphore, #tpu.memory_space<semaphore_mem>>) src(%dma_wait3A_135 : memref<128x128xf32, #tpu.memory_space<vmem_shared>>) dst(%arg8 : memref<128x128xf32, #tpu.memory_space<vmem>>)
      tpu.yield
    }) : () -> ()
    %add3A_67 = arith.constant 128 : i32
    %add3A_68 = arith.addi %mul3A_2, %add3A_67 : i32
    %run_scoped3A_69 = arith.constant 1 : i32
    "tpu.region"() ({
      %run_scoped3A_129 = tpu.sem_alloc : memref<!tpu.dma_semaphore, #tpu.memory_space<semaphore_mem>>
      %dma_start3A = arith.constant 0 : i32
      %dma_start3A_130 = tpu.memref_slice %arg5[%run_scoped3A_69, %arg0, %add3A_68, %dma_start3A] : memref<3x2x10240x128xf32, #tpu.memory_space<hbm>> -> memref<1x1x128x128xf32, #tpu.memory_space<hbm>>
      %dma_start3A_131 = tpu.memref_squeeze %dma_start3A_130 : memref<1x1x128x128xf32, #tpu.memory_space<hbm>> -> memref<128x128xf32, #tpu.memory_space<hbm>>
      %dma_start3A_132 = arith.constant 0 : i32
      %dma_start3A_133 = tpu.memref_slice %arg5[%run_scoped3A_69, %arg0, %add3A_68, %dma_start3A_132] : memref<3x2x10240x128xf32, #tpu.memory_space<hbm>> -> memref<1x1x128x128xf32, #tpu.memory_space<hbm>>
      %dma_start3A_134 = tpu.memref_squeeze %dma_start3A_133 : memref<1x1x128x128xf32, #tpu.memory_space<hbm>> -> memref<128x128xf32, #tpu.memory_space<hbm>>
      tpu.enqueue_dma source(%arg8 : memref<128x128xf32, #tpu.memory_space<vmem>>) target(%dma_start3A_134 : memref<128x128xf32, #tpu.memory_space<hbm>>) target_semaphore(%run_scoped3A_129 : memref<!tpu.dma_semaphore, #tpu.memory_space<semaphore_mem>>)
      %dma_wait3A = arith.constant 0 : i32
      %dma_wait3A_135 = tpu.memref_slice %arg5[%run_scoped3A_69, %arg0, %add3A_68, %dma_wait3A] : memref<3x2x10240x128xf32, #tpu.memory_space<hbm>> -> memref<1x1x128x128xf32, #tpu.memory_space<hbm>>
      %dma_wait3A_136 = tpu.memref_squeeze %dma_wait3A_135 : memref<1x1x128x128xf32, #tpu.memory_space<hbm>> -> memref<128x128xf32, #tpu.memory_space<hbm>>
      %dma_wait3A_137 = arith.constant 0 : i32
      %dma_wait3A_138 = tpu.memref_slice %arg5[%run_scoped3A_69, %arg0, %add3A_68, %dma_wait3A_137] : memref<3x2x10240x128xf32, #tpu.memory_space<hbm>> -> memref<1x1x128x128xf32, #tpu.memory_space<hbm>>
      %dma_wait3A_139 = tpu.memref_squeeze %dma_wait3A_138 : memref<1x1x128x128xf32, #tpu.memory_space<hbm>> -> memref<128x128xf32, #tpu.memory_space<hbm>>
      tpu.wait_dma2 semaphore(%run_scoped3A_129 : memref<!tpu.dma_semaphore, #tpu.memory_space<semaphore_mem>>) src(%arg8 : memref<128x128xf32, #tpu.memory_space<vmem>>) dst(%dma_wait3A_139 : memref<128x128xf32, #tpu.memory_space<hbm>>)
      tpu.yield
    }) : () -> ()
    %add3A_70 = arith.constant 256 : i32
    %add3A_71 = arith.addi %mul3A_2, %add3A_70 : i32
    "tpu.region"() ({
      %run_scoped3A_129 = tpu.sem_alloc : memref<!tpu.dma_semaphore, #tpu.memory_space<semaphore_mem>>
      %dma_start3A = arith.constant 0 : i32
      %dma_start3A_130 = tpu.memref_slice %arg6[%add3A_71, %dma_start3A] : memref<10240x128xf32, #tpu.memory_space<vmem_shared>> -> memref<128x128xf32, #tpu.memory_space<vmem_shared>>
      %dma_start3A_131 = arith.constant 0 : i32
      %dma_start3A_132 = tpu.memref_slice %arg6[%add3A_71, %dma_start3A_131] : memref<10240x128xf32, #tpu.memory_space<vmem_shared>> -> memref<128x128xf32, #tpu.memory_space<vmem_shared>>
      tpu.enqueue_dma source(%dma_start3A_132 : memref<128x128xf32, #tpu.memory_space<vmem_shared>>) target(%arg8 : memref<128x128xf32, #tpu.memory_space<vmem>>) target_semaphore(%run_scoped3A_129 : memref<!tpu.dma_semaphore, #tpu.memory_space<semaphore_mem>>)
      %dma_wait3A = arith.constant 0 : i32
      %dma_wait3A_133 = tpu.memref_slice %arg6[%add3A_71, %dma_wait3A] : memref<10240x128xf32, #tpu.memory_space<vmem_shared>> -> memref<128x128xf32, #tpu.memory_space<vmem_shared>>
      %dma_wait3A_134 = arith.constant 0 : i32
      %dma_wait3A_135 = tpu.memref_slice %arg6[%add3A_71, %dma_wait3A_134] : memref<10240x128xf32, #tpu.memory_space<vmem_shared>> -> memref<128x128xf32, #tpu.memory_space<vmem_shared>>
      tpu.wait_dma2 semaphore(%run_scoped3A_129 : memref<!tpu.dma_semaphore, #tpu.memory_space<semaphore_mem>>) src(%dma_wait3A_135 : memref<128x128xf32, #tpu.memory_space<vmem_shared>>) dst(%arg8 : memref<128x128xf32, #tpu.memory_space<vmem>>)
      tpu.yield
    }) : () -> ()
    %add3A_72 = arith.constant 256 : i32
    %add3A_73 = arith.addi %mul3A_2, %add3A_72 : i32
    %run_scoped3A_74 = arith.constant 1 : i32
    "tpu.region"() ({
      %run_scoped3A_129 = tpu.sem_alloc : memref<!tpu.dma_semaphore, #tpu.memory_space<semaphore_mem>>
      %dma_start3A = arith.constant 0 : i32
      %dma_start3A_130 = tpu.memref_slice %arg5[%run_scoped3A_74, %arg0, %add3A_73, %dma_start3A] : memref<3x2x10240x128xf32, #tpu.memory_space<hbm>> -> memref<1x1x128x128xf32, #tpu.memory_space<hbm>>
      %dma_start3A_131 = tpu.memref_squeeze %dma_start3A_130 : memref<1x1x128x128xf32, #tpu.memory_space<hbm>> -> memref<128x128xf32, #tpu.memory_space<hbm>>
      %dma_start3A_132 = arith.constant 0 : i32
      %dma_start3A_133 = tpu.memref_slice %arg5[%run_scoped3A_74, %arg0, %add3A_73, %dma_start3A_132] : memref<3x2x10240x128xf32, #tpu.memory_space<hbm>> -> memref<1x1x128x128xf32, #tpu.memory_space<hbm>>
      %dma_start3A_134 = tpu.memref_squeeze %dma_start3A_133 : memref<1x1x128x128xf32, #tpu.memory_space<hbm>> -> memref<128x128xf32, #tpu.memory_space<hbm>>
      tpu.enqueue_dma source(%arg8 : memref<128x128xf32, #tpu.memory_space<vmem>>) target(%dma_start3A_134 : memref<128x128xf32, #tpu.memory_space<hbm>>) target_semaphore(%run_scoped3A_129 : memref<!tpu.dma_semaphore, #tpu.memory_space<semaphore_mem>>)
      %dma_wait3A = arith.constant 0 : i32
      %dma_wait3A_135 = tpu.memref_slice %arg5[%run_scoped3A_74, %arg0, %add3A_73, %dma_wait3A] : memref<3x2x10240x128xf32, #tpu.memory_space<hbm>> -> memref<1x1x128x128xf32, #tpu.memory_space<hbm>>
      %dma_wait3A_136 = tpu.memref_squeeze %dma_wait3A_135 : memref<1x1x128x128xf32, #tpu.memory_space<hbm>> -> memref<128x128xf32, #tpu.memory_space<hbm>>
      %dma_wait3A_137 = arith.constant 0 : i32
      %dma_wait3A_138 = tpu.memref_slice %arg5[%run_scoped3A_74, %arg0, %add3A_73, %dma_wait3A_137] : memref<3x2x10240x128xf32, #tpu.memory_space<hbm>> -> memref<1x1x128x128xf32, #tpu.memory_space<hbm>>
      %dma_wait3A_139 = tpu.memref_squeeze %dma_wait3A_138 : memref<1x1x128x128xf32, #tpu.memory_space<hbm>> -> memref<128x128xf32, #tpu.memory_space<hbm>>
      tpu.wait_dma2 semaphore(%run_scoped3A_129 : memref<!tpu.dma_semaphore, #tpu.memory_space<semaphore_mem>>) src(%arg8 : memref<128x128xf32, #tpu.memory_space<vmem>>) dst(%dma_wait3A_139 : memref<128x128xf32, #tpu.memory_space<hbm>>)
      tpu.yield
    }) : () -> ()
    %add3A_75 = arith.constant 384 : i32
    %add3A_76 = arith.addi %mul3A_2, %add3A_75 : i32
    "tpu.region"() ({
      %run_scoped3A_129 = tpu.sem_alloc : memref<!tpu.dma_semaphore, #tpu.memory_space<semaphore_mem>>
      %dma_start3A = arith.constant 0 : i32
      %dma_start3A_130 = tpu.memref_slice %arg6[%add3A_76, %dma_start3A] : memref<10240x128xf32, #tpu.memory_space<vmem_shared>> -> memref<128x128xf32, #tpu.memory_space<vmem_shared>>
      %dma_start3A_131 = arith.constant 0 : i32
      %dma_start3A_132 = tpu.memref_slice %arg6[%add3A_76, %dma_start3A_131] : memref<10240x128xf32, #tpu.memory_space<vmem_shared>> -> memref<128x128xf32, #tpu.memory_space<vmem_shared>>
      tpu.enqueue_dma source(%dma_start3A_132 : memref<128x128xf32, #tpu.memory_space<vmem_shared>>) target(%arg8 : memref<128x128xf32, #tpu.memory_space<vmem>>) target_semaphore(%run_scoped3A_129 : memref<!tpu.dma_semaphore, #tpu.memory_space<semaphore_mem>>)
      %dma_wait3A = arith.constant 0 : i32
      %dma_wait3A_133 = tpu.memref_slice %arg6[%add3A_76, %dma_wait3A] : memref<10240x128xf32, #tpu.memory_space<vmem_shared>> -> memref<128x128xf32, #tpu.memory_space<vmem_shared>>
      %dma_wait3A_134 = arith.constant 0 : i32
      %dma_wait3A_135 = tpu.memref_slice %arg6[%add3A_76, %dma_wait3A_134] : memref<10240x128xf32, #tpu.memory_space<vmem_shared>> -> memref<128x128xf32, #tpu.memory_space<vmem_shared>>
      tpu.wait_dma2 semaphore(%run_scoped3A_129 : memref<!tpu.dma_semaphore, #tpu.memory_space<semaphore_mem>>) src(%dma_wait3A_135 : memref<128x128xf32, #tpu.memory_space<vmem_shared>>) dst(%arg8 : memref<128x128xf32, #tpu.memory_space<vmem>>)
      tpu.yield
    }) : () -> ()
    %add3A_77 = arith.constant 384 : i32
    %add3A_78 = arith.addi %mul3A_2, %add3A_77 : i32
    %run_scoped3A_79 = arith.constant 1 : i32
    "tpu.region"() ({
      %run_scoped3A_129 = tpu.sem_alloc : memref<!tpu.dma_semaphore, #tpu.memory_space<semaphore_mem>>
      %dma_start3A = arith.constant 0 : i32
      %dma_start3A_130 = tpu.memref_slice %arg5[%run_scoped3A_79, %arg0, %add3A_78, %dma_start3A] : memref<3x2x10240x128xf32, #tpu.memory_space<hbm>> -> memref<1x1x128x128xf32, #tpu.memory_space<hbm>>
      %dma_start3A_131 = tpu.memref_squeeze %dma_start3A_130 : memref<1x1x128x128xf32, #tpu.memory_space<hbm>> -> memref<128x128xf32, #tpu.memory_space<hbm>>
      %dma_start3A_132 = arith.constant 0 : i32
      %dma_start3A_133 = tpu.memref_slice %arg5[%run_scoped3A_79, %arg0, %add3A_78, %dma_start3A_132] : memref<3x2x10240x128xf32, #tpu.memory_space<hbm>> -> memref<1x1x128x128xf32, #tpu.memory_space<hbm>>
      %dma_start3A_134 = tpu.memref_squeeze %dma_start3A_133 : memref<1x1x128x128xf32, #tpu.memory_space<hbm>> -> memref<128x128xf32, #tpu.memory_space<hbm>>
      tpu.enqueue_dma source(%arg8 : memref<128x128xf32, #tpu.memory_space<vmem>>) target(%dma_start3A_134 : memref<128x128xf32, #tpu.memory_space<hbm>>) target_semaphore(%run_scoped3A_129 : memref<!tpu.dma_semaphore, #tpu.memory_space<semaphore_mem>>)
      %dma_wait3A = arith.constant 0 : i32
      %dma_wait3A_135 = tpu.memref_slice %arg5[%run_scoped3A_79, %arg0, %add3A_78, %dma_wait3A] : memref<3x2x10240x128xf32, #tpu.memory_space<hbm>> -> memref<1x1x128x128xf32, #tpu.memory_space<hbm>>
      %dma_wait3A_136 = tpu.memref_squeeze %dma_wait3A_135 : memref<1x1x128x128xf32, #tpu.memory_space<hbm>> -> memref<128x128xf32, #tpu.memory_space<hbm>>
      %dma_wait3A_137 = arith.constant 0 : i32
      %dma_wait3A_138 = tpu.memref_slice %arg5[%run_scoped3A_79, %arg0, %add3A_78, %dma_wait3A_137] : memref<3x2x10240x128xf32, #tpu.memory_space<hbm>> -> memref<1x1x128x128xf32, #tpu.memory_space<hbm>>
      %dma_wait3A_139 = tpu.memref_squeeze %dma_wait3A_138 : memref<1x1x128x128xf32, #tpu.memory_space<hbm>> -> memref<128x128xf32, #tpu.memory_space<hbm>>
      tpu.wait_dma2 semaphore(%run_scoped3A_129 : memref<!tpu.dma_semaphore, #tpu.memory_space<semaphore_mem>>) src(%arg8 : memref<128x128xf32, #tpu.memory_space<vmem>>) dst(%dma_wait3A_139 : memref<128x128xf32, #tpu.memory_space<hbm>>)
      tpu.yield
    }) : () -> ()
    %add3A_80 = arith.constant 512 : i32
    %add3A_81 = arith.addi %mul3A_2, %add3A_80 : i32
    "tpu.region"() ({
      %run_scoped3A_129 = tpu.sem_alloc : memref<!tpu.dma_semaphore, #tpu.memory_space<semaphore_mem>>
      %dma_start3A = arith.constant 0 : i32
      %dma_start3A_130 = tpu.memref_slice %arg6[%add3A_81, %dma_start3A] : memref<10240x128xf32, #tpu.memory_space<vmem_shared>> -> memref<128x128xf32, #tpu.memory_space<vmem_shared>>
      %dma_start3A_131 = arith.constant 0 : i32
      %dma_start3A_132 = tpu.memref_slice %arg6[%add3A_81, %dma_start3A_131] : memref<10240x128xf32, #tpu.memory_space<vmem_shared>> -> memref<128x128xf32, #tpu.memory_space<vmem_shared>>
      tpu.enqueue_dma source(%dma_start3A_132 : memref<128x128xf32, #tpu.memory_space<vmem_shared>>) target(%arg8 : memref<128x128xf32, #tpu.memory_space<vmem>>) target_semaphore(%run_scoped3A_129 : memref<!tpu.dma_semaphore, #tpu.memory_space<semaphore_mem>>)
      %dma_wait3A = arith.constant 0 : i32
      %dma_wait3A_133 = tpu.memref_slice %arg6[%add3A_81, %dma_wait3A] : memref<10240x128xf32, #tpu.memory_space<vmem_shared>> -> memref<128x128xf32, #tpu.memory_space<vmem_shared>>
      %dma_wait3A_134 = arith.constant 0 : i32
      %dma_wait3A_135 = tpu.memref_slice %arg6[%add3A_81, %dma_wait3A_134] : memref<10240x128xf32, #tpu.memory_space<vmem_shared>> -> memref<128x128xf32, #tpu.memory_space<vmem_shared>>
      tpu.wait_dma2 semaphore(%run_scoped3A_129 : memref<!tpu.dma_semaphore, #tpu.memory_space<semaphore_mem>>) src(%dma_wait3A_135 : memref<128x128xf32, #tpu.memory_space<vmem_shared>>) dst(%arg8 : memref<128x128xf32, #tpu.memory_space<vmem>>)
      tpu.yield
    }) : () -> ()
    %add3A_82 = arith.constant 512 : i32
    %add3A_83 = arith.addi %mul3A_2, %add3A_82 : i32
    %run_scoped3A_84 = arith.constant 1 : i32
    "tpu.region"() ({
      %run_scoped3A_129 = tpu.sem_alloc : memref<!tpu.dma_semaphore, #tpu.memory_space<semaphore_mem>>
      %dma_start3A = arith.constant 0 : i32
      %dma_start3A_130 = tpu.memref_slice %arg5[%run_scoped3A_84, %arg0, %add3A_83, %dma_start3A] : memref<3x2x10240x128xf32, #tpu.memory_space<hbm>> -> memref<1x1x128x128xf32, #tpu.memory_space<hbm>>
      %dma_start3A_131 = tpu.memref_squeeze %dma_start3A_130 : memref<1x1x128x128xf32, #tpu.memory_space<hbm>> -> memref<128x128xf32, #tpu.memory_space<hbm>>
      %dma_start3A_132 = arith.constant 0 : i32
      %dma_start3A_133 = tpu.memref_slice %arg5[%run_scoped3A_84, %arg0, %add3A_83, %dma_start3A_132] : memref<3x2x10240x128xf32, #tpu.memory_space<hbm>> -> memref<1x1x128x128xf32, #tpu.memory_space<hbm>>
      %dma_start3A_134 = tpu.memref_squeeze %dma_start3A_133 : memref<1x1x128x128xf32, #tpu.memory_space<hbm>> -> memref<128x128xf32, #tpu.memory_space<hbm>>
      tpu.enqueue_dma source(%arg8 : memref<128x128xf32, #tpu.memory_space<vmem>>) target(%dma_start3A_134 : memref<128x128xf32, #tpu.memory_space<hbm>>) target_semaphore(%run_scoped3A_129 : memref<!tpu.dma_semaphore, #tpu.memory_space<semaphore_mem>>)
      %dma_wait3A = arith.constant 0 : i32
      %dma_wait3A_135 = tpu.memref_slice %arg5[%run_scoped3A_84, %arg0, %add3A_83, %dma_wait3A] : memref<3x2x10240x128xf32, #tpu.memory_space<hbm>> -> memref<1x1x128x128xf32, #tpu.memory_space<hbm>>
      %dma_wait3A_136 = tpu.memref_squeeze %dma_wait3A_135 : memref<1x1x128x128xf32, #tpu.memory_space<hbm>> -> memref<128x128xf32, #tpu.memory_space<hbm>>
      %dma_wait3A_137 = arith.constant 0 : i32
      %dma_wait3A_138 = tpu.memref_slice %arg5[%run_scoped3A_84, %arg0, %add3A_83, %dma_wait3A_137] : memref<3x2x10240x128xf32, #tpu.memory_space<hbm>> -> memref<1x1x128x128xf32, #tpu.memory_space<hbm>>
      %dma_wait3A_139 = tpu.memref_squeeze %dma_wait3A_138 : memref<1x1x128x128xf32, #tpu.memory_space<hbm>> -> memref<128x128xf32, #tpu.memory_space<hbm>>
      tpu.wait_dma2 semaphore(%run_scoped3A_129 : memref<!tpu.dma_semaphore, #tpu.memory_space<semaphore_mem>>) src(%arg8 : memref<128x128xf32, #tpu.memory_space<vmem>>) dst(%dma_wait3A_139 : memref<128x128xf32, #tpu.memory_space<hbm>>)
      tpu.yield
    }) : () -> ()
    %barrier3A_85 = arith.constant 0 : index
    tpu.barrier barrier_id(%barrier3A_85)
    "tpu.region"() ({
      %run_scoped3A_129 = tpu.sem_alloc : memref<!tpu.dma_semaphore, #tpu.memory_space<semaphore_mem>>
      tpu.enqueue_dma source(%arg3 : memref<128x128xf32, #tpu.memory_space<hbm>>) target(%arg8 : memref<128x128xf32, #tpu.memory_space<vmem>>) target_semaphore(%run_scoped3A_129 : memref<!tpu.dma_semaphore, #tpu.memory_space<semaphore_mem>>)
      tpu.wait_dma2 semaphore(%run_scoped3A_129 : memref<!tpu.dma_semaphore, #tpu.memory_space<semaphore_mem>>) src(%arg3 : memref<128x128xf32, #tpu.memory_space<hbm>>) dst(%arg8 : memref<128x128xf32, #tpu.memory_space<vmem>>)
      tpu.yield
    }) : () -> ()
    %add3A_86 = arith.constant 0 : i32
    %add3A_87 = arith.addi %mul3A_2, %add3A_86 : i32
    "tpu.region"() ({
      %run_scoped3A_129 = tpu.sem_alloc : memref<!tpu.dma_semaphore, #tpu.memory_space<semaphore_mem>>
      %dma_start3A = arith.constant 0 : i32
      %dma_start3A_130 = tpu.memref_slice %arg6[%add3A_87, %dma_start3A] : memref<10240x128xf32, #tpu.memory_space<vmem_shared>> -> memref<128x128xf32, #tpu.memory_space<vmem_shared>>
      %dma_start3A_131 = arith.constant 0 : i32
      %dma_start3A_132 = tpu.memref_slice %arg6[%add3A_87, %dma_start3A_131] : memref<10240x128xf32, #tpu.memory_space<vmem_shared>> -> memref<128x128xf32, #tpu.memory_space<vmem_shared>>
      tpu.enqueue_dma source(%arg8 : memref<128x128xf32, #tpu.memory_space<vmem>>) target(%dma_start3A_132 : memref<128x128xf32, #tpu.memory_space<vmem_shared>>) target_semaphore(%run_scoped3A_129 : memref<!tpu.dma_semaphore, #tpu.memory_space<semaphore_mem>>)
      %dma_wait3A = arith.constant 0 : i32
      %dma_wait3A_133 = tpu.memref_slice %arg6[%add3A_87, %dma_wait3A] : memref<10240x128xf32, #tpu.memory_space<vmem_shared>> -> memref<128x128xf32, #tpu.memory_space<vmem_shared>>
      %dma_wait3A_134 = arith.constant 0 : i32
      %dma_wait3A_135 = tpu.memref_slice %arg6[%add3A_87, %dma_wait3A_134] : memref<10240x128xf32, #tpu.memory_space<vmem_shared>> -> memref<128x128xf32, #tpu.memory_space<vmem_shared>>
      tpu.wait_dma2 semaphore(%run_scoped3A_129 : memref<!tpu.dma_semaphore, #tpu.memory_space<semaphore_mem>>) src(%arg8 : memref<128x128xf32, #tpu.memory_space<vmem>>) dst(%dma_wait3A_135 : memref<128x128xf32, #tpu.memory_space<vmem_shared>>)
      tpu.yield
    }) : () -> ()
    %add3A_88 = arith.constant 128 : i32
    %add3A_89 = arith.addi %mul3A_2, %add3A_88 : i32
    "tpu.region"() ({
      %run_scoped3A_129 = tpu.sem_alloc : memref<!tpu.dma_semaphore, #tpu.memory_space<semaphore_mem>>
      %dma_start3A = arith.constant 0 : i32
      %dma_start3A_130 = tpu.memref_slice %arg6[%add3A_89, %dma_start3A] : memref<10240x128xf32, #tpu.memory_space<vmem_shared>> -> memref<128x128xf32, #tpu.memory_space<vmem_shared>>
      %dma_start3A_131 = arith.constant 0 : i32
      %dma_start3A_132 = tpu.memref_slice %arg6[%add3A_89, %dma_start3A_131] : memref<10240x128xf32, #tpu.memory_space<vmem_shared>> -> memref<128x128xf32, #tpu.memory_space<vmem_shared>>
      tpu.enqueue_dma source(%arg8 : memref<128x128xf32, #tpu.memory_space<vmem>>) target(%dma_start3A_132 : memref<128x128xf32, #tpu.memory_space<vmem_shared>>) target_semaphore(%run_scoped3A_129 : memref<!tpu.dma_semaphore, #tpu.memory_space<semaphore_mem>>)
      %dma_wait3A = arith.constant 0 : i32
      %dma_wait3A_133 = tpu.memref_slice %arg6[%add3A_89, %dma_wait3A] : memref<10240x128xf32, #tpu.memory_space<vmem_shared>> -> memref<128x128xf32, #tpu.memory_space<vmem_shared>>
      %dma_wait3A_134 = arith.constant 0 : i32
      %dma_wait3A_135 = tpu.memref_slice %arg6[%add3A_89, %dma_wait3A_134] : memref<10240x128xf32, #tpu.memory_space<vmem_shared>> -> memref<128x128xf32, #tpu.memory_space<vmem_shared>>
      tpu.wait_dma2 semaphore(%run_scoped3A_129 : memref<!tpu.dma_semaphore, #tpu.memory_space<semaphore_mem>>) src(%arg8 : memref<128x128xf32, #tpu.memory_space<vmem>>) dst(%dma_wait3A_135 : memref<128x128xf32, #tpu.memory_space<vmem_shared>>)
      tpu.yield
    }) : () -> ()
    %add3A_90 = arith.constant 256 : i32
    %add3A_91 = arith.addi %mul3A_2, %add3A_90 : i32
    "tpu.region"() ({
      %run_scoped3A_129 = tpu.sem_alloc : memref<!tpu.dma_semaphore, #tpu.memory_space<semaphore_mem>>
      %dma_start3A = arith.constant 0 : i32
      %dma_start3A_130 = tpu.memref_slice %arg6[%add3A_91, %dma_start3A] : memref<10240x128xf32, #tpu.memory_space<vmem_shared>> -> memref<128x128xf32, #tpu.memory_space<vmem_shared>>
      %dma_start3A_131 = arith.constant 0 : i32
      %dma_start3A_132 = tpu.memref_slice %arg6[%add3A_91, %dma_start3A_131] : memref<10240x128xf32, #tpu.memory_space<vmem_shared>> -> memref<128x128xf32, #tpu.memory_space<vmem_shared>>
      tpu.enqueue_dma source(%arg8 : memref<128x128xf32, #tpu.memory_space<vmem>>) target(%dma_start3A_132 : memref<128x128xf32, #tpu.memory_space<vmem_shared>>) target_semaphore(%run_scoped3A_129 : memref<!tpu.dma_semaphore, #tpu.memory_space<semaphore_mem>>)
      %dma_wait3A = arith.constant 0 : i32
      %dma_wait3A_133 = tpu.memref_slice %arg6[%add3A_91, %dma_wait3A] : memref<10240x128xf32, #tpu.memory_space<vmem_shared>> -> memref<128x128xf32, #tpu.memory_space<vmem_shared>>
      %dma_wait3A_134 = arith.constant 0 : i32
      %dma_wait3A_135 = tpu.memref_slice %arg6[%add3A_91, %dma_wait3A_134] : memref<10240x128xf32, #tpu.memory_space<vmem_shared>> -> memref<128x128xf32, #tpu.memory_space<vmem_shared>>
      tpu.wait_dma2 semaphore(%run_scoped3A_129 : memref<!tpu.dma_semaphore, #tpu.memory_space<semaphore_mem>>) src(%arg8 : memref<128x128xf32, #tpu.memory_space<vmem>>) dst(%dma_wait3A_135 : memref<128x128xf32, #tpu.memory_space<vmem_shared>>)
      tpu.yield
    }) : () -> ()
    %add3A_92 = arith.constant 384 : i32
    %add3A_93 = arith.addi %mul3A_2, %add3A_92 : i32
    "tpu.region"() ({
      %run_scoped3A_129 = tpu.sem_alloc : memref<!tpu.dma_semaphore, #tpu.memory_space<semaphore_mem>>
      %dma_start3A = arith.constant 0 : i32
      %dma_start3A_130 = tpu.memref_slice %arg6[%add3A_93, %dma_start3A] : memref<10240x128xf32, #tpu.memory_space<vmem_shared>> -> memref<128x128xf32, #tpu.memory_space<vmem_shared>>
      %dma_start3A_131 = arith.constant 0 : i32
      %dma_start3A_132 = tpu.memref_slice %arg6[%add3A_93, %dma_start3A_131] : memref<10240x128xf32, #tpu.memory_space<vmem_shared>> -> memref<128x128xf32, #tpu.memory_space<vmem_shared>>
      tpu.enqueue_dma source(%arg8 : memref<128x128xf32, #tpu.memory_space<vmem>>) target(%dma_start3A_132 : memref<128x128xf32, #tpu.memory_space<vmem_shared>>) target_semaphore(%run_scoped3A_129 : memref<!tpu.dma_semaphore, #tpu.memory_space<semaphore_mem>>)
      %dma_wait3A = arith.constant 0 : i32
      %dma_wait3A_133 = tpu.memref_slice %arg6[%add3A_93, %dma_wait3A] : memref<10240x128xf32, #tpu.memory_space<vmem_shared>> -> memref<128x128xf32, #tpu.memory_space<vmem_shared>>
      %dma_wait3A_134 = arith.constant 0 : i32
      %dma_wait3A_135 = tpu.memref_slice %arg6[%add3A_93, %dma_wait3A_134] : memref<10240x128xf32, #tpu.memory_space<vmem_shared>> -> memref<128x128xf32, #tpu.memory_space<vmem_shared>>
      tpu.wait_dma2 semaphore(%run_scoped3A_129 : memref<!tpu.dma_semaphore, #tpu.memory_space<semaphore_mem>>) src(%arg8 : memref<128x128xf32, #tpu.memory_space<vmem>>) dst(%dma_wait3A_135 : memref<128x128xf32, #tpu.memory_space<vmem_shared>>)
      tpu.yield
    }) : () -> ()
    %add3A_94 = arith.constant 512 : i32
    %add3A_95 = arith.addi %mul3A_2, %add3A_94 : i32
    "tpu.region"() ({
      %run_scoped3A_129 = tpu.sem_alloc : memref<!tpu.dma_semaphore, #tpu.memory_space<semaphore_mem>>
      %dma_start3A = arith.constant 0 : i32
      %dma_start3A_130 = tpu.memref_slice %arg6[%add3A_95, %dma_start3A] : memref<10240x128xf32, #tpu.memory_space<vmem_shared>> -> memref<128x128xf32, #tpu.memory_space<vmem_shared>>
      %dma_start3A_131 = arith.constant 0 : i32
      %dma_start3A_132 = tpu.memref_slice %arg6[%add3A_95, %dma_start3A_131] : memref<10240x128xf32, #tpu.memory_space<vmem_shared>> -> memref<128x128xf32, #tpu.memory_space<vmem_shared>>
      tpu.enqueue_dma source(%arg8 : memref<128x128xf32, #tpu.memory_space<vmem>>) target(%dma_start3A_132 : memref<128x128xf32, #tpu.memory_space<vmem_shared>>) target_semaphore(%run_scoped3A_129 : memref<!tpu.dma_semaphore, #tpu.memory_space<semaphore_mem>>)
      %dma_wait3A = arith.constant 0 : i32
      %dma_wait3A_133 = tpu.memref_slice %arg6[%add3A_95, %dma_wait3A] : memref<10240x128xf32, #tpu.memory_space<vmem_shared>> -> memref<128x128xf32, #tpu.memory_space<vmem_shared>>
      %dma_wait3A_134 = arith.constant 0 : i32
      %dma_wait3A_135 = tpu.memref_slice %arg6[%add3A_95, %dma_wait3A_134] : memref<10240x128xf32, #tpu.memory_space<vmem_shared>> -> memref<128x128xf32, #tpu.memory_space<vmem_shared>>
      tpu.wait_dma2 semaphore(%run_scoped3A_129 : memref<!tpu.dma_semaphore, #tpu.memory_space<semaphore_mem>>) src(%arg8 : memref<128x128xf32, #tpu.memory_space<vmem>>) dst(%dma_wait3A_135 : memref<128x128xf32, #tpu.memory_space<vmem_shared>>)
      tpu.yield
    }) : () -> ()
    "tpu.region"() ({
      %run_scoped3A_129 = tpu.sem_alloc : memref<!tpu.dma_semaphore, #tpu.memory_space<semaphore_mem>>
      tpu.enqueue_dma source(%arg4 : memref<128x128xf32, #tpu.memory_space<hbm>>) target(%arg8 : memref<128x128xf32, #tpu.memory_space<vmem>>) target_semaphore(%run_scoped3A_129 : memref<!tpu.dma_semaphore, #tpu.memory_space<semaphore_mem>>)
      tpu.wait_dma2 semaphore(%run_scoped3A_129 : memref<!tpu.dma_semaphore, #tpu.memory_space<semaphore_mem>>) src(%arg4 : memref<128x128xf32, #tpu.memory_space<hbm>>) dst(%arg8 : memref<128x128xf32, #tpu.memory_space<vmem>>)
      tpu.yield
    }) : () -> ()
    %barrier3A_96 = arith.constant 0 : index
    tpu.barrier barrier_id(%barrier3A_96)
    %scan3A_97 = arith.constant 0 : i32
    %scan3A_98 = arith.constant 79 : i32
    %scan3A_99 = arith.addi %scan3A_97, %scan3A_98 : i32
    %scan3A_100 = arith.constant 1 : i32
    scf.for %scan3A_129 = %scan3A_97 to %scan3A_99 step %scan3A_100  : i32 {
      %mul3A_130 = arith.constant 1 : i32
      %mul3A_131 = arith.muli %scan3A_129, %mul3A_130 : i32
      %add3A_132 = arith.constant 0 : i32
      %add3A_133 = arith.addi %add3A_132, %mul3A_131 : i32
      %mul3A_134 = arith.constant 79 : i32
      %mul3A_135 = arith.muli %add3A, %mul3A_134 : i32
      %add3A_136 = arith.addi %mul3A_135, %add3A_133 : i32
      %mul3A_137 = arith.constant 128 : i32
      %mul3A_138 = arith.muli %add3A_136, %mul3A_137 : i32
      %add3A_139 = arith.constant 647168 : i32
      %add3A_140 = arith.addi %add3A_139, %mul3A_138 : i32
      "tpu.region"() ({
        %run_scoped3A_141 = tpu.sem_alloc : memref<!tpu.dma_semaphore, #tpu.memory_space<semaphore_mem>>
        %dma_start3A = tpu.memref_slice %arg2[%add3A_140] : memref<970752xi32, #tpu.memory_space<hbm>> -> memref<128xi32, #tpu.memory_space<hbm>>
        %dma_start3A_142 = tpu.memref_slice %arg2[%add3A_140] : memref<970752xi32, #tpu.memory_space<hbm>> -> memref<128xi32, #tpu.memory_space<hbm>>
        tpu.enqueue_dma source(%dma_start3A_142 : memref<128xi32, #tpu.memory_space<hbm>>) target(%arg7 : memref<128xi32, #tpu.memory_space<vmem>>) target_semaphore(%run_scoped3A_141 : memref<!tpu.dma_semaphore, #tpu.memory_space<semaphore_mem>>)
        %dma_wait3A = tpu.memref_slice %arg2[%add3A_140] : memref<970752xi32, #tpu.memory_space<hbm>> -> memref<128xi32, #tpu.memory_space<hbm>>
        %dma_wait3A_143 = tpu.memref_slice %arg2[%add3A_140] : memref<970752xi32, #tpu.memory_space<hbm>> -> memref<128xi32, #tpu.memory_space<hbm>>
        tpu.wait_dma2 semaphore(%run_scoped3A_141 : memref<!tpu.dma_semaphore, #tpu.memory_space<semaphore_mem>>) src(%dma_wait3A_143 : memref<128xi32, #tpu.memory_space<hbm>>) dst(%arg7 : memref<128xi32, #tpu.memory_space<vmem>>)
        tpu.yield
      }) : () -> ()
      "tpu.region"() ({
        %run_scoped3A_141 = tpu.sem_alloc : memref<!tpu.dma_semaphore, #tpu.memory_space<semaphore_mem>>
        %dma_start3A = arith.constant 0 : i32
        %dma_start3A_142 = arith.constant 0 : i32
        %dma_start3A_143 = tpu.memref_slice %arg6[%dma_start3A, %dma_start3A_142] : memref<10240x128xf32, #tpu.memory_space<vmem_shared>> -> memref<10240x128xf32, #tpu.memory_space<vmem_shared>>
        tpu.enqueue_indirect_dma source(%arg8 : memref<128x128xf32, #tpu.memory_space<vmem>>) target(%dma_start3A_143 : memref<10240x128xf32, #tpu.memory_space<vmem_shared>>) offsets(%arg7 : memref<128xi32, #tpu.memory_space<vmem>>) semaphore(%run_scoped3A_141 : memref<!tpu.dma_semaphore, #tpu.memory_space<semaphore_mem>>) {add = true}
        %dma_wait3A = arith.constant 0 : i32
        %dma_wait3A_144 = arith.constant 0 : i32
        %dma_wait3A_145 = tpu.memref_slice %arg6[%dma_wait3A, %dma_wait3A_144] : memref<10240x128xf32, #tpu.memory_space<vmem_shared>> -> memref<10240x128xf32, #tpu.memory_space<vmem_shared>>
        tpu.wait_indirect_dma semaphore(%run_scoped3A_141 : memref<!tpu.dma_semaphore, #tpu.memory_space<semaphore_mem>>) src(%arg8 : memref<128x128xf32, #tpu.memory_space<vmem>>) dst(%dma_wait3A_145 : memref<10240x128xf32, #tpu.memory_space<vmem_shared>>)
        tpu.yield
      }) : () -> ()
    }
    %scan3A_101 = arith.constant 79 : i32
    %barrier3A_102 = arith.constant 0 : index
    tpu.barrier barrier_id(%barrier3A_102)
    %add3A_103 = arith.constant 0 : i32
    %add3A_104 = arith.addi %mul3A_2, %add3A_103 : i32
    "tpu.region"() ({
      %run_scoped3A_129 = tpu.sem_alloc : memref<!tpu.dma_semaphore, #tpu.memory_space<semaphore_mem>>
      %dma_start3A = arith.constant 0 : i32
      %dma_start3A_130 = tpu.memref_slice %arg6[%add3A_104, %dma_start3A] : memref<10240x128xf32, #tpu.memory_space<vmem_shared>> -> memref<128x128xf32, #tpu.memory_space<vmem_shared>>
      %dma_start3A_131 = arith.constant 0 : i32
      %dma_start3A_132 = tpu.memref_slice %arg6[%add3A_104, %dma_start3A_131] : memref<10240x128xf32, #tpu.memory_space<vmem_shared>> -> memref<128x128xf32, #tpu.memory_space<vmem_shared>>
      tpu.enqueue_dma source(%dma_start3A_132 : memref<128x128xf32, #tpu.memory_space<vmem_shared>>) target(%arg8 : memref<128x128xf32, #tpu.memory_space<vmem>>) target_semaphore(%run_scoped3A_129 : memref<!tpu.dma_semaphore, #tpu.memory_space<semaphore_mem>>)
      %dma_wait3A = arith.constant 0 : i32
      %dma_wait3A_133 = tpu.memref_slice %arg6[%add3A_104, %dma_wait3A] : memref<10240x128xf32, #tpu.memory_space<vmem_shared>> -> memref<128x128xf32, #tpu.memory_space<vmem_shared>>
      %dma_wait3A_134 = arith.constant 0 : i32
      %dma_wait3A_135 = tpu.memref_slice %arg6[%add3A_104, %dma_wait3A_134] : memref<10240x128xf32, #tpu.memory_space<vmem_shared>> -> memref<128x128xf32, #tpu.memory_space<vmem_shared>>
      tpu.wait_dma2 semaphore(%run_scoped3A_129 : memref<!tpu.dma_semaphore, #tpu.memory_space<semaphore_mem>>) src(%dma_wait3A_135 : memref<128x128xf32, #tpu.memory_space<vmem_shared>>) dst(%arg8 : memref<128x128xf32, #tpu.memory_space<vmem>>)
      tpu.yield
    }) : () -> ()
    %add3A_105 = arith.constant 0 : i32
    %add3A_106 = arith.addi %mul3A_2, %add3A_105 : i32
    %run_scoped3A_107 = arith.constant 2 : i32
    "tpu.region"() ({
      %run_scoped3A_129 = tpu.sem_alloc : memref<!tpu.dma_semaphore, #tpu.memory_space<semaphore_mem>>
      %dma_start3A = arith.constant 0 : i32
      %dma_start3A_130 = tpu.memref_slice %arg5[%run_scoped3A_107, %arg0, %add3A_106, %dma_start3A] : memref<3x2x10240x128xf32, #tpu.memory_space<hbm>> -> memref<1x1x128x128xf32, #tpu.memory_space<hbm>>
      %dma_start3A_131 = tpu.memref_squeeze %dma_start3A_130 : memref<1x1x128x128xf32, #tpu.memory_space<hbm>> -> memref<128x128xf32, #tpu.memory_space<hbm>>
      %dma_start3A_132 = arith.constant 0 : i32
      %dma_start3A_133 = tpu.memref_slice %arg5[%run_scoped3A_107, %arg0, %add3A_106, %dma_start3A_132] : memref<3x2x10240x128xf32, #tpu.memory_space<hbm>> -> memref<1x1x128x128xf32, #tpu.memory_space<hbm>>
      %dma_start3A_134 = tpu.memref_squeeze %dma_start3A_133 : memref<1x1x128x128xf32, #tpu.memory_space<hbm>> -> memref<128x128xf32, #tpu.memory_space<hbm>>
      tpu.enqueue_dma source(%arg8 : memref<128x128xf32, #tpu.memory_space<vmem>>) target(%dma_start3A_134 : memref<128x128xf32, #tpu.memory_space<hbm>>) target_semaphore(%run_scoped3A_129 : memref<!tpu.dma_semaphore, #tpu.memory_space<semaphore_mem>>)
      %dma_wait3A = arith.constant 0 : i32
      %dma_wait3A_135 = tpu.memref_slice %arg5[%run_scoped3A_107, %arg0, %add3A_106, %dma_wait3A] : memref<3x2x10240x128xf32, #tpu.memory_space<hbm>> -> memref<1x1x128x128xf32, #tpu.memory_space<hbm>>
      %dma_wait3A_136 = tpu.memref_squeeze %dma_wait3A_135 : memref<1x1x128x128xf32, #tpu.memory_space<hbm>> -> memref<128x128xf32, #tpu.memory_space<hbm>>
      %dma_wait3A_137 = arith.constant 0 : i32
      %dma_wait3A_138 = tpu.memref_slice %arg5[%run_scoped3A_107, %arg0, %add3A_106, %dma_wait3A_137] : memref<3x2x10240x128xf32, #tpu.memory_space<hbm>> -> memref<1x1x128x128xf32, #tpu.memory_space<hbm>>
      %dma_wait3A_139 = tpu.memref_squeeze %dma_wait3A_138 : memref<1x1x128x128xf32, #tpu.memory_space<hbm>> -> memref<128x128xf32, #tpu.memory_space<hbm>>
      tpu.wait_dma2 semaphore(%run_scoped3A_129 : memref<!tpu.dma_semaphore, #tpu.memory_space<semaphore_mem>>) src(%arg8 : memref<128x128xf32, #tpu.memory_space<vmem>>) dst(%dma_wait3A_139 : memref<128x128xf32, #tpu.memory_space<hbm>>)
      tpu.yield
    }) : () -> ()
    %add3A_108 = arith.constant 128 : i32
    %add3A_109 = arith.addi %mul3A_2, %add3A_108 : i32
    "tpu.region"() ({
      %run_scoped3A_129 = tpu.sem_alloc : memref<!tpu.dma_semaphore, #tpu.memory_space<semaphore_mem>>
      %dma_start3A = arith.constant 0 : i32
      %dma_start3A_130 = tpu.memref_slice %arg6[%add3A_109, %dma_start3A] : memref<10240x128xf32, #tpu.memory_space<vmem_shared>> -> memref<128x128xf32, #tpu.memory_space<vmem_shared>>
      %dma_start3A_131 = arith.constant 0 : i32
      %dma_start3A_132 = tpu.memref_slice %arg6[%add3A_109, %dma_start3A_131] : memref<10240x128xf32, #tpu.memory_space<vmem_shared>> -> memref<128x128xf32, #tpu.memory_space<vmem_shared>>
      tpu.enqueue_dma source(%dma_start3A_132 : memref<128x128xf32, #tpu.memory_space<vmem_shared>>) target(%arg8 : memref<128x128xf32, #tpu.memory_space<vmem>>) target_semaphore(%run_scoped3A_129 : memref<!tpu.dma_semaphore, #tpu.memory_space<semaphore_mem>>)
      %dma_wait3A = arith.constant 0 : i32
      %dma_wait3A_133 = tpu.memref_slice %arg6[%add3A_109, %dma_wait3A] : memref<10240x128xf32, #tpu.memory_space<vmem_shared>> -> memref<128x128xf32, #tpu.memory_space<vmem_shared>>
      %dma_wait3A_134 = arith.constant 0 : i32
      %dma_wait3A_135 = tpu.memref_slice %arg6[%add3A_109, %dma_wait3A_134] : memref<10240x128xf32, #tpu.memory_space<vmem_shared>> -> memref<128x128xf32, #tpu.memory_space<vmem_shared>>
      tpu.wait_dma2 semaphore(%run_scoped3A_129 : memref<!tpu.dma_semaphore, #tpu.memory_space<semaphore_mem>>) src(%dma_wait3A_135 : memref<128x128xf32, #tpu.memory_space<vmem_shared>>) dst(%arg8 : memref<128x128xf32, #tpu.memory_space<vmem>>)
      tpu.yield
    }) : () -> ()
    %add3A_110 = arith.constant 128 : i32
    %add3A_111 = arith.addi %mul3A_2, %add3A_110 : i32
    %run_scoped3A_112 = arith.constant 2 : i32
    "tpu.region"() ({
      %run_scoped3A_129 = tpu.sem_alloc : memref<!tpu.dma_semaphore, #tpu.memory_space<semaphore_mem>>
      %dma_start3A = arith.constant 0 : i32
      %dma_start3A_130 = tpu.memref_slice %arg5[%run_scoped3A_112, %arg0, %add3A_111, %dma_start3A] : memref<3x2x10240x128xf32, #tpu.memory_space<hbm>> -> memref<1x1x128x128xf32, #tpu.memory_space<hbm>>
      %dma_start3A_131 = tpu.memref_squeeze %dma_start3A_130 : memref<1x1x128x128xf32, #tpu.memory_space<hbm>> -> memref<128x128xf32, #tpu.memory_space<hbm>>
      %dma_start3A_132 = arith.constant 0 : i32
      %dma_start3A_133 = tpu.memref_slice %arg5[%run_scoped3A_112, %arg0, %add3A_111, %dma_start3A_132] : memref<3x2x10240x128xf32, #tpu.memory_space<hbm>> -> memref<1x1x128x128xf32, #tpu.memory_space<hbm>>
      %dma_start3A_134 = tpu.memref_squeeze %dma_start3A_133 : memref<1x1x128x128xf32, #tpu.memory_space<hbm>> -> memref<128x128xf32, #tpu.memory_space<hbm>>
      tpu.enqueue_dma source(%arg8 : memref<128x128xf32, #tpu.memory_space<vmem>>) target(%dma_start3A_134 : memref<128x128xf32, #tpu.memory_space<hbm>>) target_semaphore(%run_scoped3A_129 : memref<!tpu.dma_semaphore, #tpu.memory_space<semaphore_mem>>)
      %dma_wait3A = arith.constant 0 : i32
      %dma_wait3A_135 = tpu.memref_slice %arg5[%run_scoped3A_112, %arg0, %add3A_111, %dma_wait3A] : memref<3x2x10240x128xf32, #tpu.memory_space<hbm>> -> memref<1x1x128x128xf32, #tpu.memory_space<hbm>>
      %dma_wait3A_136 = tpu.memref_squeeze %dma_wait3A_135 : memref<1x1x128x128xf32, #tpu.memory_space<hbm>> -> memref<128x128xf32, #tpu.memory_space<hbm>>
      %dma_wait3A_137 = arith.constant 0 : i32
      %dma_wait3A_138 = tpu.memref_slice %arg5[%run_scoped3A_112, %arg0, %add3A_111, %dma_wait3A_137] : memref<3x2x10240x128xf32, #tpu.memory_space<hbm>> -> memref<1x1x128x128xf32, #tpu.memory_space<hbm>>
      %dma_wait3A_139 = tpu.memref_squeeze %dma_wait3A_138 : memref<1x1x128x128xf32, #tpu.memory_space<hbm>> -> memref<128x128xf32, #tpu.memory_space<hbm>>
      tpu.wait_dma2 semaphore(%run_scoped3A_129 : memref<!tpu.dma_semaphore, #tpu.memory_space<semaphore_mem>>) src(%arg8 : memref<128x128xf32, #tpu.memory_space<vmem>>) dst(%dma_wait3A_139 : memref<128x128xf32, #tpu.memory_space<hbm>>)
      tpu.yield
    }) : () -> ()
    %add3A_113 = arith.constant 256 : i32
    %add3A_114 = arith.addi %mul3A_2, %add3A_113 : i32
    "tpu.region"() ({
      %run_scoped3A_129 = tpu.sem_alloc : memref<!tpu.dma_semaphore, #tpu.memory_space<semaphore_mem>>
      %dma_start3A = arith.constant 0 : i32
      %dma_start3A_130 = tpu.memref_slice %arg6[%add3A_114, %dma_start3A] : memref<10240x128xf32, #tpu.memory_space<vmem_shared>> -> memref<128x128xf32, #tpu.memory_space<vmem_shared>>
      %dma_start3A_131 = arith.constant 0 : i32
      %dma_start3A_132 = tpu.memref_slice %arg6[%add3A_114, %dma_start3A_131] : memref<10240x128xf32, #tpu.memory_space<vmem_shared>> -> memref<128x128xf32, #tpu.memory_space<vmem_shared>>
      tpu.enqueue_dma source(%dma_start3A_132 : memref<128x128xf32, #tpu.memory_space<vmem_shared>>) target(%arg8 : memref<128x128xf32, #tpu.memory_space<vmem>>) target_semaphore(%run_scoped3A_129 : memref<!tpu.dma_semaphore, #tpu.memory_space<semaphore_mem>>)
      %dma_wait3A = arith.constant 0 : i32
      %dma_wait3A_133 = tpu.memref_slice %arg6[%add3A_114, %dma_wait3A] : memref<10240x128xf32, #tpu.memory_space<vmem_shared>> -> memref<128x128xf32, #tpu.memory_space<vmem_shared>>
      %dma_wait3A_134 = arith.constant 0 : i32
      %dma_wait3A_135 = tpu.memref_slice %arg6[%add3A_114, %dma_wait3A_134] : memref<10240x128xf32, #tpu.memory_space<vmem_shared>> -> memref<128x128xf32, #tpu.memory_space<vmem_shared>>
      tpu.wait_dma2 semaphore(%run_scoped3A_129 : memref<!tpu.dma_semaphore, #tpu.memory_space<semaphore_mem>>) src(%dma_wait3A_135 : memref<128x128xf32, #tpu.memory_space<vmem_shared>>) dst(%arg8 : memref<128x128xf32, #tpu.memory_space<vmem>>)
      tpu.yield
    }) : () -> ()
    %add3A_115 = arith.constant 256 : i32
    %add3A_116 = arith.addi %mul3A_2, %add3A_115 : i32
    %run_scoped3A_117 = arith.constant 2 : i32
    "tpu.region"() ({
      %run_scoped3A_129 = tpu.sem_alloc : memref<!tpu.dma_semaphore, #tpu.memory_space<semaphore_mem>>
      %dma_start3A = arith.constant 0 : i32
      %dma_start3A_130 = tpu.memref_slice %arg5[%run_scoped3A_117, %arg0, %add3A_116, %dma_start3A] : memref<3x2x10240x128xf32, #tpu.memory_space<hbm>> -> memref<1x1x128x128xf32, #tpu.memory_space<hbm>>
      %dma_start3A_131 = tpu.memref_squeeze %dma_start3A_130 : memref<1x1x128x128xf32, #tpu.memory_space<hbm>> -> memref<128x128xf32, #tpu.memory_space<hbm>>
      %dma_start3A_132 = arith.constant 0 : i32
      %dma_start3A_133 = tpu.memref_slice %arg5[%run_scoped3A_117, %arg0, %add3A_116, %dma_start3A_132] : memref<3x2x10240x128xf32, #tpu.memory_space<hbm>> -> memref<1x1x128x128xf32, #tpu.memory_space<hbm>>
      %dma_start3A_134 = tpu.memref_squeeze %dma_start3A_133 : memref<1x1x128x128xf32, #tpu.memory_space<hbm>> -> memref<128x128xf32, #tpu.memory_space<hbm>>
      tpu.enqueue_dma source(%arg8 : memref<128x128xf32, #tpu.memory_space<vmem>>) target(%dma_start3A_134 : memref<128x128xf32, #tpu.memory_space<hbm>>) target_semaphore(%run_scoped3A_129 : memref<!tpu.dma_semaphore, #tpu.memory_space<semaphore_mem>>)
      %dma_wait3A = arith.constant 0 : i32
      %dma_wait3A_135 = tpu.memref_slice %arg5[%run_scoped3A_117, %arg0, %add3A_116, %dma_wait3A] : memref<3x2x10240x128xf32, #tpu.memory_space<hbm>> -> memref<1x1x128x128xf32, #tpu.memory_space<hbm>>
      %dma_wait3A_136 = tpu.memref_squeeze %dma_wait3A_135 : memref<1x1x128x128xf32, #tpu.memory_space<hbm>> -> memref<128x128xf32, #tpu.memory_space<hbm>>
      %dma_wait3A_137 = arith.constant 0 : i32
      %dma_wait3A_138 = tpu.memref_slice %arg5[%run_scoped3A_117, %arg0, %add3A_116, %dma_wait3A_137] : memref<3x2x10240x128xf32, #tpu.memory_space<hbm>> -> memref<1x1x128x128xf32, #tpu.memory_space<hbm>>
      %dma_wait3A_139 = tpu.memref_squeeze %dma_wait3A_138 : memref<1x1x128x128xf32, #tpu.memory_space<hbm>> -> memref<128x128xf32, #tpu.memory_space<hbm>>
      tpu.wait_dma2 semaphore(%run_scoped3A_129 : memref<!tpu.dma_semaphore, #tpu.memory_space<semaphore_mem>>) src(%arg8 : memref<128x128xf32, #tpu.memory_space<vmem>>) dst(%dma_wait3A_139 : memref<128x128xf32, #tpu.memory_space<hbm>>)
      tpu.yield
    }) : () -> ()
    %add3A_118 = arith.constant 384 : i32
    %add3A_119 = arith.addi %mul3A_2, %add3A_118 : i32
    "tpu.region"() ({
      %run_scoped3A_129 = tpu.sem_alloc : memref<!tpu.dma_semaphore, #tpu.memory_space<semaphore_mem>>
      %dma_start3A = arith.constant 0 : i32
      %dma_start3A_130 = tpu.memref_slice %arg6[%add3A_119, %dma_start3A] : memref<10240x128xf32, #tpu.memory_space<vmem_shared>> -> memref<128x128xf32, #tpu.memory_space<vmem_shared>>
      %dma_start3A_131 = arith.constant 0 : i32
      %dma_start3A_132 = tpu.memref_slice %arg6[%add3A_119, %dma_start3A_131] : memref<10240x128xf32, #tpu.memory_space<vmem_shared>> -> memref<128x128xf32, #tpu.memory_space<vmem_shared>>
      tpu.enqueue_dma source(%dma_start3A_132 : memref<128x128xf32, #tpu.memory_space<vmem_shared>>) target(%arg8 : memref<128x128xf32, #tpu.memory_space<vmem>>) target_semaphore(%run_scoped3A_129 : memref<!tpu.dma_semaphore, #tpu.memory_space<semaphore_mem>>)
      %dma_wait3A = arith.constant 0 : i32
      %dma_wait3A_133 = tpu.memref_slice %arg6[%add3A_119, %dma_wait3A] : memref<10240x128xf32, #tpu.memory_space<vmem_shared>> -> memref<128x128xf32, #tpu.memory_space<vmem_shared>>
      %dma_wait3A_134 = arith.constant 0 : i32
      %dma_wait3A_135 = tpu.memref_slice %arg6[%add3A_119, %dma_wait3A_134] : memref<10240x128xf32, #tpu.memory_space<vmem_shared>> -> memref<128x128xf32, #tpu.memory_space<vmem_shared>>
      tpu.wait_dma2 semaphore(%run_scoped3A_129 : memref<!tpu.dma_semaphore, #tpu.memory_space<semaphore_mem>>) src(%dma_wait3A_135 : memref<128x128xf32, #tpu.memory_space<vmem_shared>>) dst(%arg8 : memref<128x128xf32, #tpu.memory_space<vmem>>)
      tpu.yield
    }) : () -> ()
    %add3A_120 = arith.constant 384 : i32
    %add3A_121 = arith.addi %mul3A_2, %add3A_120 : i32
    %run_scoped3A_122 = arith.constant 2 : i32
    "tpu.region"() ({
      %run_scoped3A_129 = tpu.sem_alloc : memref<!tpu.dma_semaphore, #tpu.memory_space<semaphore_mem>>
      %dma_start3A = arith.constant 0 : i32
      %dma_start3A_130 = tpu.memref_slice %arg5[%run_scoped3A_122, %arg0, %add3A_121, %dma_start3A] : memref<3x2x10240x128xf32, #tpu.memory_space<hbm>> -> memref<1x1x128x128xf32, #tpu.memory_space<hbm>>
      %dma_start3A_131 = tpu.memref_squeeze %dma_start3A_130 : memref<1x1x128x128xf32, #tpu.memory_space<hbm>> -> memref<128x128xf32, #tpu.memory_space<hbm>>
      %dma_start3A_132 = arith.constant 0 : i32
      %dma_start3A_133 = tpu.memref_slice %arg5[%run_scoped3A_122, %arg0, %add3A_121, %dma_start3A_132] : memref<3x2x10240x128xf32, #tpu.memory_space<hbm>> -> memref<1x1x128x128xf32, #tpu.memory_space<hbm>>
      %dma_start3A_134 = tpu.memref_squeeze %dma_start3A_133 : memref<1x1x128x128xf32, #tpu.memory_space<hbm>> -> memref<128x128xf32, #tpu.memory_space<hbm>>
      tpu.enqueue_dma source(%arg8 : memref<128x128xf32, #tpu.memory_space<vmem>>) target(%dma_start3A_134 : memref<128x128xf32, #tpu.memory_space<hbm>>) target_semaphore(%run_scoped3A_129 : memref<!tpu.dma_semaphore, #tpu.memory_space<semaphore_mem>>)
      %dma_wait3A = arith.constant 0 : i32
      %dma_wait3A_135 = tpu.memref_slice %arg5[%run_scoped3A_122, %arg0, %add3A_121, %dma_wait3A] : memref<3x2x10240x128xf32, #tpu.memory_space<hbm>> -> memref<1x1x128x128xf32, #tpu.memory_space<hbm>>
      %dma_wait3A_136 = tpu.memref_squeeze %dma_wait3A_135 : memref<1x1x128x128xf32, #tpu.memory_space<hbm>> -> memref<128x128xf32, #tpu.memory_space<hbm>>
      %dma_wait3A_137 = arith.constant 0 : i32
      %dma_wait3A_138 = tpu.memref_slice %arg5[%run_scoped3A_122, %arg0, %add3A_121, %dma_wait3A_137] : memref<3x2x10240x128xf32, #tpu.memory_space<hbm>> -> memref<1x1x128x128xf32, #tpu.memory_space<hbm>>
      %dma_wait3A_139 = tpu.memref_squeeze %dma_wait3A_138 : memref<1x1x128x128xf32, #tpu.memory_space<hbm>> -> memref<128x128xf32, #tpu.memory_space<hbm>>
      tpu.wait_dma2 semaphore(%run_scoped3A_129 : memref<!tpu.dma_semaphore, #tpu.memory_space<semaphore_mem>>) src(%arg8 : memref<128x128xf32, #tpu.memory_space<vmem>>) dst(%dma_wait3A_139 : memref<128x128xf32, #tpu.memory_space<hbm>>)
      tpu.yield
    }) : () -> ()
    %add3A_123 = arith.constant 512 : i32
    %add3A_124 = arith.addi %mul3A_2, %add3A_123 : i32
    "tpu.region"() ({
      %run_scoped3A_129 = tpu.sem_alloc : memref<!tpu.dma_semaphore, #tpu.memory_space<semaphore_mem>>
      %dma_start3A = arith.constant 0 : i32
      %dma_start3A_130 = tpu.memref_slice %arg6[%add3A_124, %dma_start3A] : memref<10240x128xf32, #tpu.memory_space<vmem_shared>> -> memref<128x128xf32, #tpu.memory_space<vmem_shared>>
      %dma_start3A_131 = arith.constant 0 : i32
      %dma_start3A_132 = tpu.memref_slice %arg6[%add3A_124, %dma_start3A_131] : memref<10240x128xf32, #tpu.memory_space<vmem_shared>> -> memref<128x128xf32, #tpu.memory_space<vmem_shared>>
      tpu.enqueue_dma source(%dma_start3A_132 : memref<128x128xf32, #tpu.memory_space<vmem_shared>>) target(%arg8 : memref<128x128xf32, #tpu.memory_space<vmem>>) target_semaphore(%run_scoped3A_129 : memref<!tpu.dma_semaphore, #tpu.memory_space<semaphore_mem>>)
      %dma_wait3A = arith.constant 0 : i32
      %dma_wait3A_133 = tpu.memref_slice %arg6[%add3A_124, %dma_wait3A] : memref<10240x128xf32, #tpu.memory_space<vmem_shared>> -> memref<128x128xf32, #tpu.memory_space<vmem_shared>>
      %dma_wait3A_134 = arith.constant 0 : i32
      %dma_wait3A_135 = tpu.memref_slice %arg6[%add3A_124, %dma_wait3A_134] : memref<10240x128xf32, #tpu.memory_space<vmem_shared>> -> memref<128x128xf32, #tpu.memory_space<vmem_shared>>
      tpu.wait_dma2 semaphore(%run_scoped3A_129 : memref<!tpu.dma_semaphore, #tpu.memory_space<semaphore_mem>>) src(%dma_wait3A_135 : memref<128x128xf32, #tpu.memory_space<vmem_shared>>) dst(%arg8 : memref<128x128xf32, #tpu.memory_space<vmem>>)
      tpu.yield
    }) : () -> ()
    %add3A_125 = arith.constant 512 : i32
    %add3A_126 = arith.addi %mul3A_2, %add3A_125 : i32
    %run_scoped3A_127 = arith.constant 2 : i32
    "tpu.region"() ({
      %run_scoped3A_129 = tpu.sem_alloc : memref<!tpu.dma_semaphore, #tpu.memory_space<semaphore_mem>>
      %dma_start3A = arith.constant 0 : i32
      %dma_start3A_130 = tpu.memref_slice %arg5[%run_scoped3A_127, %arg0, %add3A_126, %dma_start3A] : memref<3x2x10240x128xf32, #tpu.memory_space<hbm>> -> memref<1x1x128x128xf32, #tpu.memory_space<hbm>>
      %dma_start3A_131 = tpu.memref_squeeze %dma_start3A_130 : memref<1x1x128x128xf32, #tpu.memory_space<hbm>> -> memref<128x128xf32, #tpu.memory_space<hbm>>
      %dma_start3A_132 = arith.constant 0 : i32
      %dma_start3A_133 = tpu.memref_slice %arg5[%run_scoped3A_127, %arg0, %add3A_126, %dma_start3A_132] : memref<3x2x10240x128xf32, #tpu.memory_space<hbm>> -> memref<1x1x128x128xf32, #tpu.memory_space<hbm>>
      %dma_start3A_134 = tpu.memref_squeeze %dma_start3A_133 : memref<1x1x128x128xf32, #tpu.memory_space<hbm>> -> memref<128x128xf32, #tpu.memory_space<hbm>>
      tpu.enqueue_dma source(%arg8 : memref<128x128xf32, #tpu.memory_space<vmem>>) target(%dma_start3A_134 : memref<128x128xf32, #tpu.memory_space<hbm>>) target_semaphore(%run_scoped3A_129 : memref<!tpu.dma_semaphore, #tpu.memory_space<semaphore_mem>>)
      %dma_wait3A = arith.constant 0 : i32
      %dma_wait3A_135 = tpu.memref_slice %arg5[%run_scoped3A_127, %arg0, %add3A_126, %dma_wait3A] : memref<3x2x10240x128xf32, #tpu.memory_space<hbm>> -> memref<1x1x128x128xf32, #tpu.memory_space<hbm>>
      %dma_wait3A_136 = tpu.memref_squeeze %dma_wait3A_135 : memref<1x1x128x128xf32, #tpu.memory_space<hbm>> -> memref<128x128xf32, #tpu.memory_space<hbm>>
      %dma_wait3A_137 = arith.constant 0 : i32
      %dma_wait3A_138 = tpu.memref_slice %arg5[%run_scoped3A_127, %arg0, %add3A_126, %dma_wait3A_137] : memref<3x2x10240x128xf32, #tpu.memory_space<hbm>> -> memref<1x1x128x128xf32, #tpu.memory_space<hbm>>
      %dma_wait3A_139 = tpu.memref_squeeze %dma_wait3A_138 : memref<1x1x128x128xf32, #tpu.memory_space<hbm>> -> memref<128x128xf32, #tpu.memory_space<hbm>>
      tpu.wait_dma2 semaphore(%run_scoped3A_129 : memref<!tpu.dma_semaphore, #tpu.memory_space<semaphore_mem>>) src(%arg8 : memref<128x128xf32, #tpu.memory_space<vmem>>) dst(%dma_wait3A_139 : memref<128x128xf32, #tpu.memory_space<hbm>>)
      tpu.yield
    }) : () -> ()
    %barrier3A_128 = arith.constant 0 : index
    tpu.barrier barrier_id(%barrier3A_128)
    return
  }
}

module attributes {stable_mosaic.version = 14 : i64} {
  func.func @body(%arg0: i32, %arg1: memref<1000x128xf32, #tpu.memory_space<vmem>>, %arg2: memref<3x2x1000x128xf32, #tpu.memory_space<vmem>>, %arg3: memref<3x2x1000x128xf32, #tpu.memory_space<vmem>>, %arg4: memref<3x128x128xf32, #tpu.memory_space<vmem>>, %arg5: memref<128x128xf32, #tpu.memory_space<vmem>>, %arg6: memref<1x128xf32, #tpu.memory_space<vmem>>, %arg7: memref<1000x128xf32, #tpu.memory_space<vmem>>) attributes {dimension_semantics = [#tpu.dimension_semantics<arbitrary>], iteration_bounds = array<i64: 10>, scalar_prefetch = 0 : i64, scratch_operands = 0 : i64, tpu.core_type = #tpu.core_type<tc>, window_params = [{transform_indices = @transform_0, window_bounds = array<i64: 1000, 128>}, {transform_indices = @transform_1, window_bounds = array<i64: 3, 2, 1000, 128>}, {transform_indices = @transform_2, window_bounds = array<i64: 3, 2, 1000, 128>}, {pipeline_mode = #tpu.pipeline_mode<synchronous>, transform_indices = @transform_3, window_bounds = array<i64: 3, 128, 128>}, {pipeline_mode = #tpu.pipeline_mode<synchronous>, transform_indices = @transform_4, window_bounds = array<i64: 128, 128>}, {pipeline_mode = #tpu.pipeline_mode<synchronous>, transform_indices = @transform_5, window_bounds = array<i64: 1, 128>}, {transform_indices = @transform_6, window_bounds = array<i64: 1000, 128>}]} {
    %get3A = arith.constant 0 : index
    %get3A_0 = arith.constant 0 : index
    %get3A_1 = vector.load %arg1[%get3A, %get3A_0] : memref<1000x128xf32, #tpu.memory_space<vmem>>, vector<1000x128xf32>
    %get3A_2 = arith.constant 0 : index
    %get3A_3 = arith.constant 0 : index
    %get3A_4 = vector.load %arg5[%get3A_2, %get3A_3] : memref<128x128xf32, #tpu.memory_space<vmem>>, vector<128x128xf32>
    %dot_general3A = arith.constant dense<0.000000e+00> : vector<1000x128xf32>
    %dot_general3A_5 = tpu.matmul %get3A_1, %get3A_4, %dot_general3A {dimension_numbers = #tpu.dot_dimension_numbers<[1], [0], [0], [1], [0, 0, 1, 1], [], []>, precision = #tpu.contract_precision<fp32>, transpose_lhs_hint = false} : vector<1000x128xf32>, vector<128x128xf32>, vector<1000x128xf32> -> vector<1000x128xf32>
    %get3A_6 = arith.constant 0 : index
    %get3A_7 = arith.constant 0 : index
    %get3A_8 = vector.load %arg6[%get3A_6, %get3A_7] : memref<1x128xf32, #tpu.memory_space<vmem>>, vector<1x128xf32>
    %add3A = vector.broadcast %get3A_8 : vector<1x128xf32> to vector<1000x128xf32>
    %add3A_9 = arith.addf %dot_general3A_5, %add3A : vector<1000x128xf32>
    %get3A_10 = arith.constant 0 : index
    %get3A_11 = arith.constant 0 : index
    %get3A_12 = arith.constant 0 : index
    %get3A_13 = arith.constant 0 : index
    %get3A_14 = vector.load %arg2[%get3A_10, %get3A_11, %get3A_12, %get3A_13] : memref<3x2x1000x128xf32, #tpu.memory_space<vmem>>, vector<1x1x1000x128xf32>
    %get3A_15 = vector.shape_cast %get3A_14 : vector<1x1x1000x128xf32> to vector<1000x128xf32>
    %get3A_16 = arith.constant 0 : index
    %get3A_17 = arith.constant 1 : index
    %get3A_18 = arith.constant 0 : index
    %get3A_19 = arith.constant 0 : index
    %get3A_20 = vector.load %arg2[%get3A_16, %get3A_17, %get3A_18, %get3A_19] : memref<3x2x1000x128xf32, #tpu.memory_space<vmem>>, vector<1x1x1000x128xf32>
    %get3A_21 = vector.shape_cast %get3A_20 : vector<1x1x1000x128xf32> to vector<1000x128xf32>
    %add3A_22 = arith.addf %get3A_15, %get3A_21 : vector<1000x128xf32>
    %get3A_23 = arith.constant 0 : index
    %get3A_24 = arith.constant 0 : index
    %get3A_25 = arith.constant 0 : index
    %get3A_26 = arith.constant 0 : index
    %get3A_27 = vector.load %arg3[%get3A_23, %get3A_24, %get3A_25, %get3A_26] : memref<3x2x1000x128xf32, #tpu.memory_space<vmem>>, vector<1x1x1000x1xf32>
    %get3A_28 = vector.shape_cast %get3A_27 : vector<1x1x1000x1xf32> to vector<1000x1xf32>
    %get3A_29 = arith.constant 0 : index
    %get3A_30 = arith.constant 1 : index
    %get3A_31 = arith.constant 0 : index
    %get3A_32 = arith.constant 0 : index
    %get3A_33 = vector.load %arg3[%get3A_29, %get3A_30, %get3A_31, %get3A_32] : memref<3x2x1000x128xf32, #tpu.memory_space<vmem>>, vector<1x1x1000x1xf32>
    %get3A_34 = vector.shape_cast %get3A_33 : vector<1x1x1000x1xf32> to vector<1000x1xf32>
    %add3A_35 = arith.addf %get3A_28, %get3A_34 : vector<1000x1xf32>
    %max3A = arith.constant 1.000000e+00 : f32
    %max3A_36 = vector.broadcast %max3A : f32 to vector<1000x1xf32>
    %max3A_37 = arith.maximumf %add3A_35, %max3A_36 : vector<1000x1xf32>
    %div3A = vector.broadcast %max3A_37 : vector<1000x1xf32> to vector<1000x128xf32>
    %div3A_38 = arith.divf %add3A_22, %div3A : vector<1000x128xf32>
    %get3A_39 = arith.constant 0 : index
    %get3A_40 = arith.constant 0 : index
    %get3A_41 = arith.constant 0 : index
    %get3A_42 = vector.load %arg4[%get3A_39, %get3A_40, %get3A_41] : memref<3x128x128xf32, #tpu.memory_space<vmem>>, vector<1x128x128xf32>
    %get3A_43 = vector.shape_cast %get3A_42 : vector<1x128x128xf32> to vector<128x128xf32>
    %dot_general3A_44 = arith.constant dense<0.000000e+00> : vector<1000x128xf32>
    %dot_general3A_45 = tpu.matmul %div3A_38, %get3A_43, %dot_general3A_44 {dimension_numbers = #tpu.dot_dimension_numbers<[1], [0], [0], [1], [0, 0, 1, 1], [], []>, precision = #tpu.contract_precision<fp32>, transpose_lhs_hint = false} : vector<1000x128xf32>, vector<128x128xf32>, vector<1000x128xf32> -> vector<1000x128xf32>
    %add3A_46 = arith.addf %add3A_9, %dot_general3A_45 : vector<1000x128xf32>
    %get3A_47 = arith.constant 1 : index
    %get3A_48 = arith.constant 0 : index
    %get3A_49 = arith.constant 0 : index
    %get3A_50 = arith.constant 0 : index
    %get3A_51 = vector.load %arg2[%get3A_47, %get3A_48, %get3A_49, %get3A_50] : memref<3x2x1000x128xf32, #tpu.memory_space<vmem>>, vector<1x1x1000x128xf32>
    %get3A_52 = vector.shape_cast %get3A_51 : vector<1x1x1000x128xf32> to vector<1000x128xf32>
    %get3A_53 = arith.constant 1 : index
    %get3A_54 = arith.constant 1 : index
    %get3A_55 = arith.constant 0 : index
    %get3A_56 = arith.constant 0 : index
    %get3A_57 = vector.load %arg2[%get3A_53, %get3A_54, %get3A_55, %get3A_56] : memref<3x2x1000x128xf32, #tpu.memory_space<vmem>>, vector<1x1x1000x128xf32>
    %get3A_58 = vector.shape_cast %get3A_57 : vector<1x1x1000x128xf32> to vector<1000x128xf32>
    %add3A_59 = arith.addf %get3A_52, %get3A_58 : vector<1000x128xf32>
    %get3A_60 = arith.constant 1 : index
    %get3A_61 = arith.constant 0 : index
    %get3A_62 = arith.constant 0 : index
    %get3A_63 = arith.constant 0 : index
    %get3A_64 = vector.load %arg3[%get3A_60, %get3A_61, %get3A_62, %get3A_63] : memref<3x2x1000x128xf32, #tpu.memory_space<vmem>>, vector<1x1x1000x1xf32>
    %get3A_65 = vector.shape_cast %get3A_64 : vector<1x1x1000x1xf32> to vector<1000x1xf32>
    %get3A_66 = arith.constant 1 : index
    %get3A_67 = arith.constant 1 : index
    %get3A_68 = arith.constant 0 : index
    %get3A_69 = arith.constant 0 : index
    %get3A_70 = vector.load %arg3[%get3A_66, %get3A_67, %get3A_68, %get3A_69] : memref<3x2x1000x128xf32, #tpu.memory_space<vmem>>, vector<1x1x1000x1xf32>
    %get3A_71 = vector.shape_cast %get3A_70 : vector<1x1x1000x1xf32> to vector<1000x1xf32>
    %add3A_72 = arith.addf %get3A_65, %get3A_71 : vector<1000x1xf32>
    %max3A_73 = arith.constant 1.000000e+00 : f32
    %max3A_74 = vector.broadcast %max3A_73 : f32 to vector<1000x1xf32>
    %max3A_75 = arith.maximumf %add3A_72, %max3A_74 : vector<1000x1xf32>
    %div3A_76 = vector.broadcast %max3A_75 : vector<1000x1xf32> to vector<1000x128xf32>
    %div3A_77 = arith.divf %add3A_59, %div3A_76 : vector<1000x128xf32>
    %get3A_78 = arith.constant 1 : index
    %get3A_79 = arith.constant 0 : index
    %get3A_80 = arith.constant 0 : index
    %get3A_81 = vector.load %arg4[%get3A_78, %get3A_79, %get3A_80] : memref<3x128x128xf32, #tpu.memory_space<vmem>>, vector<1x128x128xf32>
    %get3A_82 = vector.shape_cast %get3A_81 : vector<1x128x128xf32> to vector<128x128xf32>
    %dot_general3A_83 = arith.constant dense<0.000000e+00> : vector<1000x128xf32>
    %dot_general3A_84 = tpu.matmul %div3A_77, %get3A_82, %dot_general3A_83 {dimension_numbers = #tpu.dot_dimension_numbers<[1], [0], [0], [1], [0, 0, 1, 1], [], []>, precision = #tpu.contract_precision<fp32>, transpose_lhs_hint = false} : vector<1000x128xf32>, vector<128x128xf32>, vector<1000x128xf32> -> vector<1000x128xf32>
    %add3A_85 = arith.addf %add3A_46, %dot_general3A_84 : vector<1000x128xf32>
    %get3A_86 = arith.constant 2 : index
    %get3A_87 = arith.constant 0 : index
    %get3A_88 = arith.constant 0 : index
    %get3A_89 = arith.constant 0 : index
    %get3A_90 = vector.load %arg2[%get3A_86, %get3A_87, %get3A_88, %get3A_89] : memref<3x2x1000x128xf32, #tpu.memory_space<vmem>>, vector<1x1x1000x128xf32>
    %get3A_91 = vector.shape_cast %get3A_90 : vector<1x1x1000x128xf32> to vector<1000x128xf32>
    %get3A_92 = arith.constant 2 : index
    %get3A_93 = arith.constant 1 : index
    %get3A_94 = arith.constant 0 : index
    %get3A_95 = arith.constant 0 : index
    %get3A_96 = vector.load %arg2[%get3A_92, %get3A_93, %get3A_94, %get3A_95] : memref<3x2x1000x128xf32, #tpu.memory_space<vmem>>, vector<1x1x1000x128xf32>
    %get3A_97 = vector.shape_cast %get3A_96 : vector<1x1x1000x128xf32> to vector<1000x128xf32>
    %add3A_98 = arith.addf %get3A_91, %get3A_97 : vector<1000x128xf32>
    %get3A_99 = arith.constant 2 : index
    %get3A_100 = arith.constant 0 : index
    %get3A_101 = arith.constant 0 : index
    %get3A_102 = arith.constant 0 : index
    %get3A_103 = vector.load %arg3[%get3A_99, %get3A_100, %get3A_101, %get3A_102] : memref<3x2x1000x128xf32, #tpu.memory_space<vmem>>, vector<1x1x1000x1xf32>
    %get3A_104 = vector.shape_cast %get3A_103 : vector<1x1x1000x1xf32> to vector<1000x1xf32>
    %get3A_105 = arith.constant 2 : index
    %get3A_106 = arith.constant 1 : index
    %get3A_107 = arith.constant 0 : index
    %get3A_108 = arith.constant 0 : index
    %get3A_109 = vector.load %arg3[%get3A_105, %get3A_106, %get3A_107, %get3A_108] : memref<3x2x1000x128xf32, #tpu.memory_space<vmem>>, vector<1x1x1000x1xf32>
    %get3A_110 = vector.shape_cast %get3A_109 : vector<1x1x1000x1xf32> to vector<1000x1xf32>
    %add3A_111 = arith.addf %get3A_104, %get3A_110 : vector<1000x1xf32>
    %max3A_112 = arith.constant 1.000000e+00 : f32
    %max3A_113 = vector.broadcast %max3A_112 : f32 to vector<1000x1xf32>
    %max3A_114 = arith.maximumf %add3A_111, %max3A_113 : vector<1000x1xf32>
    %div3A_115 = vector.broadcast %max3A_114 : vector<1000x1xf32> to vector<1000x128xf32>
    %div3A_116 = arith.divf %add3A_98, %div3A_115 : vector<1000x128xf32>
    %get3A_117 = arith.constant 2 : index
    %get3A_118 = arith.constant 0 : index
    %get3A_119 = arith.constant 0 : index
    %get3A_120 = vector.load %arg4[%get3A_117, %get3A_118, %get3A_119] : memref<3x128x128xf32, #tpu.memory_space<vmem>>, vector<1x128x128xf32>
    %get3A_121 = vector.shape_cast %get3A_120 : vector<1x128x128xf32> to vector<128x128xf32>
    %dot_general3A_122 = arith.constant dense<0.000000e+00> : vector<1000x128xf32>
    %dot_general3A_123 = tpu.matmul %div3A_116, %get3A_121, %dot_general3A_122 {dimension_numbers = #tpu.dot_dimension_numbers<[1], [0], [0], [1], [0, 0, 1, 1], [], []>, precision = #tpu.contract_precision<fp32>, transpose_lhs_hint = false} : vector<1000x128xf32>, vector<128x128xf32>, vector<1000x128xf32> -> vector<1000x128xf32>
    %add3A_124 = arith.addf %add3A_85, %dot_general3A_123 : vector<1000x128xf32>
    %swap3A = arith.constant 0 : index
    %swap3A_125 = arith.constant 0 : index
    %swap3A_126 = vector.load %arg7[%swap3A, %swap3A_125] : memref<1000x128xf32, #tpu.memory_space<vmem>>, vector<1000x128xf32>
    tpu.vector_store %arg7[%swap3A, %swap3A_125], %add3A_124 {strides = array<i32>} : memref<1000x128xf32, #tpu.memory_space<vmem>>, vector<1000x128xf32>,
    return
  }
  func.func @transform_0(%arg0: i32) -> (i32, i32) {
    %c0_i32 = arith.constant 0 : i32
    %c0_i32_0 = arith.constant 0 : i32
    return %arg0, %c0_i32 : i32, i32
  }
  func.func @transform_1(%arg0: i32) -> (i32, i32, i32, i32) {
    %c0_i32 = arith.constant 0 : i32
    %c0_i32_0 = arith.constant 0 : i32
    %c0_i32_1 = arith.constant 0 : i32
    %c0_i32_2 = arith.constant 0 : i32
    return %c0_i32, %c0_i32_0, %arg0, %c0_i32_1 : i32, i32, i32, i32
  }
  func.func @transform_2(%arg0: i32) -> (i32, i32, i32, i32) {
    %c0_i32 = arith.constant 0 : i32
    %c0_i32_0 = arith.constant 0 : i32
    %c0_i32_1 = arith.constant 0 : i32
    %c0_i32_2 = arith.constant 0 : i32
    return %c0_i32, %c0_i32_0, %arg0, %c0_i32_1 : i32, i32, i32, i32
  }
  func.func @transform_3(%arg0: i32) -> (i32, i32, i32) {
    %c0_i32 = arith.constant 0 : i32
    %c0_i32_0 = arith.constant 0 : i32
    %c0_i32_1 = arith.constant 0 : i32
    %c0_i32_2 = arith.constant 0 : i32
    return %c0_i32, %c0_i32_0, %c0_i32_1 : i32, i32, i32
  }
  func.func @transform_4(%arg0: i32) -> (i32, i32) {
    %c0_i32 = arith.constant 0 : i32
    %c0_i32_0 = arith.constant 0 : i32
    %c0_i32_1 = arith.constant 0 : i32
    return %c0_i32, %c0_i32_0 : i32, i32
  }
  func.func @transform_5(%arg0: i32) -> (i32, i32) {
    %c0_i32 = arith.constant 0 : i32
    %c0_i32_0 = arith.constant 0 : i32
    %c0_i32_1 = arith.constant 0 : i32
    return %c0_i32, %c0_i32_0 : i32, i32
  }
  func.func @transform_6(%arg0: i32) -> (i32, i32) {
    %c0_i32 = arith.constant 0 : i32
    %c0_i32_0 = arith.constant 0 : i32
    return %arg0, %c0_i32 : i32, i32
  }
}

</mosaic_0001>

<sc_bundles>
// kernel: kernel.5.cloned.1.call-start
scs
__scs_entry_jumppad:
0x0: {  	(pc) =	sbr.rel $0x88, $3  }
0x1: {  	(tag) =	ssettag $0x0;
	lr =	simm.s32 $0x1  }
0x2: {  	[smem:$0x3F96] =	sst lr;
	_ =	strace $0xD0000000  }
0x3: {  	_ = 	snop  }
0x4: {  	_ = 	snop  }
0x5: {  	_ = 	snop  }
0x6: {  	_ = 	snop  }
0x7: {  	_ = 	snop  }
__scs_overlays_trampoline_lowered:
0x8: {  	[smem:$0x3FA5] =	sst s0  }
0x9: {  	[smem:$0x3FA6] =	sst s1  }
0xa: {  	[smem:$0x3FA7] =	sst s2  }
0xb: {  	[smem:$0x3FA8] =	sst s3  }
0xc: {  	[smem:$0x3FA9] =	sst s4  }
0xd: {  	[smem:$0x3FAA] =	sst s5  }
0xe: {  	[smem:$0x3FAB] =	sst s6  }
0xf: {  	[smem:$0x3FAC] =	sst s7  }
0x10: {  	[smem:$0x3FAD] =	sst s8  }
0x11: {  	[smem:$0x3FAE] =	sst s9;
	s0 =	simm.s32 @!p0 $0x0  }
0x12: {  	s1 =	sld [smem:$0x3F94];
	s0 =	simm.s32 @p0 $0x1  }
0x13: {  	[smem:$0x3FAF] =	sst s0;
	s0 =	simm.s32 @!p1 $0x0  }
0x14: {  	s2 =	sld [smem:$0x3F93];
	s0 =	simm.s32 @p1 $0x1  }
0x15: {  	[smem:$0x3FB0] =	sst s0;
	s0 =	simm.s32 @!p2 $0x0  }
0x16: {  	s3 =	sld [smem:$0x3FDB];
	s0 =	simm.s32 @p2 $0x1  }
0x17: {  	s4 =	simm.s32 $0x1BF5;
	[smem:$0x3FB2] =	sst s0  }
0x18: {  	s0 =	sld [smem:$0x3F95];
	_ =	swait.ge [sflag:s4], $0x0  }
0x19: {  	s7 =	sld [smem:$0x3F96]  }
0x1a: {  	s8 =	sadd.s32 $0xFFFFE003, lr  }
0x1b: {  	s9 =	sadd.s32 $0xFFFFFEF7, lr;
	s5 =	simm.s32 $0xFFFFFFFF;
	p2 =	slt.u32 s8, $0xFFFFF086  }
0x1c: {  	p1 =	slt.u32 s9, $0xF7A;
	s5 =	simm.s32 @!p2 $0x0  }
0x1d: {  	s5 =	simm.s32 @p1 $0x1;
	p0 =	seq.s32 s7, s2  }
0x1e: {  	s7 =	smul.u32 @!p0 $0xF7A, s2;
	p2 =	seq.s32 @!p0 s5, $0x0  }
0x1f: {  	s9 =	smul.u32 $0xF7A, s1;
	s8 =	simm.s32 @!p0 $0x1BF5;
	p2 =	por !p2, p0  }
0x20: {  	[sflag:s8] =	ssyncset.s32 @!p0 $0xFFFFF086;
	s6 =	sadd.s32 @!p0 s3, s7;
	s7 =	simm.s32 @!p0 $0x108  }
0x21: {  	s3 =	sadd.s32 s3, s9;
	s6 =	sadd.s32 @!p0 $0x88, s6;
	s7 =	simm.s32 @p2 $0x1082  }
0x22: {  	[simem:s7], [sflag:s8] =	dma.local @!p0 [hbm:s6], $0xF7A  }
0x23: {  	s9 =	sor.u32 $0xD0000000, s2;
	s6 =	simm.s32 $0x108;
	_ =	swait.ge @!p0 [sflag:s8], $0x0  }
0x24: {  	s3 =	sadd.s32 $0x88, s3;
	s6 =	simm.s32 @!p1 $0x1082;
	[sflag:s4] =	ssyncset.s32 $0xFFFFF086  }
0x25: {  	[simem:s6], [sflag:s4] =	dma.local [hbm:s3], $0xF7A  }
0x26: {  	[smem:$0x3F96] =	sst s1;
	(tag) =	ssettag s2;
	_ =	strace s9  }
0x27: {  	s1 =	sld [smem:$0x3FA6]  }
0x28: {  	s2 =	sld [smem:$0x3FA7]  }
0x29: {  	s4 =	sld [smem:$0x3FA9]  }
0x2a: {  	p0 =	seq.s32 s5, $0x0;
	s5 =	sld [smem:$0x3FAA]  }
0x2b: {  	s6 =	sld [smem:$0x3FAB]  }
0x2c: {  	s7 =	sld [smem:$0x3FAC]  }
0x2d: {  	s3 =	simm.s32 $0x108;
	s8 =	sld [smem:$0x3FAD]  }
0x2e: {  	s3 =	simm.s32 @!p0 $0x1082;
	s9 =	sld [smem:$0x3FAE]  }
0x2f: {  	lr =	sadd.s32 s0, s3;
	s0 =	sld [smem:$0x3FA5]  }
0x30: {  	s3 =	sld [smem:$0x3FA8]  }
0x31: {  	[smem:$0x3FB1] =	sst s10  }
0x32: {  	s10 =	sld [smem:$0x3FAF];
	_ =	sdelay $0x3  }
0x33: {  	p0 =	seq.s32 s10, $0x1;
	s10 =	sld [smem:$0x3FB1];
	_ =	sdelay $0x3  }
0x34: {  	[smem:$0x3FB1] =	sst s10  }
0x35: {  	s10 =	sld [smem:$0x3FB0];
	_ =	sdelay $0x3  }
0x36: {  	p1 =	seq.s32 s10, $0x1;
	s10 =	sld [smem:$0x3FB1];
	_ =	sdelay $0x3  }
0x37: {  	[smem:$0x3FB1] =	sst s10  }
0x38: {  	s10 =	sld [smem:$0x3FB2]  }
0x39: {  	_ = 	snop;
	(pc) =	sbr.ind lr, $3  }
0x3a: {  	_ = 	snop  }
0x3b: {  	_ = 	snop  }
0x3c: {  	p2 =	seq.s32 s10, $0x1;
	s10 =	sld [smem:$0x3FB1]  }
0x3d: {  	_ =	shalt  }
0x3e: {  	_ =	shalt  }
0x3f: {  	_ =	shalt  }
0x40: {  	_ =	shalt  }
0x41: {  	_ =	shalt  }
0x42: {  	_ =	shalt  }
0x43: {  	_ =	shalt  }
0x44: {  	_ =	shalt  }
0x45: {  	_ =	shalt  }
0x46: {  	_ =	shalt  }
0x47: {  	_ =	shalt  }
0x48: {  	_ =	shalt  }
0x49: {  	_ =	shalt  }
0x4a: {  	_ =	shalt  }
0x4b: {  	_ =	shalt  }
0x4c: {  	_ =	shalt  }
0x4d: {  	_ =	shalt  }
0x4e: {  	_ =	shalt  }
0x4f: {  	_ =	shalt  }
0x50: {  	_ =	shalt  }
0x51: {  	_ =	shalt  }
0x52: {  	_ =	shalt  }
0x53: {  	_ =	shalt  }
0x54: {  	_ =	shalt  }
0x55: {  	_ =	shalt  }
0x56: {  	_ =	shalt  }
0x57: {  	_ =	shalt  }
0x58: {  	_ =	shalt  }
0x59: {  	_ =	shalt  }
0x5a: {  	_ =	shalt  }
0x5b: {  	_ =	shalt  }
0x5c: {  	_ =	shalt  }
0x5d: {  	_ =	shalt  }
0x5e: {  	_ =	shalt  }
0x5f: {  	_ =	shalt  }
0x60: {  	_ =	shalt  }
0x61: {  	_ =	shalt  }
0x62: {  	_ =	shalt  }
0x63: {  	_ =	shalt  }
0x64: {  	_ =	shalt  }
0x65: {  	_ =	shalt  }
0x66: {  	_ =	shalt  }
0x67: {  	_ =	shalt  }
0x68: {  	_ =	shalt  }
0x69: {  	_ =	shalt  }
0x6a: {  	_ =	shalt  }
0x6b: {  	_ =	shalt  }
0x6c: {  	_ =	shalt  }
0x6d: {  	_ =	shalt  }
0x6e: {  	_ =	shalt  }
0x6f: {  	_ =	shalt  }
0x70: {  	_ =	shalt  }
0x71: {  	_ =	shalt  }
0x72: {  	_ =	shalt  }
0x73: {  	_ =	shalt  }
0x74: {  	_ =	shalt  }
0x75: {  	_ =	shalt  }
0x76: {  	_ =	shalt  }
0x77: {  	_ =	shalt  }
0x78: {  	_ =	shalt  }
0x79: {  	_ =	shalt  }
0x7a: {  	_ =	shalt  }
0x7b: {  	_ =	shalt  }
0x7c: {  	_ =	shalt  }
0x7d: {  	_ =	shalt  }
0x7e: {  	_ =	shalt  }
0x7f: {  	_ =	shalt  }
0x80: {  	_ =	shalt  }
0x81: {  	_ =	shalt  }
0x82: {  	_ =	shalt  }
0x83: {  	_ =	shalt  }
0x84: {  	_ =	shalt  }
0x85: {  	_ =	shalt  }
0x86: {  	_ =	shalt  }
0x87: {  	_ =	shalt  }
.Lfunc_end0:
.L_simem_size_0:
called_computation_lowered:
.L_overlay_start_0:
0x88: {  	s2 =	sld [smem:$0x3FD9]  }
0x89: {  	s3 =	sld [smem:$0x3FFE];
	_ =	sdelay $0x1  }
0x8a: {  	s1 =	srdreg.scid  }
0x8b: {  	s0 =	sand.u32 $0x1, s1  }
0x8c: {  	s17 =	sshll.u32 s0, $0xA;
	s2 =	sadd.s32 s3, s2  }
0x8d: {  	s2 =	sadd.s32 s2, s17  }
0x8e: {  	[smem:$0x3FBD] =	sst s2  }
0x8f: {  	_ = 	snop  }
0x90: {  	s2 =	sld [smem:$0x3FC9]  }
0x91: {  	s18 =	sld [smem:$0x3FD0];
	(tm) =	ssettm $0x1  }
0x92: {  	s4 =	sld [smem:$0x3FFB];
	_ =	sdelay $0x3  }
0x93: {  	_ =	strace s4  }
0x94: {  	s4 =	sld [smem:$0x3FFC];
	_ =	sdelay $0x3  }
0x95: {  	_ =	strace s4  }
0x96: {  	s4 =	sld [smem:$0x3FFD];
	_ =	sdelay $0x3  }
0x97: {  	_ =	strace s4  }
0x98: {  	_ =	strace $0x8FFFFFFF  }
0x99: {  	s19 =	sld [smem:$0x3FDB];
	_ =	sdelay $0x1  }
0x9a: {  	s5 =	simm.s32 $_scs_section_size  }
0x9b: {  	s6 =	simm.s32 $_size__tile_overlayer_lowered;
	s7 =	simm.s32 $_tile_overlayer_lowered  }
0x9c: {  	s22 =	simm.s32 $0x1BFF;
	s21 =	sshll.u32 s7, $0x1;
	s4 =	sadd.s32 s5, s19  }
0x9d: {  	s8 =	simm.s32 $0x0;
	s20 =	sshll.u32 s6, $0x1;
	s6 =	sadd.s32 s21, s4  }
0x9e: {  	[timem:s8], [sflag:s22] =	dma.local [hbm:s6], s20  }
0x9f: {  	_ =	swait.ge [sflag:s22], s20  }
0xa0: {  	s5 =	ssub.s32 $0x0, s20;
	[sflag:s22] =	ssyncset.done $0x0  }
0xa1: {  	[sflag:s22] =	ssyncadd.s32 s5;
	_ =	sdelay $0x1  }
0xa2: {  	s23 =	simm.s32 $0x1B8B  }
0xa3: {  	_ =	swait.ge [sflag:s23], $0x1  }
0xa4: {  	[sflag:s23] =	ssyncset.done $0x0  }
0xa5: {  	s25 =	simm.s32 $0x1B8E;
	s24 =	sld [smem:$0x3FFE];
	[sflag:s23] =	ssyncadd.s32 $0xFFFFFFFF  }
0xa6: {  	s26 =	simm.s32 $execute0_lowered;
	[smem:$0x3FD2] =	sst s25  }
0xa7: {  	s6 =	sshll.u32 s26, $0x1;
	_ =	strace $0x80000046;
	[dreg:$0x1] =	wrdreg $0xFFFFFFFF  }
0xa8: {  	s28 =	simm.s32 $_size_execute0_lowered;
	s4 =	sadd.s32 s4, s6;
	[dreg:$0x0] =	wrdreg $0x0  }
0xa9: {  	s6 =	sshll.u32 s28, $0x1;
	[dreg:$0x2] =	wrdreg s4  }
0xaa: {  	[dreg:$0x3] =	wrdreg s6  }
0xab: {  	[dreg:$0x4] =	wrdreg $0xC0  }
0xac: {  	_ =	task [dreg:s8], $0x5FFFF  }
0xad: {  	[dreg:$0x1] =	wrdreg $0xFFFFFFFF  }
0xae: {  	[dreg:$0x0] =	wrdreg $0x60  }
0xaf: {  	[dreg:$0x2] =	wrdreg s2  }
0xb0: {  	[dreg:$0x3] =	wrdreg s18  }
0xb1: {  	[dreg:$0x4] =	wrdreg s24  }
0xb2: {  	[dreg:$0x5] =	wrdreg $0x0  }
0xb3: {  	[dreg:$0x6] =	wrdreg $0x9  }
0xb4: {  	_ =	task.clear_ibuf [dreg:s8], $0x7FFFF;
	_ =	strace $0x90000046  }
0xb5: {  	s29 =	simm.s32 $0x9;
	_ =	strace $0x80000048  }
0xb6: {  	_ =	swait.ge [sflag:s29], $0x1  }
0xb7: {  	[sflag:s29] =	ssyncadd.s32 $0xFFFFFFFF  }
0xb8: {  	_ =	strace $0x90000048  }
0xb9: {  	_ =	sfence  }
0xba: {  	s30 =	sld [smem:$0x0];
	_ =	sdelay $0x2  }
0xbb: {  	s31 =	sshll.u32 s1, $0xD;
	s1 =	sshrl.u32 s1, $0x2  }
0xbc: {  	s3 =	sand.u32 $0x4000, s31;
	s1 =	sadd.s32 s1, s30  }
0xbd: {  	s0 =	sor.u32 s3, s0;
	s1 =	sshll.u32 s1, $0x11  }
0xbe: {  	s0 =	sor.u32 s1, s0  }
0xbf: {  	s0 =	sadd.s32 $0x8F2B, s0  }
0xc0: {  	[sflag:s0] =	ssyncadd.remote.s32 $0x1  }
0xc1: {  	_ =	sfence.sel $0xFFFF  }
0xc2: {  	[dreg:$0x0] =	wrdreg $0xFFFFFFFF;
	(pc) =	sbr.abs _section_cstart, $3  }
0xc3: {  	[dreg:$0x1] =	wrdreg $0xFFFFFFFF  }
0xc4: {  	_ =	task.clear_ibuf [dreg:s8], $0x2FFFF;
	_ =	strace $0x9FFFFFFF  }
0xc5: {  	(tm) =	ssettm $0x7FFFFFFF  }
tec
execute0_lowered:
.L_overlay_start_1:
0x0: {  	(tag) =	ssettag $0x1  }
0x1: {  	s1 =	rddreg [dreg:$0x0]  }
0x2: {  	s0 =	rddreg [dreg:$0x1]  }
0x3: {  	s4 =	rddreg [dreg:$0x2];
	s21 =	stileid.u32  }
0x4: {  	s2 =	rddreg [dreg:$0x3];
	s6 =	smul.u32 $0x50000, s21  }
0x5: {  	s3 =	simm.s32 $0x0;
	s5 =	srdreg.scid;
	s10 =	smul.u32 $0x14000, s21  }
0x6: {  	[smem:$0x7FF] =	sst s3;
	s7 =	sand.u32 $0x1, s5;
	s21 =	smul.u32 $0x4F0, s21  }
0x7: {  	s5 =	sadd.s32 $0x20000, s4;
	s16 =	smul.u32 $0x4F00, s7;
	s8 =	ssub.s32 $0x2, s7  }
0x8: {  	_ =	strace $0x80000047;
	s14 =	smul.u32 $0x140000, s7;
	s9 =	sshrl.u32 s8, $0x1  }
0x9: {  	s6 =	sshrl.u32 s6, $0x2;
	s11 =	sadd.s32 $0x4000, s10;
	s13 =	sadd.s32 $0x8000, s10  }
0xa: {  	s15 =	sadd.s32 $0xC000, s10;
	s19 =	sadd.s32 $0x10000, s10;
	s17 =	sadd.s32 s16, s4  }
0xb: {  	s4 =	sadd.s32 $0x20800, s4;
	s18 =	ssub.s32 s8, s9;
	s7 =	sadd.s32 s11, s2  }
0xc: {  	s8 =	sadd.s32 s13, s2;
	s9 =	sadd.s32 s15, s2;
	s12 =	sadd.s32 s10, s14  }
0xd: {  	s11 =	sadd.s32 s14, s11;
	s10 =	sadd.s32 s19, s2;
	s13 =	sadd.s32 s14, s13  }
0xe: {  	s15 =	sadd.s32 s14, s15;
	s14 =	sadd.s32 s14, s19;
	s12 =	sshrl.u32 s12, $0x3  }
0xf: {  	s20 =	sshrl.u32 s11, $0x3;
	s13 =	sshrl.u32 s13, $0x3;
	s15 =	sshrl.u32 s15, $0x3  }
0x10: {  	s19 =	sshrl.u32 s14, $0x3;
	s18 =	smax.u32 s18, $0x1;
	s31 =	sadd.s32 s4, s12  }
0x11: {  	s12 =	sadd.s32 s4, s20;
	s14 =	sadd.s32 s4, s15;
	[dreg:$0xb] =	wrdreg s18  }
0x12: {  	s15 =	sadd.s32 s4, s19;
	s19 =	sadd.s32 $0x50000, s31;
	[dreg:$0x5] =	wrdreg s31  }
0x13: {  	s13 =	sadd.s32 s4, s13;
	s20 =	sadd.s32 $0x50000, s12;
	[dreg:$0x6] =	wrdreg s19  }
0x14: {  	s6 =	sadd.s32 s6, s2;
	s23 =	sadd.s32 $0x50000, s13;
	[dreg:$0x7] =	wrdreg s20  }
0x15: {  	s0 =	sadd.s32 s16, s0;
	s24 =	sadd.s32 $0x50000, s14;
	[dreg:$0x8] =	wrdreg s23  }
0x16: {  	s16 =	simm.s32 $0x14100;
	s25 =	sadd.s32 $0x50000, s15;
	[dreg:$0x9] =	wrdreg s24  }
0x17: {  	s17 =	sadd.s32 s21, s17;
	s26 =	sadd.s32 $0xA0000, s31;
	[dreg:$0xa] =	wrdreg s25  }
0x18: {  	s22 =	sadd.s32 $0x2600, s17;
	s28 =	sadd.s32 $0xA0000, s12;
	[dreg:$0xc] =	wrdreg s26  }
0x19: {  	s18 =	simm.s32 $0x14000;
	s29 =	sadd.s32 $0xA0000, s13;
	[dreg:$0xd] =	wrdreg s28  }
0x1a: {  	s30 =	sadd.s32 $0xA0000, s14;
	s31 =	sadd.s32 $0xA0000, s15;
	[dreg:$0xe] =	wrdreg s29  }
0x1b: {  	s23 =	sadd.s32 s21, s0;
	s24 =	sadd.s32 $0xC400, s17;
	[dreg:$0xf] =	wrdreg s30  }
0x1c: {  	s25 =	sadd.s32 $0x16200, s17;
	[dreg:$0x10] =	wrdreg s31;
	s17 =	simm.s32 $0x2  }
0x1d: {  	s19 =	simm.s32 $0x14080;
	s20 =	simm.s32 $0x80;
	s21 =	simm.s32 $0x1  }
0x1e: {  	s26 =	simm.s32 $0x0;
	s0 =	sadd.s32 $0x9E00, s23;
	s4 =	sadd.s32 $0x13C00, s23  }
.LBB2_1:
0x1f: {  	[tilespmem:s16], [sflag:$0x2] =	stream.linear.gather [hbm4b:s5+s3], $0x4000, $0x38;
	[tilespmem:$0x18100] =	vst v63  }
0x20: {  	_ =	swait.ge [sflag:s17], $0x4000  }
0x21: {  	[sflag:s17] =	ssyncset.done $0x0  }
0x22: {  	[sflag:s17] =	ssyncadd.s32 $0xFFFFC000  }
0x23: {  	[spmem:s6] =	stream.linear.scatter [tilespmem:s16], [sflag:$0x2], $0x4000, $0x38;
	[tilespmem:$0x18100] =	vst v63  }
0x24: {  	_ =	swait.ge [sflag:s17], $0x4000  }
0x25: {  	[sflag:s17] =	ssyncset.done $0x0  }
0x26: {  	[sflag:s17] =	ssyncadd.s32 $0xFFFFC000  }
0x27: {  	[spmem:s7] =	stream.linear.scatter [tilespmem:s16], [sflag:$0x2], $0x4000, $0x38;
	[tilespmem:$0x18100] =	vst v63  }
0x28: {  	_ =	swait.ge [sflag:s17], $0x4000  }
0x29: {  	[sflag:s17] =	ssyncset.done $0x0  }
0x2a: {  	[sflag:s17] =	ssyncadd.s32 $0xFFFFC000  }
0x2b: {  	[spmem:s8] =	stream.linear.scatter [tilespmem:s16], [sflag:$0x2], $0x4000, $0x38;
	[tilespmem:$0x18100] =	vst v63  }
0x2c: {  	_ =	swait.ge [sflag:s17], $0x4000  }
0x2d: {  	[sflag:s17] =	ssyncset.done $0x0  }
0x2e: {  	[sflag:s17] =	ssyncadd.s32 $0xFFFFC000  }
0x2f: {  	[spmem:s9] =	stream.linear.scatter [tilespmem:s16], [sflag:$0x2], $0x4000, $0x38;
	[tilespmem:$0x18100] =	vst v63  }
0x30: {  	_ =	swait.ge [sflag:s17], $0x4000  }
0x31: {  	[sflag:s17] =	ssyncset.done $0x0  }
0x32: {  	[sflag:s17] =	ssyncadd.s32 $0xFFFFC000  }
0x33: {  	[spmem:s10] =	stream.linear.scatter [tilespmem:s16], [sflag:$0x2], $0x4000, $0x38;
	[tilespmem:$0x18100] =	vst v63  }
0x34: {  	_ =	swait.ge [sflag:s17], $0x4000  }
0x35: {  	[sflag:s17] =	ssyncset.done $0x0  }
0x36: {  	[sflag:s17] =	ssyncadd.s32 $0xFFFFC000  }
0x37: {  	s28 =	sadd.s32 $0x0, s23;
	[bflag:$0x0] =	sbarrier.arrive $0xFFFF  }
0x38: {  	[tilespmem:s18], [sflag:$0x2] =	stream.linear.gather [hbm4b:s28+s3], $0x80, $0x38;
	[tilespmem:$0x18100] =	vst v63  }
0x39: {  	_ =	swait.ge [sflag:s17], $0x80  }
0x3a: {  	[sflag:s17] =	ssyncset.done $0x0  }
0x3b: {  	s28 =	sadd.s32 $0x0, s22;
	[sflag:s17] =	ssyncadd.s32 $0xFFFFFF80  }
0x3c: {  	[tilespmem:s19], [sflag:$0x2] =	stream.linear.gather [hbm4b:s28+s3], $0x80, $0x38;
	[tilespmem:$0x18100] =	vst v63  }
0x3d: {  	_ =	swait.ge [sflag:s17], $0x80  }
0x3e: {  	[sflag:s17] =	ssyncset.done $0x0  }
0x3f: {  	[sflag:s17] =	ssyncadd.s32 $0xFFFFFF80  }
0x40: {  	[tilespmem:s16], [sflag:$0x1] =	stream.indirect.gather [hbm4b:s1+s20], $0x80, s18, s20, $0xb8;
	[tilespmem:$0x18100] =	vst v63  }
0x41: {  	_ =	swait.ge [sflag:s21], $0x4000  }
0x42: {  	[sflag:s21] =	ssyncset.done $0x0  }
0x43: {  	[sflag:s21] =	ssyncadd.s32 $0xFFFFC000  }
0x44: {  	[spmem:s2] =	stream.indirect.scatter.add.f32 [tilespmem:s16], [sflag:$0x2], $0x80, s19, s20, $0xb8;
	[tilespmem:$0x18100] =	vst v63  }
0x45: {  	_ =	swait.ge [sflag:s17], $0x4000  }
0x46: {  	s29 =	simm.s32 $0x20;
	s28 =	simm.s32 $0x10;
	[sflag:s17] =	ssyncset.done $0x0  }
.LBB2_2:
0x47: {  	s30 =	sadd.s32 s28, s23  }
0x48: {  	[sflag:s17] =	ssyncadd.s32 $0xFFFFC000;
	s31 =	smov.u32 s29;
	s11 =	sadd.s32 $0x10, s29  }
0x49: {  	[tilespmem:s18], [sflag:$0x2] =	stream.linear.gather [hbm4b:s30+s3], $0x80, $0x38;
	[tilespmem:$0x18100] =	vst v63  }
0x4a: {  	p0 =	sne.s32 s29, $0x4E0;
	_ =	swait.ge [sflag:s17], $0x80  }
0x4b: {  	[sflag:s17] =	ssyncset.done $0x0  }
0x4c: {  	s29 =	sadd.s32 s28, s22;
	s28 =	smov.u32 s31;
	[sflag:s17] =	ssyncadd.s32 $0xFFFFFF80  }
0x4d: {  	[tilespmem:s19], [sflag:$0x2] =	stream.linear.gather [hbm4b:s29+s3], $0x80, $0x38;
	[tilespmem:$0x18100] =	vst v63  }
0x4e: {  	_ =	swait.ge [sflag:s17], $0x80  }
0x4f: {  	[sflag:s17] =	ssyncset.done $0x0  }
0x50: {  	[sflag:s17] =	ssyncadd.s32 $0xFFFFFF80  }
0x51: {  	[tilespmem:s16], [sflag:$0x1] =	stream.indirect.gather [hbm4b:s1+s20], $0x80, s18, s20, $0xb8;
	[tilespmem:$0x18100] =	vst v63  }
0x52: {  	_ =	swait.ge [sflag:s21], $0x4000  }
.Ltmp0:
0x53: {  	[sflag:s21] =	ssyncset.done $0x0;
	(pc) =	sbr.rel @p0 .LBB2_2-.Ltmp0, $4  }
0x54: {  	[sflag:s21] =	ssyncadd.s32 $0xFFFFC000  }
0x55: {  	[spmem:s2] =	stream.indirect.scatter.add.f32 [tilespmem:s16], [sflag:$0x2], $0x80, s19, s20, $0xb8;
	[tilespmem:$0x18100] =	vst v63  }
0x56: {  	_ =	swait.ge [sflag:s17], $0x4000  }
0x57: {  	s29 =	smov.u32 s11;
	[sflag:s17] =	ssyncset.done $0x0  }
0x58: {  	s11 =	sadd.s32 s28, s23;
	[sflag:s17] =	ssyncadd.s32 $0xFFFFC000  }
0x59: {  	[tilespmem:s18], [sflag:$0x2] =	stream.linear.gather [hbm4b:s11+s3], $0x80, $0x38;
	[tilespmem:$0x18100] =	vst v63  }
0x5a: {  	_ =	swait.ge [sflag:s17], $0x80  }
0x5b: {  	[sflag:s17] =	ssyncset.done $0x0  }
0x5c: {  	s30 =	sadd.s32 s28, s22;
	[sflag:s17] =	ssyncadd.s32 $0xFFFFFF80  }
0x5d: {  	[tilespmem:s19], [sflag:$0x2] =	stream.linear.gather [hbm4b:s30+s3], $0x80, $0x38;
	[tilespmem:$0x18100] =	vst v63  }
0x5e: {  	_ =	swait.ge [sflag:s17], $0x80  }
0x5f: {  	[sflag:s17] =	ssyncset.done $0x0  }
0x60: {  	[sflag:s17] =	ssyncadd.s32 $0xFFFFFF80  }
0x61: {  	[tilespmem:s16], [sflag:$0x1] =	stream.indirect.gather [hbm4b:s1+s20], $0x80, s18, s20, $0xb8;
	[tilespmem:$0x18100] =	vst v63  }
0x62: {  	_ =	swait.ge [sflag:s21], $0x4000  }
0x63: {  	[sflag:s21] =	ssyncset.done $0x0  }
0x64: {  	[sflag:s21] =	ssyncadd.s32 $0xFFFFC000  }
0x65: {  	[spmem:s2] =	stream.indirect.scatter.add.f32 [tilespmem:s16], [sflag:$0x2], $0x80, s19, s20, $0xb8;
	[tilespmem:$0x18100] =	vst v63  }
0x66: {  	_ =	swait.ge [sflag:s17], $0x4000  }
0x67: {  	[sflag:s17] =	ssyncset.done $0x0  }
0x68: {  	[sflag:s17] =	ssyncadd.s32 $0xFFFFC000  }
0x69: {  	[bflag:$0x0] =	sbarrier.arrive $0xFFFF  }
0x6a: {  	[tilespmem:s16], [sflag:$0x2] =	stream.linear.gather [spmem:s6], $0x4000, $0x38;
	[tilespmem:$0x18100] =	vst v63  }
0x6b: {  	_ =	swait.ge [sflag:s17], $0x4000  }
0x6c: {  	[sflag:s17] =	ssyncset.done $0x0  }
0x6d: {  	s31 =	simm.s32 $0x0;
	s28 =	rddreg [dreg:$0x5];
	[sflag:s17] =	ssyncadd.s32 $0xFFFFC000  }
0x6e: {  	[hbm4b:s28+s31] =	stream.linear.scatter [tilespmem:s16], [sflag:$0x2], $0x4000, $0x38;
	[tilespmem:$0x18100] =	vst v63  }
0x6f: {  	_ =	swait.ge [sflag:s17], $0x4000  }
0x70: {  	[sflag:s17] =	ssyncset.done $0x0  }
0x71: {  	[sflag:s17] =	ssyncadd.s32 $0xFFFFC000  }
0x72: {  	[tilespmem:s16], [sflag:$0x2] =	stream.linear.gather [spmem:s7], $0x4000, $0x38;
	[tilespmem:$0x18100] =	vst v63  }
0x73: {  	_ =	swait.ge [sflag:s17], $0x4000  }
0x74: {  	[sflag:s17] =	ssyncset.done $0x0  }
0x75: {  	[sflag:s17] =	ssyncadd.s32 $0xFFFFC000  }
0x76: {  	[hbm4b:s12+s31] =	stream.linear.scatter [tilespmem:s16], [sflag:$0x2], $0x4000, $0x38;
	[tilespmem:$0x18100] =	vst v63  }
0x77: {  	_ =	swait.ge [sflag:s17], $0x4000  }
0x78: {  	[sflag:s17] =	ssyncset.done $0x0  }
0x79: {  	[sflag:s17] =	ssyncadd.s32 $0xFFFFC000  }
0x7a: {  	[tilespmem:s16], [sflag:$0x2] =	stream.linear.gather [spmem:s8], $0x4000, $0x38;
	[tilespmem:$0x18100] =	vst v63  }
0x7b: {  	_ =	swait.ge [sflag:s17], $0x4000  }
0x7c: {  	[sflag:s17] =	ssyncset.done $0x0  }
0x7d: {  	[sflag:s17] =	ssyncadd.s32 $0xFFFFC000  }
0x7e: {  	[hbm4b:s13+s31] =	stream.linear.scatter [tilespmem:s16], [sflag:$0x2], $0x4000, $0x38;
	[tilespmem:$0x18100] =	vst v63  }
0x7f: {  	_ =	swait.ge [sflag:s17], $0x4000  }
0x80: {  	[sflag:s17] =	ssyncset.done $0x0  }
0x81: {  	[sflag:s17] =	ssyncadd.s32 $0xFFFFC000  }
0x82: {  	[tilespmem:s16], [sflag:$0x2] =	stream.linear.gather [spmem:s9], $0x4000, $0x38;
	[tilespmem:$0x18100] =	vst v63  }
0x83: {  	_ =	swait.ge [sflag:s17], $0x4000  }
0x84: {  	[sflag:s17] =	ssyncset.done $0x0  }
0x85: {  	[sflag:s17] =	ssyncadd.s32 $0xFFFFC000  }
0x86: {  	[hbm4b:s14+s31] =	stream.linear.scatter [tilespmem:s16], [sflag:$0x2], $0x4000, $0x38;
	[tilespmem:$0x18100] =	vst v63  }
0x87: {  	_ =	swait.ge [sflag:s17], $0x4000  }
0x88: {  	[sflag:s17] =	ssyncset.done $0x0  }
0x89: {  	[sflag:s17] =	ssyncadd.s32 $0xFFFFC000  }
0x8a: {  	[tilespmem:s16], [sflag:$0x2] =	stream.linear.gather [spmem:s10], $0x4000, $0x38;
	[tilespmem:$0x18100] =	vst v63  }
0x8b: {  	_ =	swait.ge [sflag:s17], $0x4000  }
0x8c: {  	[sflag:s17] =	ssyncset.done $0x0  }
0x8d: {  	[sflag:s17] =	ssyncadd.s32 $0xFFFFC000  }
0x8e: {  	[hbm4b:s15+s31] =	stream.linear.scatter [tilespmem:s16], [sflag:$0x2], $0x4000, $0x38;
	[tilespmem:$0x18100] =	vst v63  }
0x8f: {  	_ =	swait.ge [sflag:s17], $0x4000  }
0x90: {  	[sflag:s17] =	ssyncset.done $0x0  }
0x91: {  	[sflag:s17] =	ssyncadd.s32 $0xFFFFC000  }
0x92: {  	[bflag:$0x0] =	sbarrier.arrive $0xFFFF  }
0x93: {  	[tilespmem:s16], [sflag:$0x2] =	stream.linear.gather [hbm4b:s5+s31], $0x4000, $0x38;
	[tilespmem:$0x18100] =	vst v63  }
0x94: {  	_ =	swait.ge [sflag:s17], $0x4000  }
0x95: {  	[sflag:s17] =	ssyncset.done $0x0  }
0x96: {  	[sflag:s17] =	ssyncadd.s32 $0xFFFFC000  }
0x97: {  	[spmem:s6] =	stream.linear.scatter [tilespmem:s16], [sflag:$0x2], $0x4000, $0x38;
	[tilespmem:$0x18100] =	vst v63  }
0x98: {  	_ =	swait.ge [sflag:s17], $0x4000  }
0x99: {  	[sflag:s17] =	ssyncset.done $0x0  }
0x9a: {  	[sflag:s17] =	ssyncadd.s32 $0xFFFFC000  }
0x9b: {  	[spmem:s7] =	stream.linear.scatter [tilespmem:s16], [sflag:$0x2], $0x4000, $0x38;
	[tilespmem:$0x18100] =	vst v63  }
0x9c: {  	_ =	swait.ge [sflag:s17], $0x4000  }
0x9d: {  	[sflag:s17] =	ssyncset.done $0x0  }
0x9e: {  	[sflag:s17] =	ssyncadd.s32 $0xFFFFC000  }
0x9f: {  	[spmem:s8] =	stream.linear.scatter [tilespmem:s16], [sflag:$0x2], $0x4000, $0x38;
	[tilespmem:$0x18100] =	vst v63  }
0xa0: {  	_ =	swait.ge [sflag:s17], $0x4000  }
0xa1: {  	[sflag:s17] =	ssyncset.done $0x0  }
0xa2: {  	[sflag:s17] =	ssyncadd.s32 $0xFFFFC000  }
0xa3: {  	[spmem:s9] =	stream.linear.scatter [tilespmem:s16], [sflag:$0x2], $0x4000, $0x38;
	[tilespmem:$0x18100] =	vst v63  }
0xa4: {  	_ =	swait.ge [sflag:s17], $0x4000  }
0xa5: {  	[sflag:s17] =	ssyncset.done $0x0  }
0xa6: {  	[sflag:s17] =	ssyncadd.s32 $0xFFFFC000  }
0xa7: {  	[spmem:s10] =	stream.linear.scatter [tilespmem:s16], [sflag:$0x2], $0x4000, $0x38;
	[tilespmem:$0x18100] =	vst v63  }
0xa8: {  	_ =	swait.ge [sflag:s17], $0x4000  }
0xa9: {  	[sflag:s17] =	ssyncset.done $0x0  }
0xaa: {  	[sflag:s17] =	ssyncadd.s32 $0xFFFFC000  }
0xab: {  	s30 =	sadd.s32 $0x0, s0;
	[bflag:$0x0] =	sbarrier.arrive $0xFFFF  }
0xac: {  	[tilespmem:s18], [sflag:$0x2] =	stream.linear.gather [hbm4b:s30+s3], $0x80, $0x38;
	[tilespmem:$0x18100] =	vst v63  }
0xad: {  	_ =	swait.ge [sflag:s17], $0x80  }
0xae: {  	[sflag:s17] =	ssyncset.done $0x0  }
0xaf: {  	s31 =	sadd.s32 $0x0, s24;
	[sflag:s17] =	ssyncadd.s32 $0xFFFFFF80  }
0xb0: {  	[tilespmem:s19], [sflag:$0x2] =	stream.linear.gather [hbm4b:s31+s3], $0x80, $0x38;
	[tilespmem:$0x18100] =	vst v63  }
0xb1: {  	_ =	swait.ge [sflag:s17], $0x80  }
0xb2: {  	[sflag:s17] =	ssyncset.done $0x0  }
0xb3: {  	[sflag:s17] =	ssyncadd.s32 $0xFFFFFF80  }
0xb4: {  	[tilespmem:s16], [sflag:$0x1] =	stream.indirect.gather [hbm4b:s1+s20], $0x80, s18, s20, $0xb8;
	[tilespmem:$0x18100] =	vst v63  }
0xb5: {  	_ =	swait.ge [sflag:s21], $0x4000  }
0xb6: {  	[sflag:s21] =	ssyncset.done $0x0  }
0xb7: {  	[sflag:s21] =	ssyncadd.s32 $0xFFFFC000  }
0xb8: {  	[spmem:s2] =	stream.indirect.scatter.add.f32 [tilespmem:s16], [sflag:$0x2], $0x80, s19, s20, $0xb8;
	[tilespmem:$0x18100] =	vst v63  }
0xb9: {  	_ =	swait.ge [sflag:s17], $0x4000  }
0xba: {  	s29 =	simm.s32 $0x20;
	s28 =	simm.s32 $0x10;
	[sflag:s17] =	ssyncset.done $0x0  }
.LBB2_4:
0xbb: {  	s11 =	sadd.s32 s28, s0  }
0xbc: {  	[sflag:s17] =	ssyncadd.s32 $0xFFFFC000;
	s30 =	smov.u32 s29;
	s31 =	sadd.s32 $0x10, s29  }
0xbd: {  	[tilespmem:s18], [sflag:$0x2] =	stream.linear.gather [hbm4b:s11+s3], $0x80, $0x38;
	[tilespmem:$0x18100] =	vst v63  }
0xbe: {  	p0 =	sne.s32 s29, $0x4E0;
	_ =	swait.ge [sflag:s17], $0x80  }
0xbf: {  	[sflag:s17] =	ssyncset.done $0x0  }
0xc0: {  	s11 =	sadd.s32 s28, s24;
	s28 =	smov.u32 s30;
	[sflag:s17] =	ssyncadd.s32 $0xFFFFFF80  }
0xc1: {  	[tilespmem:s19], [sflag:$0x2] =	stream.linear.gather [hbm4b:s11+s3], $0x80, $0x38;
	[tilespmem:$0x18100] =	vst v63  }
0xc2: {  	_ =	swait.ge [sflag:s17], $0x80  }
0xc3: {  	[sflag:s17] =	ssyncset.done $0x0  }
0xc4: {  	[sflag:s17] =	ssyncadd.s32 $0xFFFFFF80  }
0xc5: {  	[tilespmem:s16], [sflag:$0x1] =	stream.indirect.gather [hbm4b:s1+s20], $0x80, s18, s20, $0xb8;
	[tilespmem:$0x18100] =	vst v63  }
0xc6: {  	_ =	swait.ge [sflag:s21], $0x4000  }
.Ltmp1:
0xc7: {  	[sflag:s21] =	ssyncset.done $0x0;
	(pc) =	sbr.rel @p0 .LBB2_4-.Ltmp1, $4  }
0xc8: {  	[sflag:s21] =	ssyncadd.s32 $0xFFFFC000  }
0xc9: {  	[spmem:s2] =	stream.indirect.scatter.add.f32 [tilespmem:s16], [sflag:$0x2], $0x80, s19, s20, $0xb8;
	[tilespmem:$0x18100] =	vst v63  }
0xca: {  	_ =	swait.ge [sflag:s17], $0x4000  }
0xcb: {  	s29 =	smov.u32 s31;
	[sflag:s17] =	ssyncset.done $0x0  }
0xcc: {  	s11 =	sadd.s32 s28, s0;
	[sflag:s17] =	ssyncadd.s32 $0xFFFFC000  }
0xcd: {  	[tilespmem:s18], [sflag:$0x2] =	stream.linear.gather [hbm4b:s11+s3], $0x80, $0x38;
	[tilespmem:$0x18100] =	vst v63  }
0xce: {  	_ =	swait.ge [sflag:s17], $0x80  }
0xcf: {  	[sflag:s17] =	ssyncset.done $0x0  }
0xd0: {  	s30 =	sadd.s32 s28, s24;
	[sflag:s17] =	ssyncadd.s32 $0xFFFFFF80  }
0xd1: {  	[tilespmem:s19], [sflag:$0x2] =	stream.linear.gather [hbm4b:s30+s3], $0x80, $0x38;
	[tilespmem:$0x18100] =	vst v63  }
0xd2: {  	_ =	swait.ge [sflag:s17], $0x80  }
0xd3: {  	[sflag:s17] =	ssyncset.done $0x0  }
0xd4: {  	[sflag:s17] =	ssyncadd.s32 $0xFFFFFF80  }
0xd5: {  	[tilespmem:s16], [sflag:$0x1] =	stream.indirect.gather [hbm4b:s1+s20], $0x80, s18, s20, $0xb8;
	[tilespmem:$0x18100] =	vst v63  }
0xd6: {  	_ =	swait.ge [sflag:s21], $0x4000  }
0xd7: {  	[sflag:s21] =	ssyncset.done $0x0  }
0xd8: {  	[sflag:s21] =	ssyncadd.s32 $0xFFFFC000  }
0xd9: {  	[spmem:s2] =	stream.indirect.scatter.add.f32 [tilespmem:s16], [sflag:$0x2], $0x80, s19, s20, $0xb8;
	[tilespmem:$0x18100] =	vst v63  }
0xda: {  	_ =	swait.ge [sflag:s17], $0x4000  }
0xdb: {  	[sflag:s17] =	ssyncset.done $0x0  }
0xdc: {  	[sflag:s17] =	ssyncadd.s32 $0xFFFFC000  }
0xdd: {  	[bflag:$0x0] =	sbarrier.arrive $0xFFFF  }
0xde: {  	[tilespmem:s16], [sflag:$0x2] =	stream.linear.gather [spmem:s6], $0x4000, $0x38;
	[tilespmem:$0x18100] =	vst v63  }
0xdf: {  	_ =	swait.ge [sflag:s17], $0x4000  }
0xe0: {  	[sflag:s17] =	ssyncset.done $0x0  }
0xe1: {  	s31 =	simm.s32 $0x0;
	s28 =	rddreg [dreg:$0x6];
	[sflag:s17] =	ssyncadd.s32 $0xFFFFC000  }
0xe2: {  	[hbm4b:s28+s31] =	stream.linear.scatter [tilespmem:s16], [sflag:$0x2], $0x4000, $0x38;
	[tilespmem:$0x18100] =	vst v63  }
0xe3: {  	_ =	swait.ge [sflag:s17], $0x4000  }
0xe4: {  	[sflag:s17] =	ssyncset.done $0x0  }
0xe5: {  	[sflag:s17] =	ssyncadd.s32 $0xFFFFC000  }
0xe6: {  	[tilespmem:s16], [sflag:$0x2] =	stream.linear.gather [spmem:s7], $0x4000, $0x38;
	[tilespmem:$0x18100] =	vst v63  }
0xe7: {  	_ =	swait.ge [sflag:s17], $0x4000  }
0xe8: {  	[sflag:s17] =	ssyncset.done $0x0  }
0xe9: {  	s28 =	rddreg [dreg:$0x7];
	[sflag:s17] =	ssyncadd.s32 $0xFFFFC000  }
0xea: {  	[hbm4b:s28+s31] =	stream.linear.scatter [tilespmem:s16], [sflag:$0x2], $0x4000, $0x38;
	[tilespmem:$0x18100] =	vst v63  }
0xeb: {  	_ =	swait.ge [sflag:s17], $0x4000  }
0xec: {  	[sflag:s17] =	ssyncset.done $0x0  }
0xed: {  	[sflag:s17] =	ssyncadd.s32 $0xFFFFC000  }
0xee: {  	[tilespmem:s16], [sflag:$0x2] =	stream.linear.gather [spmem:s8], $0x4000, $0x38;
	[tilespmem:$0x18100] =	vst v63  }
0xef: {  	_ =	swait.ge [sflag:s17], $0x4000  }
0xf0: {  	[sflag:s17] =	ssyncset.done $0x0  }
0xf1: {  	s28 =	rddreg [dreg:$0x8];
	[sflag:s17] =	ssyncadd.s32 $0xFFFFC000  }
0xf2: {  	[hbm4b:s28+s31] =	stream.linear.scatter [tilespmem:s16], [sflag:$0x2], $0x4000, $0x38;
	[tilespmem:$0x18100] =	vst v63  }
0xf3: {  	_ =	swait.ge [sflag:s17], $0x4000  }
0xf4: {  	[sflag:s17] =	ssyncset.done $0x0  }
0xf5: {  	[sflag:s17] =	ssyncadd.s32 $0xFFFFC000  }
0xf6: {  	[tilespmem:s16], [sflag:$0x2] =	stream.linear.gather [spmem:s9], $0x4000, $0x38;
	[tilespmem:$0x18100] =	vst v63  }
0xf7: {  	_ =	swait.ge [sflag:s17], $0x4000  }
0xf8: {  	[sflag:s17] =	ssyncset.done $0x0  }
0xf9: {  	s28 =	rddreg [dreg:$0x9];
	[sflag:s17] =	ssyncadd.s32 $0xFFFFC000  }
0xfa: {  	[hbm4b:s28+s31] =	stream.linear.scatter [tilespmem:s16], [sflag:$0x2], $0x4000, $0x38;
	[tilespmem:$0x18100] =	vst v63  }
0xfb: {  	_ =	swait.ge [sflag:s17], $0x4000  }
0xfc: {  	[sflag:s17] =	ssyncset.done $0x0  }
0xfd: {  	[sflag:s17] =	ssyncadd.s32 $0xFFFFC000  }
0xfe: {  	[tilespmem:s16], [sflag:$0x2] =	stream.linear.gather [spmem:s10], $0x4000, $0x38;
	[tilespmem:$0x18100] =	vst v63  }
0xff: {  	_ =	swait.ge [sflag:s17], $0x4000  }
0x100: {  	[sflag:s17] =	ssyncset.done $0x0  }
0x101: {  	s28 =	rddreg [dreg:$0xa];
	[sflag:s17] =	ssyncadd.s32 $0xFFFFC000  }
0x102: {  	[hbm4b:s28+s31] =	stream.linear.scatter [tilespmem:s16], [sflag:$0x2], $0x4000, $0x38;
	[tilespmem:$0x18100] =	vst v63  }
0x103: {  	_ =	swait.ge [sflag:s17], $0x4000  }
0x104: {  	[sflag:s17] =	ssyncset.done $0x0  }
0x105: {  	[sflag:s17] =	ssyncadd.s32 $0xFFFFC000  }
0x106: {  	[bflag:$0x0] =	sbarrier.arrive $0xFFFF  }
0x107: {  	[tilespmem:s16], [sflag:$0x2] =	stream.linear.gather [hbm4b:s5+s31], $0x4000, $0x38;
	[tilespmem:$0x18100] =	vst v63  }
0x108: {  	_ =	swait.ge [sflag:s17], $0x4000  }
0x109: {  	[sflag:s17] =	ssyncset.done $0x0  }
0x10a: {  	[sflag:s17] =	ssyncadd.s32 $0xFFFFC000  }
0x10b: {  	[spmem:s6] =	stream.linear.scatter [tilespmem:s16], [sflag:$0x2], $0x4000, $0x38;
	[tilespmem:$0x18100] =	vst v63  }
0x10c: {  	_ =	swait.ge [sflag:s17], $0x4000  }
0x10d: {  	[sflag:s17] =	ssyncset.done $0x0  }
0x10e: {  	[sflag:s17] =	ssyncadd.s32 $0xFFFFC000  }
0x10f: {  	[spmem:s7] =	stream.linear.scatter [tilespmem:s16], [sflag:$0x2], $0x4000, $0x38;
	[tilespmem:$0x18100] =	vst v63  }
0x110: {  	_ =	swait.ge [sflag:s17], $0x4000  }
0x111: {  	[sflag:s17] =	ssyncset.done $0x0  }
0x112: {  	[sflag:s17] =	ssyncadd.s32 $0xFFFFC000  }
0x113: {  	[spmem:s8] =	stream.linear.scatter [tilespmem:s16], [sflag:$0x2], $0x4000, $0x38;
	[tilespmem:$0x18100] =	vst v63  }
0x114: {  	_ =	swait.ge [sflag:s17], $0x4000  }
0x115: {  	[sflag:s17] =	ssyncset.done $0x0  }
0x116: {  	[sflag:s17] =	ssyncadd.s32 $0xFFFFC000  }
0x117: {  	[spmem:s9] =	stream.linear.scatter [tilespmem:s16], [sflag:$0x2], $0x4000, $0x38;
	[tilespmem:$0x18100] =	vst v63  }
0x118: {  	_ =	swait.ge [sflag:s17], $0x4000  }
0x119: {  	[sflag:s17] =	ssyncset.done $0x0  }
0x11a: {  	[sflag:s17] =	ssyncadd.s32 $0xFFFFC000  }
0x11b: {  	[spmem:s10] =	stream.linear.scatter [tilespmem:s16], [sflag:$0x2], $0x4000, $0x38;
	[tilespmem:$0x18100] =	vst v63  }
0x11c: {  	_ =	swait.ge [sflag:s17], $0x4000  }
0x11d: {  	[sflag:s17] =	ssyncset.done $0x0  }
0x11e: {  	[sflag:s17] =	ssyncadd.s32 $0xFFFFC000  }
0x11f: {  	s30 =	sadd.s32 $0x0, s4;
	[bflag:$0x0] =	sbarrier.arrive $0xFFFF  }
0x120: {  	[tilespmem:s18], [sflag:$0x2] =	stream.linear.gather [hbm4b:s30+s3], $0x80, $0x38;
	[tilespmem:$0x18100] =	vst v63  }
0x121: {  	_ =	swait.ge [sflag:s17], $0x80  }
0x122: {  	[sflag:s17] =	ssyncset.done $0x0  }
0x123: {  	s31 =	sadd.s32 $0x0, s25;
	[sflag:s17] =	ssyncadd.s32 $0xFFFFFF80  }
0x124: {  	[tilespmem:s19], [sflag:$0x2] =	stream.linear.gather [hbm4b:s31+s3], $0x80, $0x38;
	[tilespmem:$0x18100] =	vst v63  }
0x125: {  	_ =	swait.ge [sflag:s17], $0x80  }
0x126: {  	[sflag:s17] =	ssyncset.done $0x0  }
0x127: {  	[sflag:s17] =	ssyncadd.s32 $0xFFFFFF80  }
0x128: {  	[tilespmem:s16], [sflag:$0x1] =	stream.indirect.gather [hbm4b:s1+s20], $0x80, s18, s20, $0xb8;
	[tilespmem:$0x18100] =	vst v63  }
0x129: {  	_ =	swait.ge [sflag:s21], $0x4000  }
0x12a: {  	[sflag:s21] =	ssyncset.done $0x0  }
0x12b: {  	[sflag:s21] =	ssyncadd.s32 $0xFFFFC000  }
0x12c: {  	[spmem:s2] =	stream.indirect.scatter.add.f32 [tilespmem:s16], [sflag:$0x2], $0x80, s19, s20, $0xb8;
	[tilespmem:$0x18100] =	vst v63  }
0x12d: {  	_ =	swait.ge [sflag:s17], $0x4000  }
0x12e: {  	s29 =	simm.s32 $0x20;
	s28 =	simm.s32 $0x10;
	[sflag:s17] =	ssyncset.done $0x0  }
.LBB2_6:
0x12f: {  	s11 =	sadd.s32 s28, s4  }
0x130: {  	[sflag:s17] =	ssyncadd.s32 $0xFFFFC000;
	s30 =	smov.u32 s29;
	s31 =	sadd.s32 $0x10, s29  }
0x131: {  	[tilespmem:s18], [sflag:$0x2] =	stream.linear.gather [hbm4b:s11+s3], $0x80, $0x38;
	[tilespmem:$0x18100] =	vst v63  }
0x132: {  	p0 =	sne.s32 s29, $0x4E0;
	_ =	swait.ge [sflag:s17], $0x80  }
0x133: {  	[sflag:s17] =	ssyncset.done $0x0  }
0x134: {  	s11 =	sadd.s32 s28, s25;
	s28 =	smov.u32 s30;
	[sflag:s17] =	ssyncadd.s32 $0xFFFFFF80  }
0x135: {  	[tilespmem:s19], [sflag:$0x2] =	stream.linear.gather [hbm4b:s11+s3], $0x80, $0x38;
	[tilespmem:$0x18100] =	vst v63  }
0x136: {  	_ =	swait.ge [sflag:s17], $0x80  }
0x137: {  	[sflag:s17] =	ssyncset.done $0x0  }
0x138: {  	[sflag:s17] =	ssyncadd.s32 $0xFFFFFF80  }
0x139: {  	[tilespmem:s16], [sflag:$0x1] =	stream.indirect.gather [hbm4b:s1+s20], $0x80, s18, s20, $0xb8;
	[tilespmem:$0x18100] =	vst v63  }
0x13a: {  	_ =	swait.ge [sflag:s21], $0x4000  }
.Ltmp2:
0x13b: {  	[sflag:s21] =	ssyncset.done $0x0;
	(pc) =	sbr.rel @p0 .LBB2_6-.Ltmp2, $4  }
0x13c: {  	[sflag:s21] =	ssyncadd.s32 $0xFFFFC000  }
0x13d: {  	[spmem:s2] =	stream.indirect.scatter.add.f32 [tilespmem:s16], [sflag:$0x2], $0x80, s19, s20, $0xb8;
	[tilespmem:$0x18100] =	vst v63  }
0x13e: {  	_ =	swait.ge [sflag:s17], $0x4000  }
0x13f: {  	s29 =	smov.u32 s31;
	[sflag:s17] =	ssyncset.done $0x0  }
0x140: {  	s11 =	sadd.s32 s28, s4;
	[sflag:s17] =	ssyncadd.s32 $0xFFFFC000  }
0x141: {  	[tilespmem:s18], [sflag:$0x2] =	stream.linear.gather [hbm4b:s11+s3], $0x80, $0x38;
	[tilespmem:$0x18100] =	vst v63  }
0x142: {  	_ =	swait.ge [sflag:s17], $0x80  }
0x143: {  	[sflag:s17] =	ssyncset.done $0x0  }
0x144: {  	s29 =	sadd.s32 s28, s25;
	[sflag:s17] =	ssyncadd.s32 $0xFFFFFF80  }
0x145: {  	[tilespmem:s19], [sflag:$0x2] =	stream.linear.gather [hbm4b:s29+s3], $0x80, $0x38;
	[tilespmem:$0x18100] =	vst v63  }
0x146: {  	_ =	swait.ge [sflag:s17], $0x80  }
0x147: {  	[sflag:s17] =	ssyncset.done $0x0  }
0x148: {  	[sflag:s17] =	ssyncadd.s32 $0xFFFFFF80  }
0x149: {  	[tilespmem:s16], [sflag:$0x1] =	stream.indirect.gather [hbm4b:s1+s20], $0x80, s18, s20, $0xb8;
	[tilespmem:$0x18100] =	vst v63  }
0x14a: {  	_ =	swait.ge [sflag:s21], $0x4000  }
0x14b: {  	[sflag:s21] =	ssyncset.done $0x0  }
0x14c: {  	[sflag:s21] =	ssyncadd.s32 $0xFFFFC000  }
0x14d: {  	[spmem:s2] =	stream.indirect.scatter.add.f32 [tilespmem:s16], [sflag:$0x2], $0x80, s19, s20, $0xb8;
	[tilespmem:$0x18100] =	vst v63  }
0x14e: {  	_ =	swait.ge [sflag:s17], $0x4000  }
0x14f: {  	[sflag:s17] =	ssyncset.done $0x0  }
0x150: {  	[sflag:s17] =	ssyncadd.s32 $0xFFFFC000  }
0x151: {  	[bflag:$0x0] =	sbarrier.arrive $0xFFFF  }
0x152: {  	[tilespmem:s16], [sflag:$0x2] =	stream.linear.gather [spmem:s6], $0x4000, $0x38;
	[tilespmem:$0x18100] =	vst v63  }
0x153: {  	_ =	swait.ge [sflag:s17], $0x4000  }
0x154: {  	[sflag:s17] =	ssyncset.done $0x0  }
0x155: {  	s30 =	rddreg [dreg:$0xc];
	[sflag:s17] =	ssyncadd.s32 $0xFFFFC000  }
0x156: {  	[hbm4b:s30+s3] =	stream.linear.scatter [tilespmem:s16], [sflag:$0x2], $0x4000, $0x38;
	[tilespmem:$0x18100] =	vst v63  }
0x157: {  	_ =	swait.ge [sflag:s17], $0x4000  }
0x158: {  	[sflag:s17] =	ssyncset.done $0x0  }
0x159: {  	[sflag:s17] =	ssyncadd.s32 $0xFFFFC000  }
0x15a: {  	[tilespmem:s16], [sflag:$0x2] =	stream.linear.gather [spmem:s7], $0x4000, $0x38;
	[tilespmem:$0x18100] =	vst v63  }
0x15b: {  	_ =	swait.ge [sflag:s17], $0x4000  }
0x15c: {  	[sflag:s17] =	ssyncset.done $0x0  }
0x15d: {  	s31 =	rddreg [dreg:$0xd];
	[sflag:s17] =	ssyncadd.s32 $0xFFFFC000  }
0x15e: {  	[hbm4b:s31+s3] =	stream.linear.scatter [tilespmem:s16], [sflag:$0x2], $0x4000, $0x38;
	[tilespmem:$0x18100] =	vst v63  }
0x15f: {  	_ =	swait.ge [sflag:s17], $0x4000  }
0x160: {  	[sflag:s17] =	ssyncset.done $0x0  }
0x161: {  	[sflag:s17] =	ssyncadd.s32 $0xFFFFC000  }
0x162: {  	[tilespmem:s16], [sflag:$0x2] =	stream.linear.gather [spmem:s8], $0x4000, $0x38;
	[tilespmem:$0x18100] =	vst v63  }
0x163: {  	_ =	swait.ge [sflag:s17], $0x4000  }
0x164: {  	[sflag:s17] =	ssyncset.done $0x0  }
0x165: {  	s28 =	rddreg [dreg:$0xe];
	[sflag:s17] =	ssyncadd.s32 $0xFFFFC000  }
0x166: {  	[hbm4b:s28+s3] =	stream.linear.scatter [tilespmem:s16], [sflag:$0x2], $0x4000, $0x38;
	[tilespmem:$0x18100] =	vst v63  }
0x167: {  	_ =	swait.ge [sflag:s17], $0x4000  }
0x168: {  	[sflag:s17] =	ssyncset.done $0x0  }
0x169: {  	[sflag:s17] =	ssyncadd.s32 $0xFFFFC000  }
0x16a: {  	[tilespmem:s16], [sflag:$0x2] =	stream.linear.gather [spmem:s9], $0x4000, $0x38;
	[tilespmem:$0x18100] =	vst v63  }
0x16b: {  	_ =	swait.ge [sflag:s17], $0x4000  }
0x16c: {  	[sflag:s17] =	ssyncset.done $0x0  }
0x16d: {  	s29 =	rddreg [dreg:$0xf];
	[sflag:s17] =	ssyncadd.s32 $0xFFFFC000  }
0x16e: {  	[hbm4b:s29+s3] =	stream.linear.scatter [tilespmem:s16], [sflag:$0x2], $0x4000, $0x38;
	[tilespmem:$0x18100] =	vst v63  }
0x16f: {  	_ =	swait.ge [sflag:s17], $0x4000  }
0x170: {  	[sflag:s17] =	ssyncset.done $0x0  }
0x171: {  	[sflag:s17] =	ssyncadd.s32 $0xFFFFC000  }
0x172: {  	[tilespmem:s16], [sflag:$0x2] =	stream.linear.gather [spmem:s10], $0x4000, $0x38;
	[tilespmem:$0x18100] =	vst v63  }
0x173: {  	_ =	swait.ge [sflag:s17], $0x4000  }
0x174: {  	[sflag:s17] =	ssyncset.done $0x0  }
0x175: {  	s30 =	rddreg [dreg:$0x10];
	[sflag:s17] =	ssyncadd.s32 $0xFFFFC000  }
0x176: {  	[hbm4b:s30+s3] =	stream.linear.scatter [tilespmem:s16], [sflag:$0x2], $0x4000, $0x38;
	[tilespmem:$0x18100] =	vst v63  }
0x177: {  	_ =	swait.ge [sflag:s17], $0x4000  }
0x178: {  	s26 =	sadd.s32 $0x1, s26;
	s31 =	rddreg [dreg:$0xb]  }
0x179: {  	p0 =	sne.s32 s26, s31  }
.Ltmp3:
0x17a: {  	_ = 	snop;
	(pc) =	sbr.rel @p0 .LBB2_1-.Ltmp3, $3  }
0x17b: {  	[sflag:s17] =	ssyncset.done $0x0  }
0x17c: {  	[sflag:s17] =	ssyncadd.s32 $0xFFFFC000  }
0x17d: {  	[bflag:$0x0] =	sbarrier.arrive $0xFFFF;
	_ =	sdelay $0x1  }
0x17e: {  	_ =	sfence.sel $0x180000  }
0x17f: {  	[bflag:$0x0] =	sbarrier.arrive $0xFFFF  }
0x180: {  	_ =	strace $0x90000047  }
0x181: {  	s0 =	stileid.u32;
	[bflag:$0x2] =	sbarrier.arrive $0xFFFF  }
0x182: {  	p0 =	sne.s32 s0, $0x0;
	s0 =	rddreg [dreg:$0x4]  }
0x183: {  	s0 =	sadd.s32 @!p0 $0x100000, s0  }
0x184: {  	[sflag:s0] =	ssyncadd.tile.s32 @!p0 $0x1;
	_ =	shalt  }
.Lfunc_end2:
_tile_overlayer_lowered:
.L_overlay_start_2:
0x185: {  	(tag) =	ssettag $0x2  }
0x186: {  	s0 =	rddreg [dreg:$0x0];
	s2 =	stileid.u32  }
0x187: {  	s1 =	rddreg [dreg:$0x1];
	p0 =	sne.s32 s2, $0x0  }
0x188: {  	s3 =	rddreg [dreg:$0x2];
	[bflag:$0x3] =	sbarrier.arrive $0xFFFF;
	s2 =	simm.s32 @!p0 $0x1C02  }
0x189: {  	[timem:s3], [sflag:s2] =	dma.local @!p0 [hbm:s0], s1  }
0x18a: {  	s0 =	simm.s32 @!p0 $0x2  }
0x18b: {  	_ =	swait.ge @!p0 [sflag:s0], s1  }
0x18c: {  	s1 =	ssub.s32 @!p0 $0x0, s1;
	[sflag:s0] =	ssyncset.done @!p0 $0x0  }
0x18d: {  	[sflag:s0] =	ssyncadd.s32 @!p0 s1  }
0x18e: {  	[bflag:$0x3] =	sbarrier.arrive $0xFFFF  }
0x18f: {  	_ =	shalt  }

// kernel: kernel.8.cloned.1.call-start
scs
__scs_entry_jumppad:
0x0: {  	(pc) =	sbr.rel $0x88, $3  }
0x1: {  	(tag) =	ssettag $0x0;
	lr =	simm.s32 $0x1  }
0x2: {  	[smem:$0x3F96] =	sst lr;
	_ =	strace $0xD0000000  }
0x3: {  	_ = 	snop  }
0x4: {  	_ = 	snop  }
0x5: {  	_ = 	snop  }
0x6: {  	_ = 	snop  }
0x7: {  	_ = 	snop  }
__scs_overlays_trampoline_lowered:
0x8: {  	[smem:$0x3FA5] =	sst s0  }
0x9: {  	[smem:$0x3FA6] =	sst s1  }
0xa: {  	[smem:$0x3FA7] =	sst s2  }
0xb: {  	[smem:$0x3FA8] =	sst s3  }
0xc: {  	[smem:$0x3FA9] =	sst s4  }
0xd: {  	[smem:$0x3FAA] =	sst s5  }
0xe: {  	[smem:$0x3FAB] =	sst s6  }
0xf: {  	[smem:$0x3FAC] =	sst s7  }
0x10: {  	[smem:$0x3FAD] =	sst s8  }
0x11: {  	[smem:$0x3FAE] =	sst s9;
	s0 =	simm.s32 @!p0 $0x0  }
0x12: {  	s1 =	sld [smem:$0x3F94];
	s0 =	simm.s32 @p0 $0x1  }
0x13: {  	[smem:$0x3FAF] =	sst s0;
	s0 =	simm.s32 @!p1 $0x0  }
0x14: {  	s2 =	sld [smem:$0x3F93];
	s0 =	simm.s32 @p1 $0x1  }
0x15: {  	[smem:$0x3FB0] =	sst s0;
	s0 =	simm.s32 @!p2 $0x0  }
0x16: {  	s3 =	sld [smem:$0x3FDB];
	s0 =	simm.s32 @p2 $0x1  }
0x17: {  	s4 =	simm.s32 $0x1BF5;
	[smem:$0x3FB2] =	sst s0  }
0x18: {  	s0 =	sld [smem:$0x3F95];
	_ =	swait.ge [sflag:s4], $0x0  }
0x19: {  	s7 =	sld [smem:$0x3F96]  }
0x1a: {  	s8 =	sadd.s32 $0xFFFFE003, lr  }
0x1b: {  	s9 =	sadd.s32 $0xFFFFFEF7, lr;
	s5 =	simm.s32 $0xFFFFFFFF;
	p2 =	slt.u32 s8, $0xFFFFF086  }
0x1c: {  	p1 =	slt.u32 s9, $0xF7A;
	s5 =	simm.s32 @!p2 $0x0  }
0x1d: {  	s5 =	simm.s32 @p1 $0x1;
	p0 =	seq.s32 s7, s2  }
0x1e: {  	s7 =	smul.u32 @!p0 $0xF7A, s2;
	p2 =	seq.s32 @!p0 s5, $0x0  }
0x1f: {  	s9 =	smul.u32 $0xF7A, s1;
	s8 =	simm.s32 @!p0 $0x1BF5;
	p2 =	por !p2, p0  }
0x20: {  	[sflag:s8] =	ssyncset.s32 @!p0 $0xFFFFF086;
	s6 =	sadd.s32 @!p0 s3, s7;
	s7 =	simm.s32 @!p0 $0x108  }
0x21: {  	s3 =	sadd.s32 s3, s9;
	s6 =	sadd.s32 @!p0 $0x88, s6;
	s7 =	simm.s32 @p2 $0x1082  }
0x22: {  	[simem:s7], [sflag:s8] =	dma.local @!p0 [hbm:s6], $0xF7A  }
0x23: {  	s9 =	sor.u32 $0xD0000000, s2;
	s6 =	simm.s32 $0x108;
	_ =	swait.ge @!p0 [sflag:s8], $0x0  }
0x24: {  	s3 =	sadd.s32 $0x88, s3;
	s6 =	simm.s32 @!p1 $0x1082;
	[sflag:s4] =	ssyncset.s32 $0xFFFFF086  }
0x25: {  	[simem:s6], [sflag:s4] =	dma.local [hbm:s3], $0xF7A  }
0x26: {  	[smem:$0x3F96] =	sst s1;
	(tag) =	ssettag s2;
	_ =	strace s9  }
0x27: {  	s1 =	sld [smem:$0x3FA6]  }
0x28: {  	s2 =	sld [smem:$0x3FA7]  }
0x29: {  	s4 =	sld [smem:$0x3FA9]  }
0x2a: {  	p0 =	seq.s32 s5, $0x0;
	s5 =	sld [smem:$0x3FAA]  }
0x2b: {  	s6 =	sld [smem:$0x3FAB]  }
0x2c: {  	s7 =	sld [smem:$0x3FAC]  }
0x2d: {  	s3 =	simm.s32 $0x108;
	s8 =	sld [smem:$0x3FAD]  }
0x2e: {  	s3 =	simm.s32 @!p0 $0x1082;
	s9 =	sld [smem:$0x3FAE]  }
0x2f: {  	lr =	sadd.s32 s0, s3;
	s0 =	sld [smem:$0x3FA5]  }
0x30: {  	s3 =	sld [smem:$0x3FA8]  }
0x31: {  	[smem:$0x3FB1] =	sst s10  }
0x32: {  	s10 =	sld [smem:$0x3FAF];
	_ =	sdelay $0x3  }
0x33: {  	p0 =	seq.s32 s10, $0x1;
	s10 =	sld [smem:$0x3FB1];
	_ =	sdelay $0x3  }
0x34: {  	[smem:$0x3FB1] =	sst s10  }
0x35: {  	s10 =	sld [smem:$0x3FB0];
	_ =	sdelay $0x3  }
0x36: {  	p1 =	seq.s32 s10, $0x1;
	s10 =	sld [smem:$0x3FB1];
	_ =	sdelay $0x3  }
0x37: {  	[smem:$0x3FB1] =	sst s10  }
0x38: {  	s10 =	sld [smem:$0x3FB2]  }
0x39: {  	_ = 	snop;
	(pc) =	sbr.ind lr, $3  }
0x3a: {  	_ = 	snop  }
0x3b: {  	_ = 	snop  }
0x3c: {  	p2 =	seq.s32 s10, $0x1;
	s10 =	sld [smem:$0x3FB1]  }
0x3d: {  	_ =	shalt  }
0x3e: {  	_ =	shalt  }
0x3f: {  	_ =	shalt  }
0x40: {  	_ =	shalt  }
0x41: {  	_ =	shalt  }
0x42: {  	_ =	shalt  }
0x43: {  	_ =	shalt  }
0x44: {  	_ =	shalt  }
0x45: {  	_ =	shalt  }
0x46: {  	_ =	shalt  }
0x47: {  	_ =	shalt  }
0x48: {  	_ =	shalt  }
0x49: {  	_ =	shalt  }
0x4a: {  	_ =	shalt  }
0x4b: {  	_ =	shalt  }
0x4c: {  	_ =	shalt  }
0x4d: {  	_ =	shalt  }
0x4e: {  	_ =	shalt  }
0x4f: {  	_ =	shalt  }
0x50: {  	_ =	shalt  }
0x51: {  	_ =	shalt  }
0x52: {  	_ =	shalt  }
0x53: {  	_ =	shalt  }
0x54: {  	_ =	shalt  }
0x55: {  	_ =	shalt  }
0x56: {  	_ =	shalt  }
0x57: {  	_ =	shalt  }
0x58: {  	_ =	shalt  }
0x59: {  	_ =	shalt  }
0x5a: {  	_ =	shalt  }
0x5b: {  	_ =	shalt  }
0x5c: {  	_ =	shalt  }
0x5d: {  	_ =	shalt  }
0x5e: {  	_ =	shalt  }
0x5f: {  	_ =	shalt  }
0x60: {  	_ =	shalt  }
0x61: {  	_ =	shalt  }
0x62: {  	_ =	shalt  }
0x63: {  	_ =	shalt  }
0x64: {  	_ =	shalt  }
0x65: {  	_ =	shalt  }
0x66: {  	_ =	shalt  }
0x67: {  	_ =	shalt  }
0x68: {  	_ =	shalt  }
0x69: {  	_ =	shalt  }
0x6a: {  	_ =	shalt  }
0x6b: {  	_ =	shalt  }
0x6c: {  	_ =	shalt  }
0x6d: {  	_ =	shalt  }
0x6e: {  	_ =	shalt  }
0x6f: {  	_ =	shalt  }
0x70: {  	_ =	shalt  }
0x71: {  	_ =	shalt  }
0x72: {  	_ =	shalt  }
0x73: {  	_ =	shalt  }
0x74: {  	_ =	shalt  }
0x75: {  	_ =	shalt  }
0x76: {  	_ =	shalt  }
0x77: {  	_ =	shalt  }
0x78: {  	_ =	shalt  }
0x79: {  	_ =	shalt  }
0x7a: {  	_ =	shalt  }
0x7b: {  	_ =	shalt  }
0x7c: {  	_ =	shalt  }
0x7d: {  	_ =	shalt  }
0x7e: {  	_ =	shalt  }
0x7f: {  	_ =	shalt  }
0x80: {  	_ =	shalt  }
0x81: {  	_ =	shalt  }
0x82: {  	_ =	shalt  }
0x83: {  	_ =	shalt  }
0x84: {  	_ =	shalt  }
0x85: {  	_ =	shalt  }
0x86: {  	_ =	shalt  }
0x87: {  	_ =	shalt  }
.Lfunc_end0:
.L_simem_size_0:
called_computation.1_lowered:
.L_overlay_start_0:
0x88: {  	s2 =	sld [smem:$0x3FD9]  }
0x89: {  	s3 =	sld [smem:$0x3FFE];
	_ =	sdelay $0x1  }
0x8a: {  	s1 =	srdreg.scid  }
0x8b: {  	s0 =	sand.u32 $0x1, s1  }
0x8c: {  	s17 =	sshll.u32 s0, $0xA;
	s2 =	sadd.s32 s3, s2  }
0x8d: {  	s2 =	sadd.s32 s2, s17  }
0x8e: {  	[smem:$0x3FBD] =	sst s2  }
0x8f: {  	_ = 	snop  }
0x90: {  	(tm) =	ssettm $0x1  }
0x91: {  	s18 =	sld [smem:$0x3FFB];
	_ =	sdelay $0x3  }
0x92: {  	_ =	strace s18  }
0x93: {  	s2 =	sld [smem:$0x3FFC];
	_ =	sdelay $0x3  }
0x94: {  	_ =	strace s2  }
0x95: {  	s2 =	sld [smem:$0x3FFD];
	_ =	sdelay $0x3  }
0x96: {  	_ =	strace s2  }
0x97: {  	_ =	strace $0x8FFFFFFF  }
0x98: {  	s19 =	sld [smem:$0x3FDB];
	_ =	sdelay $0x1  }
0x99: {  	s20 =	simm.s32 $_scs_section_size  }
0x9a: {  	s4 =	simm.s32 $_size__tile_overlayer_lowered;
	s5 =	simm.s32 $_tile_overlayer_lowered  }
0x9b: {  	s6 =	simm.s32 $0x1BFF;
	s21 =	sshll.u32 s5, $0x1;
	s3 =	sadd.s32 s20, s19  }
0x9c: {  	s22 =	simm.s32 $0x0;
	s4 =	sshll.u32 s4, $0x1;
	s5 =	sadd.s32 s21, s3  }
0x9d: {  	[timem:s22], [sflag:s6] =	dma.local [hbm:s5], s4  }
0x9e: {  	_ =	swait.ge [sflag:s6], s4  }
0x9f: {  	s4 =	ssub.s32 $0x0, s4;
	[sflag:s6] =	ssyncset.done $0x0  }
0xa0: {  	[sflag:s6] =	ssyncadd.s32 s4;
	_ =	sdelay $0x1  }
0xa1: {  	s23 =	simm.s32 $0x1B8B  }
0xa2: {  	_ =	swait.ge [sflag:s23], $0x1  }
0xa3: {  	[sflag:s23] =	ssyncset.done $0x0  }
0xa4: {  	[sflag:s23] =	ssyncadd.s32 $0xFFFFFFFF  }
0xa5: {  	s4 =	sld [smem:$0x0]  }
0xa6: {  	s5 =	sand.u32 $0xFFFFFFFE, s1  }
0xa7: {  	p0 =	sne.s32 s1, s5  }
0xa8: {  	s5 =	sshll.u32 @p0 s5, $0xE  }
0xa9: {  	s5 =	sadd.s32 @p0 $0x11B8D, s5;
	s6 =	sshll.u32 @p0 s4, $0x11  }
0xaa: {  	s5 =	sor.u32 @p0 s6, s5  }
0xab: {  	[sflag:s5] =	ssyncadd.remote.s32 @p0 $0x1;
	_ =	sdelay $0x1  }
0xac: {  	s5 =	simm.s32 @p0 $0x1B8D  }
0xad: {  	_ =	swait.eq @p0 [sflag:s5], $0x1  }
0xae: {  	[sflag:s5] =	ssyncadd.s32 @p0 $0xFFFFFFFF  }
0xaf: {  	s6 =	sshll.u32 @!p0 s1, $0xE  }
0xb0: {  	s6 =	sor.u32 @!p0 $0x4000, s6;
	s5 =	simm.s32 @!p0 $0x1B8D  }
0xb1: {  	s4 =	sshll.u32 @!p0 s4, $0x11;
	s6 =	sadd.s32 @!p0 $0x11B8D, s6;
	_ =	swait.eq @!p0 [sflag:s5], $0x1  }
0xb2: {  	s4 =	sor.u32 @!p0 s4, s6;
	[sflag:s5] =	ssyncadd.s32 @!p0 $0xFFFFFFFF  }
0xb3: {  	s25 =	simm.s32 $0x1B8E;
	s24 =	sld [smem:$0x3FFE];
	[sflag:s4] =	ssyncadd.remote.s32 @!p0 $0x1  }
0xb4: {  	s26 =	simm.s32 $execute0_lowered;
	[smem:$0x3FD2] =	sst s25  }
0xb5: {  	s5 =	sshll.u32 s26, $0x1;
	_ =	strace $0x80000049;
	[dreg:$0x1] =	wrdreg $0xFFFFFFFF  }
0xb6: {  	s28 =	simm.s32 $_size_execute0_lowered;
	s3 =	sadd.s32 s3, s5;
	[dreg:$0x0] =	wrdreg $0x0  }
0xb7: {  	s5 =	sshll.u32 s28, $0x1;
	[dreg:$0x2] =	wrdreg s3  }
0xb8: {  	[dreg:$0x3] =	wrdreg s5  }
0xb9: {  	[dreg:$0x4] =	wrdreg $0xC0  }
0xba: {  	_ =	task [dreg:s22], $0x5FFFF  }
0xbb: {  	[dreg:$0x1] =	wrdreg $0xFFFFFFFF  }
0xbc: {  	[dreg:$0x0] =	wrdreg $0x60  }
0xbd: {  	[dreg:$0x2] =	wrdreg s24  }
0xbe: {  	[dreg:$0x3] =	wrdreg $0x0  }
0xbf: {  	[dreg:$0x4] =	wrdreg $0xA  }
0xc0: {  	_ =	task.clear_ibuf [dreg:s22], $0x5FFFF;
	_ =	strace $0x90000049  }
0xc1: {  	s29 =	simm.s32 $0xA;
	_ =	strace $0x8000004B  }
0xc2: {  	_ =	swait.ge [sflag:s29], $0x1  }
0xc3: {  	[sflag:s29] =	ssyncadd.s32 $0xFFFFFFFF  }
0xc4: {  	_ =	strace $0x9000004B  }
0xc5: {  	_ =	sfence  }
0xc6: {  	s30 =	sld [smem:$0x0];
	_ =	sdelay $0x2  }
0xc7: {  	s31 =	sshll.u32 s1, $0xD;
	s1 =	sshrl.u32 s1, $0x2  }
0xc8: {  	s4 =	sand.u32 $0x4000, s31;
	s1 =	sadd.s32 s1, s30  }
0xc9: {  	s0 =	sor.u32 s4, s0;
	s1 =	sshll.u32 s1, $0x11  }
0xca: {  	s0 =	sor.u32 s1, s0  }
0xcb: {  	s0 =	sadd.s32 $0x8F2B, s0  }
0xcc: {  	[sflag:s0] =	ssyncadd.remote.s32 $0x1  }
0xcd: {  	_ =	sfence.sel $0xFFFF  }
0xce: {  	[dreg:$0x0] =	wrdreg $0xFFFFFFFF;
	(pc) =	sbr.abs _section_cstart, $3  }
0xcf: {  	[dreg:$0x1] =	wrdreg $0xFFFFFFFF  }
0xd0: {  	_ =	task.clear_ibuf [dreg:s22], $0x2FFFF;
	_ =	strace $0x9FFFFFFF  }
0xd1: {  	(tm) =	ssettm $0x7FFFFFFF  }
tec
execute0_lowered:
.L_overlay_start_1:
0x0: {  	(tag) =	ssettag $0x1  }
0x1: {  	s0 =	rddreg [dreg:$0x0]  }
0x2: {  	s2 =	srdreg.scid;
	s19 =	stileid.u32  }
0x3: {  	s1 =	rddreg [dreg:$0x1];
	s6 =	smul.u32 $0x50000, s19  }
0x4: {  	s3 =	simm.s32 $0x0;
	s31 =	simm.s32 $0x14080;
	s10 =	smul.u32 $0x14000, s19  }
0x5: {  	s2 =	sand.u32 $0x1, s2;
	[smem:$0x7FF] =	sst s3;
	s21 =	smul.u32 $0x4F0, s19  }
0x6: {  	s5 =	sadd.s32 $0x110800, s0;
	s4 =	smul.u32 $0x4F00, s2;
	s7 =	ssub.s32 $0x2, s2  }
0x7: {  	_ =	strace $0x8000004A;
	s2 =	smul.u32 $0x140000, s2;
	s8 =	sshrl.u32 s7, $0x1  }
0x8: {  	s6 =	sshrl.u32 s6, $0x2;
	s11 =	sadd.s32 $0x4000, s10;
	s13 =	sadd.s32 $0x8000, s10  }
0x9: {  	s14 =	sadd.s32 $0xC000, s10;
	s15 =	sadd.s32 $0x10000, s10;
	s16 =	sadd.s32 s4, s0  }
0xa: {  	s4 =	sadd.s32 $0x20000, s0;
	s0 =	sadd.s32 $0x111000, s0;
	s17 =	ssub.s32 s7, s8  }
0xb: {  	s6 =	sadd.s32 s6, s1;
	s7 =	sadd.s32 s11, s1;
	s8 =	sadd.s32 s13, s1  }
0xc: {  	s9 =	sadd.s32 s14, s1;
	s12 =	sadd.s32 s10, s2;
	s11 =	sadd.s32 s2, s11  }
0xd: {  	s10 =	sadd.s32 s15, s1;
	s13 =	sadd.s32 s2, s13;
	s14 =	sadd.s32 s2, s14  }
0xe: {  	s2 =	sadd.s32 s2, s15;
	s12 =	sshrl.u32 s12, $0x3;
	s18 =	sshrl.u32 s11, $0x3  }
0xf: {  	s13 =	sshrl.u32 s13, $0x3;
	s14 =	sshrl.u32 s14, $0x3;
	s2 =	sshrl.u32 s2, $0x3  }
0x10: {  	s22 =	smax.u32 s17, $0x1;
	s17 =	simm.s32 $0x0;
	s11 =	sadd.s32 s0, s12  }
0x11: {  	s12 =	sadd.s32 s0, s18;
	s13 =	sadd.s32 s0, s13;
	s14 =	sadd.s32 s0, s14  }
0x12: {  	s15 =	sadd.s32 s0, s2;
	s0 =	sadd.s32 s21, s16;
	s18 =	sadd.s32 $0x50000, s11  }
0x13: {  	s2 =	simm.s32 $0x14000;
	s20 =	sadd.s32 $0x50000, s12;
	[dreg:$0x3] =	wrdreg s18  }
0x14: {  	s16 =	simm.s32 $0x80;
	s23 =	sadd.s32 $0x50000, s13;
	[dreg:$0x4] =	wrdreg s20  }
0x15: {  	s24 =	sadd.s32 $0x50000, s14;
	s25 =	sadd.s32 $0x50000, s15;
	[dreg:$0x5] =	wrdreg s23  }
0x16: {  	s26 =	sadd.s32 $0xA0000, s11;
	s28 =	sadd.s32 $0xA0000, s13;
	[dreg:$0x6] =	wrdreg s24  }
0x17: {  	s29 =	sadd.s32 $0xA0000, s14;
	s30 =	sadd.s32 $0xA0000, s15;
	[dreg:$0x7] =	wrdreg s25  }
0x18: {  	[dreg:$0x8] =	wrdreg s26;
	s23 =	sadd.s32 $0x2600, s0;
	s24 =	sadd.s32 $0xC400, s0  }
0x19: {  	s25 =	sadd.s32 $0x16200, s0;
	s26 =	sadd.s32 $0xA0000, s12;
	s0 =	simm.s32 $0x1  }
.LBB2_1:
0x1a: {  	[tilespmem:s31], [sflag:$0x1] =	stream.linear.gather [hbm4b:s4+s3], $0x4000, $0x38;
	[tilespmem:$0x18080] =	vst v63  }
0x1b: {  	_ =	swait.ge [sflag:s0], $0x4000  }
0x1c: {  	[sflag:s0] =	ssyncset.done $0x0  }
0x1d: {  	[sflag:s0] =	ssyncadd.s32 $0xFFFFC000  }
0x1e: {  	[spmem:s6] =	stream.linear.scatter [tilespmem:s31], [sflag:$0x1], $0x4000, $0x38;
	[tilespmem:$0x18080] =	vst v63  }
0x1f: {  	_ =	swait.ge [sflag:s0], $0x4000  }
0x20: {  	[sflag:s0] =	ssyncset.done $0x0  }
0x21: {  	[sflag:s0] =	ssyncadd.s32 $0xFFFFC000  }
0x22: {  	[spmem:s7] =	stream.linear.scatter [tilespmem:s31], [sflag:$0x1], $0x4000, $0x38;
	[tilespmem:$0x18080] =	vst v63  }
0x23: {  	_ =	swait.ge [sflag:s0], $0x4000  }
0x24: {  	[sflag:s0] =	ssyncset.done $0x0  }
0x25: {  	[sflag:s0] =	ssyncadd.s32 $0xFFFFC000  }
0x26: {  	[spmem:s8] =	stream.linear.scatter [tilespmem:s31], [sflag:$0x1], $0x4000, $0x38;
	[tilespmem:$0x18080] =	vst v63  }
0x27: {  	_ =	swait.ge [sflag:s0], $0x4000  }
0x28: {  	[sflag:s0] =	ssyncset.done $0x0  }
0x29: {  	[sflag:s0] =	ssyncadd.s32 $0xFFFFC000  }
0x2a: {  	[spmem:s9] =	stream.linear.scatter [tilespmem:s31], [sflag:$0x1], $0x4000, $0x38;
	[tilespmem:$0x18080] =	vst v63  }
0x2b: {  	_ =	swait.ge [sflag:s0], $0x4000  }
0x2c: {  	[sflag:s0] =	ssyncset.done $0x0  }
0x2d: {  	[sflag:s0] =	ssyncadd.s32 $0xFFFFC000  }
0x2e: {  	[spmem:s10] =	stream.linear.scatter [tilespmem:s31], [sflag:$0x1], $0x4000, $0x38;
	[tilespmem:$0x18080] =	vst v63  }
0x2f: {  	_ =	swait.ge [sflag:s0], $0x4000  }
0x30: {  	[sflag:s0] =	ssyncset.done $0x0  }
0x31: {  	[sflag:s0] =	ssyncadd.s32 $0xFFFFC000  }
0x32: {  	[tilespmem:s31], [sflag:$0x1] =	stream.linear.gather [hbm4b:s5+s3], $0x4000, $0x38;
	[tilespmem:$0x18080] =	vst v63  }
0x33: {  	_ =	swait.ge [sflag:s0], $0x4000  }
0x34: {  	[sflag:s0] =	ssyncset.done $0x0  }
0x35: {  	[sflag:s0] =	ssyncadd.s32 $0xFFFFC000  }
0x36: {  	s18 =	sadd.s32 $0x0, s23;
	[bflag:$0x0] =	sbarrier.arrive $0xFFFF  }
0x37: {  	[tilespmem:s2], [sflag:$0x1] =	stream.linear.gather [hbm4b:s18+s3], $0x80, $0x38;
	[tilespmem:$0x18080] =	vst v63  }
0x38: {  	_ =	swait.ge [sflag:s0], $0x80  }
0x39: {  	[sflag:s0] =	ssyncset.done $0x0  }
0x3a: {  	[sflag:s0] =	ssyncadd.s32 $0xFFFFFF80  }
0x3b: {  	[spmem:s1] =	stream.indirect.scatter.add.f32 [tilespmem:s31], [sflag:$0x1], $0x80, s2, s16, $0xb8;
	[tilespmem:$0x18080] =	vst v63  }
0x3c: {  	_ =	swait.ge [sflag:s0], $0x4000  }
0x3d: {  	s19 =	simm.s32 $0x20;
	s18 =	simm.s32 $0x10;
	[sflag:s0] =	ssyncset.done $0x0  }
.LBB2_2:
0x3e: {  	s20 =	sadd.s32 s18, s23  }
0x3f: {  	[sflag:s0] =	ssyncadd.s32 $0xFFFFC000;
	s18 =	smov.u32 s19;
	s21 =	sadd.s32 $0x10, s19  }
0x40: {  	[tilespmem:s2], [sflag:$0x1] =	stream.linear.gather [hbm4b:s20+s3], $0x80, $0x38;
	[tilespmem:$0x18080] =	vst v63  }
0x41: {  	p0 =	sne.s32 s19, $0x4E0;
	_ =	swait.ge [sflag:s0], $0x80  }
.Ltmp0:
0x42: {  	[sflag:s0] =	ssyncset.done $0x0;
	(pc) =	sbr.rel @p0 .LBB2_2-.Ltmp0, $4  }
0x43: {  	[sflag:s0] =	ssyncadd.s32 $0xFFFFFF80  }
0x44: {  	[spmem:s1] =	stream.indirect.scatter.add.f32 [tilespmem:s31], [sflag:$0x1], $0x80, s2, s16, $0xb8;
	[tilespmem:$0x18080] =	vst v63  }
0x45: {  	_ =	swait.ge [sflag:s0], $0x4000  }
0x46: {  	s19 =	smov.u32 s21;
	[sflag:s0] =	ssyncset.done $0x0  }
0x47: {  	s18 =	sadd.s32 s18, s23;
	[sflag:s0] =	ssyncadd.s32 $0xFFFFC000  }
0x48: {  	[tilespmem:s2], [sflag:$0x1] =	stream.linear.gather [hbm4b:s18+s3], $0x80, $0x38;
	[tilespmem:$0x18080] =	vst v63  }
0x49: {  	_ =	swait.ge [sflag:s0], $0x80  }
0x4a: {  	[sflag:s0] =	ssyncset.done $0x0  }
0x4b: {  	[sflag:s0] =	ssyncadd.s32 $0xFFFFFF80  }
0x4c: {  	[spmem:s1] =	stream.indirect.scatter.add.f32 [tilespmem:s31], [sflag:$0x1], $0x80, s2, s16, $0xb8;
	[tilespmem:$0x18080] =	vst v63  }
0x4d: {  	_ =	swait.ge [sflag:s0], $0x4000  }
0x4e: {  	[sflag:s0] =	ssyncset.done $0x0  }
0x4f: {  	[sflag:s0] =	ssyncadd.s32 $0xFFFFC000  }
0x50: {  	[bflag:$0x0] =	sbarrier.arrive $0xFFFF  }
0x51: {  	[tilespmem:s31], [sflag:$0x1] =	stream.linear.gather [spmem:s6], $0x4000, $0x38;
	[tilespmem:$0x18080] =	vst v63  }
0x52: {  	_ =	swait.ge [sflag:s0], $0x4000  }
0x53: {  	[sflag:s0] =	ssyncset.done $0x0  }
0x54: {  	s20 =	simm.s32 $0x0;
	[sflag:s0] =	ssyncadd.s32 $0xFFFFC000  }
0x55: {  	[hbm4b:s11+s20] =	stream.linear.scatter [tilespmem:s31], [sflag:$0x1], $0x4000, $0x38;
	[tilespmem:$0x18080] =	vst v63  }
0x56: {  	_ =	swait.ge [sflag:s0], $0x4000  }
0x57: {  	[sflag:s0] =	ssyncset.done $0x0  }
0x58: {  	[sflag:s0] =	ssyncadd.s32 $0xFFFFC000  }
0x59: {  	[tilespmem:s31], [sflag:$0x1] =	stream.linear.gather [spmem:s7], $0x4000, $0x38;
	[tilespmem:$0x18080] =	vst v63  }
0x5a: {  	_ =	swait.ge [sflag:s0], $0x4000  }
0x5b: {  	[sflag:s0] =	ssyncset.done $0x0  }
0x5c: {  	[sflag:s0] =	ssyncadd.s32 $0xFFFFC000  }
0x5d: {  	[hbm4b:s12+s20] =	stream.linear.scatter [tilespmem:s31], [sflag:$0x1], $0x4000, $0x38;
	[tilespmem:$0x18080] =	vst v63  }
0x5e: {  	_ =	swait.ge [sflag:s0], $0x4000  }
0x5f: {  	[sflag:s0] =	ssyncset.done $0x0  }
0x60: {  	[sflag:s0] =	ssyncadd.s32 $0xFFFFC000  }
0x61: {  	[tilespmem:s31], [sflag:$0x1] =	stream.linear.gather [spmem:s8], $0x4000, $0x38;
	[tilespmem:$0x18080] =	vst v63  }
0x62: {  	_ =	swait.ge [sflag:s0], $0x4000  }
0x63: {  	[sflag:s0] =	ssyncset.done $0x0  }
0x64: {  	[sflag:s0] =	ssyncadd.s32 $0xFFFFC000  }
0x65: {  	[hbm4b:s13+s20] =	stream.linear.scatter [tilespmem:s31], [sflag:$0x1], $0x4000, $0x38;
	[tilespmem:$0x18080] =	vst v63  }
0x66: {  	_ =	swait.ge [sflag:s0], $0x4000  }
0x67: {  	[sflag:s0] =	ssyncset.done $0x0  }
0x68: {  	[sflag:s0] =	ssyncadd.s32 $0xFFFFC000  }
0x69: {  	[tilespmem:s31], [sflag:$0x1] =	stream.linear.gather [spmem:s9], $0x4000, $0x38;
	[tilespmem:$0x18080] =	vst v63  }
0x6a: {  	_ =	swait.ge [sflag:s0], $0x4000  }
0x6b: {  	[sflag:s0] =	ssyncset.done $0x0  }
0x6c: {  	[sflag:s0] =	ssyncadd.s32 $0xFFFFC000  }
0x6d: {  	[hbm4b:s14+s20] =	stream.linear.scatter [tilespmem:s31], [sflag:$0x1], $0x4000, $0x38;
	[tilespmem:$0x18080] =	vst v63  }
0x6e: {  	_ =	swait.ge [sflag:s0], $0x4000  }
0x6f: {  	[sflag:s0] =	ssyncset.done $0x0  }
0x70: {  	[sflag:s0] =	ssyncadd.s32 $0xFFFFC000  }
0x71: {  	[tilespmem:s31], [sflag:$0x1] =	stream.linear.gather [spmem:s10], $0x4000, $0x38;
	[tilespmem:$0x18080] =	vst v63  }
0x72: {  	_ =	swait.ge [sflag:s0], $0x4000  }
0x73: {  	[sflag:s0] =	ssyncset.done $0x0  }
0x74: {  	[sflag:s0] =	ssyncadd.s32 $0xFFFFC000  }
0x75: {  	[hbm4b:s15+s20] =	stream.linear.scatter [tilespmem:s31], [sflag:$0x1], $0x4000, $0x38;
	[tilespmem:$0x18080] =	vst v63  }
0x76: {  	_ =	swait.ge [sflag:s0], $0x4000  }
0x77: {  	[sflag:s0] =	ssyncset.done $0x0  }
0x78: {  	[sflag:s0] =	ssyncadd.s32 $0xFFFFC000  }
0x79: {  	[bflag:$0x0] =	sbarrier.arrive $0xFFFF  }
0x7a: {  	[tilespmem:s31], [sflag:$0x1] =	stream.linear.gather [hbm4b:s4+s20], $0x4000, $0x38;
	[tilespmem:$0x18080] =	vst v63  }
0x7b: {  	_ =	swait.ge [sflag:s0], $0x4000  }
0x7c: {  	[sflag:s0] =	ssyncset.done $0x0  }
0x7d: {  	[sflag:s0] =	ssyncadd.s32 $0xFFFFC000  }
0x7e: {  	[spmem:s6] =	stream.linear.scatter [tilespmem:s31], [sflag:$0x1], $0x4000, $0x38;
	[tilespmem:$0x18080] =	vst v63  }
0x7f: {  	_ =	swait.ge [sflag:s0], $0x4000  }
0x80: {  	[sflag:s0] =	ssyncset.done $0x0  }
0x81: {  	[sflag:s0] =	ssyncadd.s32 $0xFFFFC000  }
0x82: {  	[spmem:s7] =	stream.linear.scatter [tilespmem:s31], [sflag:$0x1], $0x4000, $0x38;
	[tilespmem:$0x18080] =	vst v63  }
0x83: {  	_ =	swait.ge [sflag:s0], $0x4000  }
0x84: {  	[sflag:s0] =	ssyncset.done $0x0  }
0x85: {  	[sflag:s0] =	ssyncadd.s32 $0xFFFFC000  }
0x86: {  	[spmem:s8] =	stream.linear.scatter [tilespmem:s31], [sflag:$0x1], $0x4000, $0x38;
	[tilespmem:$0x18080] =	vst v63  }
0x87: {  	_ =	swait.ge [sflag:s0], $0x4000  }
0x88: {  	[sflag:s0] =	ssyncset.done $0x0  }
0x89: {  	[sflag:s0] =	ssyncadd.s32 $0xFFFFC000  }
0x8a: {  	[spmem:s9] =	stream.linear.scatter [tilespmem:s31], [sflag:$0x1], $0x4000, $0x38;
	[tilespmem:$0x18080] =	vst v63  }
0x8b: {  	_ =	swait.ge [sflag:s0], $0x4000  }
0x8c: {  	[sflag:s0] =	ssyncset.done $0x0  }
0x8d: {  	[sflag:s0] =	ssyncadd.s32 $0xFFFFC000  }
0x8e: {  	[spmem:s10] =	stream.linear.scatter [tilespmem:s31], [sflag:$0x1], $0x4000, $0x38;
	[tilespmem:$0x18080] =	vst v63  }
0x8f: {  	_ =	swait.ge [sflag:s0], $0x4000  }
0x90: {  	[sflag:s0] =	ssyncset.done $0x0  }
0x91: {  	[sflag:s0] =	ssyncadd.s32 $0xFFFFC000  }
0x92: {  	[tilespmem:s31], [sflag:$0x1] =	stream.linear.gather [hbm4b:s5+s20], $0x4000, $0x38;
	[tilespmem:$0x18080] =	vst v63  }
0x93: {  	_ =	swait.ge [sflag:s0], $0x4000  }
0x94: {  	[sflag:s0] =	ssyncset.done $0x0  }
0x95: {  	[sflag:s0] =	ssyncadd.s32 $0xFFFFC000  }
0x96: {  	s21 =	sadd.s32 $0x0, s24;
	[bflag:$0x0] =	sbarrier.arrive $0xFFFF  }
0x97: {  	[tilespmem:s2], [sflag:$0x1] =	stream.linear.gather [hbm4b:s21+s3], $0x80, $0x38;
	[tilespmem:$0x18080] =	vst v63  }
0x98: {  	_ =	swait.ge [sflag:s0], $0x80  }
0x99: {  	[sflag:s0] =	ssyncset.done $0x0  }
0x9a: {  	[sflag:s0] =	ssyncadd.s32 $0xFFFFFF80  }
0x9b: {  	[spmem:s1] =	stream.indirect.scatter.add.f32 [tilespmem:s31], [sflag:$0x1], $0x80, s2, s16, $0xb8;
	[tilespmem:$0x18080] =	vst v63  }
0x9c: {  	_ =	swait.ge [sflag:s0], $0x4000  }
0x9d: {  	s19 =	simm.s32 $0x20;
	s18 =	simm.s32 $0x10;
	[sflag:s0] =	ssyncset.done $0x0  }
.LBB2_4:
0x9e: {  	s20 =	sadd.s32 s18, s24  }
0x9f: {  	[sflag:s0] =	ssyncadd.s32 $0xFFFFC000;
	s18 =	smov.u32 s19;
	s21 =	sadd.s32 $0x10, s19  }
0xa0: {  	[tilespmem:s2], [sflag:$0x1] =	stream.linear.gather [hbm4b:s20+s3], $0x80, $0x38;
	[tilespmem:$0x18080] =	vst v63  }
0xa1: {  	p0 =	sne.s32 s19, $0x4E0;
	_ =	swait.ge [sflag:s0], $0x80  }
.Ltmp1:
0xa2: {  	[sflag:s0] =	ssyncset.done $0x0;
	(pc) =	sbr.rel @p0 .LBB2_4-.Ltmp1, $4  }
0xa3: {  	[sflag:s0] =	ssyncadd.s32 $0xFFFFFF80  }
0xa4: {  	[spmem:s1] =	stream.indirect.scatter.add.f32 [tilespmem:s31], [sflag:$0x1], $0x80, s2, s16, $0xb8;
	[tilespmem:$0x18080] =	vst v63  }
0xa5: {  	_ =	swait.ge [sflag:s0], $0x4000  }
0xa6: {  	s19 =	smov.u32 s21;
	[sflag:s0] =	ssyncset.done $0x0  }
0xa7: {  	s18 =	sadd.s32 s18, s24;
	[sflag:s0] =	ssyncadd.s32 $0xFFFFC000  }
0xa8: {  	[tilespmem:s2], [sflag:$0x1] =	stream.linear.gather [hbm4b:s18+s3], $0x80, $0x38;
	[tilespmem:$0x18080] =	vst v63  }
0xa9: {  	_ =	swait.ge [sflag:s0], $0x80  }
0xaa: {  	[sflag:s0] =	ssyncset.done $0x0  }
0xab: {  	[sflag:s0] =	ssyncadd.s32 $0xFFFFFF80  }
0xac: {  	[spmem:s1] =	stream.indirect.scatter.add.f32 [tilespmem:s31], [sflag:$0x1], $0x80, s2, s16, $0xb8;
	[tilespmem:$0x18080] =	vst v63  }
0xad: {  	_ =	swait.ge [sflag:s0], $0x4000  }
0xae: {  	[sflag:s0] =	ssyncset.done $0x0  }
0xaf: {  	[sflag:s0] =	ssyncadd.s32 $0xFFFFC000  }
0xb0: {  	[bflag:$0x0] =	sbarrier.arrive $0xFFFF  }
0xb1: {  	[tilespmem:s31], [sflag:$0x1] =	stream.linear.gather [spmem:s6], $0x4000, $0x38;
	[tilespmem:$0x18080] =	vst v63  }
0xb2: {  	_ =	swait.ge [sflag:s0], $0x4000  }
0xb3: {  	[sflag:s0] =	ssyncset.done $0x0  }
0xb4: {  	s18 =	simm.s32 $0x0;
	s19 =	rddreg [dreg:$0x3];
	[sflag:s0] =	ssyncadd.s32 $0xFFFFC000  }
0xb5: {  	[hbm4b:s19+s18] =	stream.linear.scatter [tilespmem:s31], [sflag:$0x1], $0x4000, $0x38;
	[tilespmem:$0x18080] =	vst v63  }
0xb6: {  	_ =	swait.ge [sflag:s0], $0x4000  }
0xb7: {  	[sflag:s0] =	ssyncset.done $0x0  }
0xb8: {  	[sflag:s0] =	ssyncadd.s32 $0xFFFFC000  }
0xb9: {  	[tilespmem:s31], [sflag:$0x1] =	stream.linear.gather [spmem:s7], $0x4000, $0x38;
	[tilespmem:$0x18080] =	vst v63  }
0xba: {  	_ =	swait.ge [sflag:s0], $0x4000  }
0xbb: {  	[sflag:s0] =	ssyncset.done $0x0  }
0xbc: {  	s21 =	rddreg [dreg:$0x4];
	[sflag:s0] =	ssyncadd.s32 $0xFFFFC000  }
0xbd: {  	[hbm4b:s21+s18] =	stream.linear.scatter [tilespmem:s31], [sflag:$0x1], $0x4000, $0x38;
	[tilespmem:$0x18080] =	vst v63  }
0xbe: {  	_ =	swait.ge [sflag:s0], $0x4000  }
0xbf: {  	[sflag:s0] =	ssyncset.done $0x0  }
0xc0: {  	[sflag:s0] =	ssyncadd.s32 $0xFFFFC000  }
0xc1: {  	[tilespmem:s31], [sflag:$0x1] =	stream.linear.gather [spmem:s8], $0x4000, $0x38;
	[tilespmem:$0x18080] =	vst v63  }
0xc2: {  	_ =	swait.ge [sflag:s0], $0x4000  }
0xc3: {  	[sflag:s0] =	ssyncset.done $0x0  }
0xc4: {  	s20 =	rddreg [dreg:$0x5];
	[sflag:s0] =	ssyncadd.s32 $0xFFFFC000  }
0xc5: {  	[hbm4b:s20+s18] =	stream.linear.scatter [tilespmem:s31], [sflag:$0x1], $0x4000, $0x38;
	[tilespmem:$0x18080] =	vst v63  }
0xc6: {  	_ =	swait.ge [sflag:s0], $0x4000  }
0xc7: {  	[sflag:s0] =	ssyncset.done $0x0  }
0xc8: {  	[sflag:s0] =	ssyncadd.s32 $0xFFFFC000  }
0xc9: {  	[tilespmem:s31], [sflag:$0x1] =	stream.linear.gather [spmem:s9], $0x4000, $0x38;
	[tilespmem:$0x18080] =	vst v63  }
0xca: {  	_ =	swait.ge [sflag:s0], $0x4000  }
0xcb: {  	[sflag:s0] =	ssyncset.done $0x0  }
0xcc: {  	s21 =	rddreg [dreg:$0x6];
	[sflag:s0] =	ssyncadd.s32 $0xFFFFC000  }
0xcd: {  	[hbm4b:s21+s18] =	stream.linear.scatter [tilespmem:s31], [sflag:$0x1], $0x4000, $0x38;
	[tilespmem:$0x18080] =	vst v63  }
0xce: {  	_ =	swait.ge [sflag:s0], $0x4000  }
0xcf: {  	[sflag:s0] =	ssyncset.done $0x0  }
0xd0: {  	[sflag:s0] =	ssyncadd.s32 $0xFFFFC000  }
0xd1: {  	[tilespmem:s31], [sflag:$0x1] =	stream.linear.gather [spmem:s10], $0x4000, $0x38;
	[tilespmem:$0x18080] =	vst v63  }
0xd2: {  	_ =	swait.ge [sflag:s0], $0x4000  }
0xd3: {  	[sflag:s0] =	ssyncset.done $0x0  }
0xd4: {  	s20 =	rddreg [dreg:$0x7];
	[sflag:s0] =	ssyncadd.s32 $0xFFFFC000  }
0xd5: {  	[hbm4b:s20+s18] =	stream.linear.scatter [tilespmem:s31], [sflag:$0x1], $0x4000, $0x38;
	[tilespmem:$0x18080] =	vst v63  }
0xd6: {  	_ =	swait.ge [sflag:s0], $0x4000  }
0xd7: {  	[sflag:s0] =	ssyncset.done $0x0  }
0xd8: {  	[sflag:s0] =	ssyncadd.s32 $0xFFFFC000  }
0xd9: {  	[bflag:$0x0] =	sbarrier.arrive $0xFFFF  }
0xda: {  	[tilespmem:s31], [sflag:$0x1] =	stream.linear.gather [hbm4b:s4+s18], $0x4000, $0x38;
	[tilespmem:$0x18080] =	vst v63  }
0xdb: {  	_ =	swait.ge [sflag:s0], $0x4000  }
0xdc: {  	[sflag:s0] =	ssyncset.done $0x0  }
0xdd: {  	[sflag:s0] =	ssyncadd.s32 $0xFFFFC000  }
0xde: {  	[spmem:s6] =	stream.linear.scatter [tilespmem:s31], [sflag:$0x1], $0x4000, $0x38;
	[tilespmem:$0x18080] =	vst v63  }
0xdf: {  	_ =	swait.ge [sflag:s0], $0x4000  }
0xe0: {  	[sflag:s0] =	ssyncset.done $0x0  }
0xe1: {  	[sflag:s0] =	ssyncadd.s32 $0xFFFFC000  }
0xe2: {  	[spmem:s7] =	stream.linear.scatter [tilespmem:s31], [sflag:$0x1], $0x4000, $0x38;
	[tilespmem:$0x18080] =	vst v63  }
0xe3: {  	_ =	swait.ge [sflag:s0], $0x4000  }
0xe4: {  	[sflag:s0] =	ssyncset.done $0x0  }
0xe5: {  	[sflag:s0] =	ssyncadd.s32 $0xFFFFC000  }
0xe6: {  	[spmem:s8] =	stream.linear.scatter [tilespmem:s31], [sflag:$0x1], $0x4000, $0x38;
	[tilespmem:$0x18080] =	vst v63  }
0xe7: {  	_ =	swait.ge [sflag:s0], $0x4000  }
0xe8: {  	[sflag:s0] =	ssyncset.done $0x0  }
0xe9: {  	[sflag:s0] =	ssyncadd.s32 $0xFFFFC000  }
0xea: {  	[spmem:s9] =	stream.linear.scatter [tilespmem:s31], [sflag:$0x1], $0x4000, $0x38;
	[tilespmem:$0x18080] =	vst v63  }
0xeb: {  	_ =	swait.ge [sflag:s0], $0x4000  }
0xec: {  	[sflag:s0] =	ssyncset.done $0x0  }
0xed: {  	[sflag:s0] =	ssyncadd.s32 $0xFFFFC000  }
0xee: {  	[spmem:s10] =	stream.linear.scatter [tilespmem:s31], [sflag:$0x1], $0x4000, $0x38;
	[tilespmem:$0x18080] =	vst v63  }
0xef: {  	_ =	swait.ge [sflag:s0], $0x4000  }
0xf0: {  	[sflag:s0] =	ssyncset.done $0x0  }
0xf1: {  	[sflag:s0] =	ssyncadd.s32 $0xFFFFC000  }
0xf2: {  	[tilespmem:s31], [sflag:$0x1] =	stream.linear.gather [hbm4b:s5+s18], $0x4000, $0x38;
	[tilespmem:$0x18080] =	vst v63  }
0xf3: {  	_ =	swait.ge [sflag:s0], $0x4000  }
0xf4: {  	[sflag:s0] =	ssyncset.done $0x0  }
0xf5: {  	[sflag:s0] =	ssyncadd.s32 $0xFFFFC000  }
0xf6: {  	s21 =	sadd.s32 $0x0, s25;
	[bflag:$0x0] =	sbarrier.arrive $0xFFFF  }
0xf7: {  	[tilespmem:s2], [sflag:$0x1] =	stream.linear.gather [hbm4b:s21+s3], $0x80, $0x38;
	[tilespmem:$0x18080] =	vst v63  }
0xf8: {  	_ =	swait.ge [sflag:s0], $0x80  }
0xf9: {  	[sflag:s0] =	ssyncset.done $0x0  }
0xfa: {  	[sflag:s0] =	ssyncadd.s32 $0xFFFFFF80  }
0xfb: {  	[spmem:s1] =	stream.indirect.scatter.add.f32 [tilespmem:s31], [sflag:$0x1], $0x80, s2, s16, $0xb8;
	[tilespmem:$0x18080] =	vst v63  }
0xfc: {  	_ =	swait.ge [sflag:s0], $0x4000  }
0xfd: {  	s19 =	simm.s32 $0x20;
	s18 =	simm.s32 $0x10;
	[sflag:s0] =	ssyncset.done $0x0  }
.LBB2_6:
0xfe: {  	s20 =	sadd.s32 s18, s25  }
0xff: {  	[sflag:s0] =	ssyncadd.s32 $0xFFFFC000;
	s18 =	smov.u32 s19;
	s21 =	sadd.s32 $0x10, s19  }
0x100: {  	[tilespmem:s2], [sflag:$0x1] =	stream.linear.gather [hbm4b:s20+s3], $0x80, $0x38;
	[tilespmem:$0x18080] =	vst v63  }
0x101: {  	p0 =	sne.s32 s19, $0x4E0;
	_ =	swait.ge [sflag:s0], $0x80  }
.Ltmp2:
0x102: {  	[sflag:s0] =	ssyncset.done $0x0;
	(pc) =	sbr.rel @p0 .LBB2_6-.Ltmp2, $4  }
0x103: {  	[sflag:s0] =	ssyncadd.s32 $0xFFFFFF80  }
0x104: {  	[spmem:s1] =	stream.indirect.scatter.add.f32 [tilespmem:s31], [sflag:$0x1], $0x80, s2, s16, $0xb8;
	[tilespmem:$0x18080] =	vst v63  }
0x105: {  	_ =	swait.ge [sflag:s0], $0x4000  }
0x106: {  	s19 =	smov.u32 s21;
	[sflag:s0] =	ssyncset.done $0x0  }
0x107: {  	s18 =	sadd.s32 s18, s25;
	[sflag:s0] =	ssyncadd.s32 $0xFFFFC000  }
0x108: {  	[tilespmem:s2], [sflag:$0x1] =	stream.linear.gather [hbm4b:s18+s3], $0x80, $0x38;
	[tilespmem:$0x18080] =	vst v63  }
0x109: {  	_ =	swait.ge [sflag:s0], $0x80  }
0x10a: {  	[sflag:s0] =	ssyncset.done $0x0  }
0x10b: {  	[sflag:s0] =	ssyncadd.s32 $0xFFFFFF80  }
0x10c: {  	[spmem:s1] =	stream.indirect.scatter.add.f32 [tilespmem:s31], [sflag:$0x1], $0x80, s2, s16, $0xb8;
	[tilespmem:$0x18080] =	vst v63  }
0x10d: {  	_ =	swait.ge [sflag:s0], $0x4000  }
0x10e: {  	[sflag:s0] =	ssyncset.done $0x0  }
0x10f: {  	[sflag:s0] =	ssyncadd.s32 $0xFFFFC000  }
0x110: {  	[bflag:$0x0] =	sbarrier.arrive $0xFFFF  }
0x111: {  	[tilespmem:s31], [sflag:$0x1] =	stream.linear.gather [spmem:s6], $0x4000, $0x38;
	[tilespmem:$0x18080] =	vst v63  }
0x112: {  	_ =	swait.ge [sflag:s0], $0x4000  }
0x113: {  	[sflag:s0] =	ssyncset.done $0x0  }
0x114: {  	s21 =	rddreg [dreg:$0x8];
	[sflag:s0] =	ssyncadd.s32 $0xFFFFC000  }
0x115: {  	[hbm4b:s21+s3] =	stream.linear.scatter [tilespmem:s31], [sflag:$0x1], $0x4000, $0x38;
	[tilespmem:$0x18080] =	vst v63  }
0x116: {  	_ =	swait.ge [sflag:s0], $0x4000  }
0x117: {  	[sflag:s0] =	ssyncset.done $0x0  }
0x118: {  	[sflag:s0] =	ssyncadd.s32 $0xFFFFC000  }
0x119: {  	[tilespmem:s31], [sflag:$0x1] =	stream.linear.gather [spmem:s7], $0x4000, $0x38;
	[tilespmem:$0x18080] =	vst v63  }
0x11a: {  	_ =	swait.ge [sflag:s0], $0x4000  }
0x11b: {  	[sflag:s0] =	ssyncset.done $0x0  }
0x11c: {  	[sflag:s0] =	ssyncadd.s32 $0xFFFFC000  }
0x11d: {  	[hbm4b:s26+s3] =	stream.linear.scatter [tilespmem:s31], [sflag:$0x1], $0x4000, $0x38;
	[tilespmem:$0x18080] =	vst v63  }
0x11e: {  	_ =	swait.ge [sflag:s0], $0x4000  }
0x11f: {  	[sflag:s0] =	ssyncset.done $0x0  }
0x120: {  	[sflag:s0] =	ssyncadd.s32 $0xFFFFC000  }
0x121: {  	[tilespmem:s31], [sflag:$0x1] =	stream.linear.gather [spmem:s8], $0x4000, $0x38;
	[tilespmem:$0x18080] =	vst v63  }
0x122: {  	_ =	swait.ge [sflag:s0], $0x4000  }
0x123: {  	[sflag:s0] =	ssyncset.done $0x0  }
0x124: {  	[sflag:s0] =	ssyncadd.s32 $0xFFFFC000  }
0x125: {  	[hbm4b:s28+s3] =	stream.linear.scatter [tilespmem:s31], [sflag:$0x1], $0x4000, $0x38;
	[tilespmem:$0x18080] =	vst v63  }
0x126: {  	_ =	swait.ge [sflag:s0], $0x4000  }
0x127: {  	[sflag:s0] =	ssyncset.done $0x0  }
0x128: {  	[sflag:s0] =	ssyncadd.s32 $0xFFFFC000  }
0x129: {  	[tilespmem:s31], [sflag:$0x1] =	stream.linear.gather [spmem:s9], $0x4000, $0x38;
	[tilespmem:$0x18080] =	vst v63  }
0x12a: {  	_ =	swait.ge [sflag:s0], $0x4000  }
0x12b: {  	[sflag:s0] =	ssyncset.done $0x0  }
0x12c: {  	[sflag:s0] =	ssyncadd.s32 $0xFFFFC000  }
0x12d: {  	[hbm4b:s29+s3] =	stream.linear.scatter [tilespmem:s31], [sflag:$0x1], $0x4000, $0x38;
	[tilespmem:$0x18080] =	vst v63  }
0x12e: {  	_ =	swait.ge [sflag:s0], $0x4000  }
0x12f: {  	[sflag:s0] =	ssyncset.done $0x0  }
0x130: {  	[sflag:s0] =	ssyncadd.s32 $0xFFFFC000  }
0x131: {  	[tilespmem:s31], [sflag:$0x1] =	stream.linear.gather [spmem:s10], $0x4000, $0x38;
	[tilespmem:$0x18080] =	vst v63  }
0x132: {  	_ =	swait.ge [sflag:s0], $0x4000  }
0x133: {  	s17 =	sadd.s32 $0x1, s17;
	[sflag:s0] =	ssyncset.done $0x0  }
0x134: {  	p0 =	sne.s32 s17, s22;
	[sflag:s0] =	ssyncadd.s32 $0xFFFFC000  }
0x135: {  	[hbm4b:s30+s3] =	stream.linear.scatter [tilespmem:s31], [sflag:$0x1], $0x4000, $0x38;
	[tilespmem:$0x18080] =	vst v63  }
.Ltmp3:
0x136: {  	_ =	swait.ge [sflag:s0], $0x4000;
	(pc) =	sbr.rel @p0 .LBB2_1-.Ltmp3, $3  }
0x137: {  	[sflag:s0] =	ssyncset.done $0x0  }
0x138: {  	[sflag:s0] =	ssyncadd.s32 $0xFFFFC000  }
0x139: {  	[bflag:$0x0] =	sbarrier.arrive $0xFFFF;
	_ =	sdelay $0x1  }
0x13a: {  	_ =	sfence.sel $0x180000  }
0x13b: {  	[bflag:$0x0] =	sbarrier.arrive $0xFFFF  }
0x13c: {  	_ =	strace $0x9000004A  }
0x13d: {  	s0 =	stileid.u32;
	[bflag:$0x2] =	sbarrier.arrive $0xFFFF  }
0x13e: {  	p0 =	sne.s32 s0, $0x0;
	s0 =	rddreg [dreg:$0x2]  }
0x13f: {  	s0 =	sadd.s32 @!p0 $0x100000, s0  }
0x140: {  	[sflag:s0] =	ssyncadd.tile.s32 @!p0 $0x1;
	_ =	shalt  }
.Lfunc_end2:
_tile_overlayer_lowered:
.L_overlay_start_2:
0x141: {  	(tag) =	ssettag $0x2  }
0x142: {  	s0 =	rddreg [dreg:$0x0];
	s2 =	stileid.u32  }
0x143: {  	s1 =	rddreg [dreg:$0x1];
	p0 =	sne.s32 s2, $0x0  }
0x144: {  	s3 =	rddreg [dreg:$0x2];
	[bflag:$0x3] =	sbarrier.arrive $0xFFFF;
	s2 =	simm.s32 @!p0 $0x1C01  }
0x145: {  	[timem:s3], [sflag:s2] =	dma.local @!p0 [hbm:s0], s1  }
0x146: {  	s0 =	simm.s32 @!p0 $0x1  }
0x147: {  	_ =	swait.ge @!p0 [sflag:s0], s1  }
0x148: {  	s1 =	ssub.s32 @!p0 $0x0, s1;
	[sflag:s0] =	ssyncset.done @!p0 $0x0  }
0x149: {  	[sflag:s0] =	ssyncadd.s32 @!p0 s1  }
0x14a: {  	[bflag:$0x3] =	sbarrier.arrive $0xFFFF  }
0x14b: {  	_ =	shalt  }

</sc_bundles>
